<compile_context>
chip_gen: v7x
topology: tpu7x:2x2x1
jax: 0.10.2.dev20260603
libtpu: 0.0.44.dev20260713+nightly
codegen_flags: <defaults>
</compile_context>

<pallas_src>
import functools
import math

import jax
import jax.numpy as jnp
from jax.experimental import pallas as pl
from jax.experimental.pallas import tpu as pltpu
from jax.experimental.pallas import tpu_sc as plsc

HEADS = 12
TOPN = 2
CAPF = 1.25
NEG = -1e9



def _embed(x, emb, pos_emb):
    T = x.shape[0]
    D = emb.shape[1]
    info = plsc.get_sparse_core_info()
    NC = info.num_cores
    NW = NC * info.num_subcores
    bw = T // NW
    mesh = plsc.VectorSubcoreMesh(core_axis_name="c", subcore_axis_name="s")

    @functools.partial(
        pl.kernel, mesh=mesh,
        out_type=jax.ShapeDtypeStruct((T, D), jnp.float32),
        scratch_types=[
            pltpu.VMEM((bw,), jnp.int32),
            pltpu.VMEM((bw, D), jnp.float32),
            pltpu.SemaphoreType.DMA,
        ],
    )
    def gather_k(idx_hbm, table_hbm, out_hbm, idx_v, rows_v, sem):
        wid = jax.lax.axis_index("s") * NC + jax.lax.axis_index("c")
        base = wid * bw
        pltpu.sync_copy(idx_hbm.at[pl.ds(base, bw)], idx_v)
        pltpu.async_copy(table_hbm.at[idx_v], rows_v, sem).wait()
        pltpu.sync_copy(rows_v, out_hbm.at[pl.ds(base, bw)])

    rows = gather_k(x, emb)

    def add_k(a_ref, b_ref, o_ref):
        o_ref[...] = a_ref[...] + b_ref[...]

    return pl.pallas_call(
        add_k, out_shape=jax.ShapeDtypeStruct((T, D), jnp.float32),
    )(rows, pos_emb)



def _qkv_proj(x, w, b):
    T, D = x.shape
    G = 3 * HEADS
    dh = w.shape[0] // G

    def kern(x_ref, w_ref, b_ref, o_ref):
        o_ref[0] = jax.lax.dot_general(
            x_ref[...], w_ref[0], (((1,), (1,)), ((), ())),
            preferred_element_type=jnp.float32) + b_ref[0]

    return pl.pallas_call(
        kern,
        grid=(G,),
        in_specs=[
            pl.BlockSpec((T, D), lambda g: (0, 0)),
            pl.BlockSpec((1, dh, D), lambda g: (g, 0, 0)),
            pl.BlockSpec((1, 1, dh), lambda g: (g, 0, 0)),
        ],
        out_specs=pl.BlockSpec((1, T, dh), lambda g: (g, 0, 0)),
        out_shape=jax.ShapeDtypeStruct((G, T, dh), jnp.float32),
    )(x, w.reshape(G, dh, D), b.reshape(G, 1, dh))



def _attention(qkv, T, D):
    dh = D // HEADS
    scale = 1.0 / math.sqrt(float(dh))
    BQ = min(256, T)
    nq = T // BQ

    def kern(q_ref, k_ref, v_ref, o_ref):
        for iq in range(nq):
            Lk = (iq + 1) * BQ
            q = q_ref[:, iq * BQ:(iq + 1) * BQ, :][0]
            k = k_ref[0, :Lk]
            v = v_ref[0, :Lk]
            s = jax.lax.dot_general(
                q, k, (((1,), (1,)), ((), ())),
                preferred_element_type=jnp.float32) * scale
            row = iq * BQ + jax.lax.broadcasted_iota(jnp.int32, (BQ, Lk), 0)
            col = jax.lax.broadcasted_iota(jnp.int32, (BQ, Lk), 1)
            s = jnp.where(col > row, NEG, s)
            s = s - jnp.max(s, axis=1, keepdims=True)
            p = jnp.exp(s)
            inv = 1.0 / jnp.sum(p, axis=1, keepdims=True)
            o = jnp.dot(p, v, preferred_element_type=jnp.float32)
            o_ref[0, iq * BQ:(iq + 1) * BQ] = o * inv

    out = pl.pallas_call(
        kern,
        grid=(HEADS,),
        in_specs=[
            pl.BlockSpec((1, T, dh), lambda h: (h, 0, 0)),
            pl.BlockSpec((1, T, dh), lambda h: (HEADS + h, 0, 0)),
            pl.BlockSpec((1, T, dh), lambda h: (2 * HEADS + h, 0, 0)),
        ],
        out_specs=pl.BlockSpec((1, T, dh), lambda h: (h, 0, 0)),
        out_shape=jax.ShapeDtypeStruct((HEADS, T, dh), jnp.float32),
    )(qkv, qkv, qkv)
    return out



def _outproj_ln(a, w, b, res, g, beta):
    H, T, dh = a.shape
    D = H * dh
    wt = w.T.reshape(H, dh, D)

    def kern(a_ref, w_ref, b_ref, r_ref, g_ref, bb_ref, o_ref):
        h = pl.program_id(0)

        @pl.when(h == 0)
        def _():
            o_ref[...] = jnp.zeros_like(o_ref)

        o_ref[...] += jnp.dot(a_ref[0], w_ref[0],
                              preferred_element_type=jnp.float32)

        @pl.when(h == H - 1)
        def _():
            y = o_ref[...] + b_ref[...] + r_ref[...]
            mu = jnp.mean(y, axis=1, keepdims=True)
            var = jnp.mean((y - mu) ** 2, axis=1, keepdims=True)
            o_ref[...] = ((y - mu) / jnp.sqrt(var + 1e-5)
                          * g_ref[...] + bb_ref[...])

    return pl.pallas_call(
        kern,
        grid=(H,),
        in_specs=[
            pl.BlockSpec((1, T, dh), lambda h: (h, 0, 0)),
            pl.BlockSpec((1, dh, D), lambda h: (h, 0, 0)),
            pl.BlockSpec((1, D), lambda h: (0, 0)),
            pl.BlockSpec((T, D), lambda h: (0, 0)),
            pl.BlockSpec((1, D), lambda h: (0, 0)),
            pl.BlockSpec((1, D), lambda h: (0, 0)),
        ],
        out_specs=pl.BlockSpec((T, D), lambda h: (0, 0)),
        out_shape=jax.ShapeDtypeStruct((T, D), jnp.float32),
    )(a, wt, b.reshape(1, D), res, g.reshape(1, D), beta.reshape(1, D))



def _router(h, rw):
    T, D = h.shape
    E = rw.shape[1]
    BT = min(512, T)
    nb = T // BT

    Cap = int(T * CAPF * TOPN / E)

    def kern(h_ref, rw_ref, i0_ref, i1_ref, p0_ref, p1_ref,
             g0_ref, g1_ref, s0_ref, s1_ref, c0_ref, c1_ref,
             aux_ref, pos_ref):
        logits = jnp.dot(h_ref[...], rw_ref[...],
                         preferred_element_type=jnp.float32)
        mx = jnp.max(logits, axis=1, keepdims=True)
        ex = jnp.exp(logits - mx)
        sx = jnp.sum(ex, axis=1, keepdims=True)
        probs = ex / sx
        lane = jax.lax.broadcasted_iota(jnp.int32, (T, E), 1)
        v0 = jnp.max(probs, axis=1, keepdims=True)
        i0 = jnp.min(jnp.where(probs == v0, lane, E), axis=1, keepdims=True)
        probs1 = jnp.where(lane == i0, -1.0, probs)
        v1 = jnp.max(probs1, axis=1, keepdims=True)
        i1 = jnp.min(jnp.where(probs1 == v1, lane, E), axis=1, keepdims=True)
        gs = v0 + v1
        m0 = (lane == i0).astype(jnp.float32)
        m1 = (lane == i1).astype(jnp.float32)
        m01 = jnp.concatenate([m0, m1], axis=1)

        def body(i, carry):
            r = i * BT + jax.lax.broadcasted_iota(jnp.int32, (BT, T), 0)
            c = jax.lax.broadcasted_iota(jnp.int32, (BT, T), 1)
            chunk = (c < r).astype(jnp.float32)
            blk = jnp.dot(chunk, m01, preferred_element_type=jnp.float32)
            pos_ref[pl.ds(i * BT, BT), :] = blk
            return carry

        jax.lax.fori_loop(0, nb, body, 0)
        pos01 = pos_ref[...]
        pos0 = pos01[:, :E]
        cnt0 = jnp.sum(m0, axis=0, keepdims=True)
        pos1 = pos01[:, E:] + cnt0
        p0 = jnp.sum(pos0 * m0, axis=1, keepdims=True)
        p1 = jnp.sum(pos1 * m1, axis=1, keepdims=True)

        i0_ref[...] = i0.astype(jnp.float32)
        i1_ref[...] = i1.astype(jnp.float32)
        p0_ref[...] = p0
        p1_ref[...] = p1
        g0_ref[...] = v0 / gs
        g1_ref[...] = v1 / gs

        p0i = p0.astype(jnp.int32)
        p1i = p1.astype(jnp.int32)
        sl0 = i0 * Cap + p0i
        sl1 = i1 * Cap + p1i
        s0_ref[...] = jnp.where(p0i < Cap, sl0, E * Cap)
        s1_ref[...] = jnp.where(p1i < Cap, sl1, E * Cap)
        c0_ref[...] = jnp.where(p0i < Cap, sl0, 0)
        c1_ref[...] = jnp.where(p1i < Cap, sl1, 0)

        me = jnp.mean(probs, axis=0, keepdims=True)
        ce = jnp.mean(m0, axis=0, keepdims=True)
        balance = E * jnp.sum(me * ce)
        lse = mx + jnp.log(sx)
        z = jnp.mean(lse * lse)
        aux_ref[...] = jnp.reshape(0.01 * balance + 0.001 * z, (1, 1))

    col = jax.ShapeDtypeStruct((T, 1), jnp.float32)
    icol = jax.ShapeDtypeStruct((T, 1), jnp.int32)
    return pl.pallas_call(
        kern,
        out_shape=(col, col, col, col, col, col, icol, icol, icol, icol,
                   jax.ShapeDtypeStruct((1, 1), jnp.float32)),
        scratch_shapes=[pltpu.VMEM((T, 2 * E), jnp.float32)],
    )(h, rw)



def _dispatch_sc(h, scat):
    T, D = h.shape
    P = scat.shape[0]
    info = plsc.get_sparse_core_info()
    NC = info.num_cores
    NW = NC * info.num_subcores
    PB = P // NW
    mesh = plsc.VectorSubcoreMesh(core_axis_name="c", subcore_axis_name="s")

    @functools.partial(
        pl.kernel, mesh=mesh,
        out_type=jax.ShapeDtypeStruct((int(T * CAPF * TOPN) + 8, D),
                                      jnp.float32),
        scratch_types=[
            pltpu.VMEM((PB,), jnp.int32),
            pltpu.VMEM((PB, D), jnp.float32),
            pltpu.SemaphoreType.DMA,
        ],
    )
    def k(scat_hbm, h_hbm, ein_hbm, idx_v, rows_v, sem):
        wid = jax.lax.axis_index("s") * NC + jax.lax.axis_index("c")
        base = wid * PB
        tbase = jax.lax.rem(base, T)
        pltpu.sync_copy(scat_hbm.at[pl.ds(base, PB)], idx_v)
        pltpu.sync_copy(h_hbm.at[pl.ds(tbase, PB)], rows_v)
        pltpu.async_copy(rows_v, ein_hbm.at[idx_v], sem).wait()

    return k(scat, h)


def _combine_sc(eout, comb):
    N, D = eout.shape
    P = comb.shape[0]
    info = plsc.get_sparse_core_info()
    NC = info.num_cores
    NW = NC * info.num_subcores
    PB = P // NW
    mesh = plsc.VectorSubcoreMesh(core_axis_name="c", subcore_axis_name="s")

    @functools.partial(
        pl.kernel, mesh=mesh,
        out_type=jax.ShapeDtypeStruct((P, D), jnp.float32),
        scratch_types=[
            pltpu.VMEM((PB,), jnp.int32),
            pltpu.VMEM((PB, D), jnp.float32),
            pltpu.SemaphoreType.DMA,
        ],
    )
    def k(comb_hbm, eout_hbm, r_hbm, idx_v, rows_v, sem):
        wid = jax.lax.axis_index("s") * NC + jax.lax.axis_index("c")
        base = wid * PB
        pltpu.sync_copy(comb_hbm.at[pl.ds(base, PB)], idx_v)
        pltpu.async_copy(eout_hbm.at[idx_v], rows_v, sem).wait()
        pltpu.sync_copy(rows_v, r_hbm.at[pl.ds(base, PB)])

    return k(comb, eout)


def _experts(ein, w1, b1, w2, b2):
    E, _, DFF = w1.shape
    D = ein.shape[1]
    Cap = (ein.shape[0] - 8) // E
    NJ = max(1, DFF // 1024)
    Fb = DFF // NJ

    def kern(ein_ref, w1_ref, b1_ref, w2_ref, b2_ref, o_ref, eout_ref):
        j = pl.program_id(1)

        @pl.when(j == 0)
        def _():
            eout_ref[...] = jnp.zeros_like(eout_ref)

        mid = jax.nn.gelu(
            jnp.dot(ein_ref[...], w1_ref[0],
                    preferred_element_type=jnp.float32) + b1_ref[0])
        eout_ref[...] += jnp.dot(mid, w2_ref[0],
                                 preferred_element_type=jnp.float32)

        @pl.when(j == NJ - 1)
        def _():
            o_ref[...] = eout_ref[...] + b2_ref[0]

    return pl.pallas_call(
        kern,
        grid=(E, NJ),
        in_specs=[
            pl.BlockSpec((Cap, D), lambda e, j: (e, 0)),
            pl.BlockSpec((1, D, Fb), lambda e, j: (e, 0, j)),
            pl.BlockSpec((1, 1, Fb), lambda e, j: (e, 0, j)),
            pl.BlockSpec((1, Fb, D), lambda e, j: (e, j, 0)),
            pl.BlockSpec((1, 1, D), lambda e, j: (e, 0, 0)),
        ],
        out_specs=pl.BlockSpec((Cap, D), lambda e, j: (e, 0)),
        out_shape=jax.ShapeDtypeStruct((E * Cap, D), jnp.float32),
        scratch_shapes=[pltpu.VMEM((Cap, D), jnp.float32)],
    )(ein, w1, b1.reshape(E, 1, DFF), w2, b2.reshape(E, 1, D))


def _combine_ln(h, r, g0, g1, p0, p1, g2, beta2):
    T, D = h.shape
    Cap = int(T * CAPF * TOPN / 8)

    def kern(h_ref, r0_ref, r1_ref, g0_ref, g1_ref, p0_ref, p1_ref,
             g_ref, bb_ref, o_ref):
        y0 = jnp.where(p0_ref[...] < float(Cap), g0_ref[...] * r0_ref[...], 0.0)
        y1 = jnp.where(p1_ref[...] < float(Cap), g1_ref[...] * r1_ref[...], 0.0)
        y = h_ref[...] + y0 + y1
        mu = jnp.mean(y, axis=1, keepdims=True)
        var = jnp.mean((y - mu) ** 2, axis=1, keepdims=True)
        o_ref[...] = ((y - mu) / jnp.sqrt(var + 1e-5)
                      * g_ref[...] + bb_ref[...])

    return pl.pallas_call(
        kern,
        grid=(1,),
        in_specs=[
            pl.BlockSpec((T, D), lambda i: (0, 0)),
            pl.BlockSpec((T, D), lambda i: (0, 0)),
            pl.BlockSpec((T, D), lambda i: (1, 0)),
            pl.BlockSpec((T, 1), lambda i: (0, 0)),
            pl.BlockSpec((T, 1), lambda i: (0, 0)),
            pl.BlockSpec((T, 1), lambda i: (0, 0)),
            pl.BlockSpec((T, 1), lambda i: (0, 0)),
            pl.BlockSpec((1, D), lambda i: (0, 0)),
            pl.BlockSpec((1, D), lambda i: (0, 0)),
        ],
        out_specs=pl.BlockSpec((T, D), lambda i: (0, 0)),
        out_shape=jax.ShapeDtypeStruct((T, D), jnp.float32),
    )(h, r, r, g0, g1, p0, p1, g2.reshape(1, D), beta2.reshape(1, D))



def _head(h, w, b):
    T, D = h.shape
    V = w.shape[0]
    BV = min(1024, V)
    nv = V // BV

    def kern(h_ref, w_ref, b_ref, o_ref):
        o_ref[...] = jax.lax.dot_general(
            h_ref[...], w_ref[...], (((1,), (1,)), ((), ())),
            preferred_element_type=jnp.float32) + b_ref[...]

    return pl.pallas_call(
        kern,
        grid=(nv,),
        in_specs=[
            pl.BlockSpec((T, D), lambda i: (0, 0)),
            pl.BlockSpec((BV, D), lambda i: (i, 0)),
            pl.BlockSpec((1, BV), lambda i: (0, i)),
        ],
        out_specs=pl.BlockSpec((T, BV), lambda i: (0, i)),
        out_shape=jax.ShapeDtypeStruct((T, V), jnp.float32),
    )(h, w, b.reshape(1, V))



def kernel(x, emb, pos_emb, attn_in_w, attn_in_b, attn_out_w, attn_out_b,
           ln1_g, ln1_b, ln2_g, ln2_b, router_w, w1, b1, w2, b2,
           head_w, head_b):
    Bq, T = x.shape
    D = emb.shape[1]
    L = attn_in_w.shape[0]

    xf = x.reshape(T).astype(jnp.int32)
    h = _embed(xf, emb, pos_emb[:T])

    total_aux = jnp.zeros((), jnp.float32)
    for i in range(L):
        qkv = _qkv_proj(h, attn_in_w[i], attn_in_b[i])
        a = _attention(qkv, T, D)
        h = _outproj_ln(a, attn_out_w[i], attn_out_b[i], h, ln1_g[i], ln1_b[i])
        (i0, i1, p0, p1, g0, g1, s0, s1, c0, c1,
         aux) = _router(h, router_w[i])
        scat = jnp.concatenate([s0.reshape(T), s1.reshape(T)], axis=0)
        comb = jnp.concatenate([c0.reshape(T), c1.reshape(T)], axis=0)
        ein = _dispatch_sc(h, scat)
        eout = _experts(ein, w1[i], b1[i], w2[i], b2[i])
        r = _combine_sc(eout, comb)
        h = _combine_ln(h, r, g0, g1, p0, p1, ln2_g[i], ln2_b[i])
        total_aux = total_aux + aux[0, 0]

    logits = _head(h, head_w, head_b)
    return (logits.reshape(Bq, T, -1), total_aux)

# --- scband reference (transcript-rebuilt; emitter-appended) ---
"""Pipeline reference for scband-mo-aetrasnformer-89850715833126 (READ-ONLY COPY).

The authoritative reference and input builder live on the scoring server;
editing this copy changes nothing except your own understanding.
"""

import jax, jax.numpy as jnp
import numpy as np

B, S = 1, 2048
D = 768
H = 12
E = 8
TOPN = 2
L = 2
DFF = 3072
VOCAB = 16384
MAXLEN = 2048
CAPF = 1.25


def setup_inputs(seed: int = 0) -> dict:
    key = jax.random.key(seed)
    ks = jax.random.split(key, 12)
    s = 0.02
    inp = {}
    inp['x'] = jax.random.randint(ks[0], (B, S), 0, VOCAB)
    inp['emb'] = jax.random.normal(ks[1], (VOCAB, D), dtype=jnp.float32) * s
    inp['pos_emb'] = jax.random.normal(ks[2], (MAXLEN, D), dtype=jnp.float32) * s
    inp['attn_in_w'] = jax.random.normal(ks[3], (L, 3 * D, D), dtype=jnp.float32) * s
    inp['attn_in_b'] = jnp.zeros((L, 3 * D), dtype=jnp.float32)
    inp['attn_out_w'] = jax.random.normal(ks[4], (L, D, D), dtype=jnp.float32) * s
    inp['attn_out_b'] = jnp.zeros((L, D), dtype=jnp.float32)
    inp['ln1_g'] = jnp.ones((L, D), dtype=jnp.float32)
    inp['ln1_b'] = jnp.zeros((L, D), dtype=jnp.float32)
    inp['ln2_g'] = jnp.ones((L, D), dtype=jnp.float32)
    inp['ln2_b'] = jnp.zeros((L, D), dtype=jnp.float32)
    inp['router_w'] = jax.random.normal(ks[5], (L, D, E), dtype=jnp.float32) * s
    inp['w1'] = jax.random.normal(ks[6], (L, E, D, DFF), dtype=jnp.float32) * s
    inp['b1'] = jnp.zeros((L, E, DFF), dtype=jnp.float32)
    inp['w2'] = jax.random.normal(ks[7], (L, E, DFF, D), dtype=jnp.float32) * s
    inp['b2'] = jnp.zeros((L, E, D), dtype=jnp.float32)
    inp['head_w'] = jax.random.normal(ks[8], (VOCAB, D), dtype=jnp.float32) * s
    inp['head_b'] = jnp.zeros((VOCAB,), dtype=jnp.float32)
    return inp


def _layer_norm(x, g, b):
    mu = jnp.mean(x, axis=-1, keepdims=True)
    var = jnp.var(x, axis=-1, keepdims=True)
    return (x - mu) / jnp.sqrt(var + 1e-5) * g + b


def _mha(x, in_w, in_b, out_w, out_b, mask):
    Bq, T, d = x.shape
    dh = d // H
    qkv = x @ in_w.T + in_b
    q, k, v = jnp.split(qkv, 3, axis=-1)
    def sp(t):
        return t.reshape(Bq, T, H, dh).transpose(0, 2, 1, 3)
    q, k, v = sp(q), sp(k), sp(v)
    scores = (q @ k.transpose(0, 1, 3, 2)) / jnp.sqrt(jnp.float32(dh))
    scores = jnp.where(mask[None, None], -1e9, scores)
    a = jax.nn.softmax(scores, axis=-1)
    o = (a @ v).transpose(0, 2, 1, 3).reshape(Bq, T, d)
    return o @ out_w.T + out_b


def _moae(x, rw, w1, b1, w2, b2):
    Bq, T, d = x.shape
    xf = x.reshape(Bq * T, d)
    Ttok = Bq * T
    logits = xf @ rw
    probs = jax.nn.softmax(logits, axis=-1)
    gv, gi = jax.lax.top_k(probs, TOPN)
    gv = gv / jnp.sum(gv, axis=-1, keepdims=True)
    Cap = int(Ttok * CAPF * TOPN / E)
    combine = jnp.zeros((Ttok, E, Cap), dtype=xf.dtype)
    prev = jnp.zeros((1, E), dtype=xf.dtype)
    for kk in range(TOPN):
        m = jax.nn.one_hot(gi[:, kk], E, dtype=xf.dtype)
        pos = jnp.cumsum(m, axis=0) - m + prev
        prev = prev + jnp.sum(m, axis=0, keepdims=True)
        m = m * (pos < Cap).astype(xf.dtype)
        ptok = jnp.sum(pos * m, axis=1).astype(jnp.int32)
        oh = jax.nn.one_hot(ptok, Cap, dtype=xf.dtype)
        combine = combine + gv[:, kk][:, None, None] * m[:, :, None] * oh[:, None, :]
    hard = (combine > 0).astype(xf.dtype)
    dispatch = combine + jax.lax.stop_gradient(hard - combine)  # straight-through dispatch tensor
    ein = jnp.einsum('tec,td->ecd', dispatch, xf)
    hmid = jax.nn.gelu(jnp.einsum('ecd,edf->ecf', ein, w1) + b1[:, None, :])
    eout = jnp.einsum('ecf,efd->ecd', hmid, w2) + b2[:, None, :]
    y = jnp.einsum('tec,ecd->td', combine, eout).reshape(Bq, T, d)
    me = jnp.mean(probs, axis=0)
    ce = jnp.mean(jax.nn.one_hot(gi[:, 0], E, dtype=xf.dtype), axis=0)
    balance = E * jnp.sum(me * ce)
    z = jnp.mean(jax.nn.logsumexp(logits, axis=-1) ** 2)
    aux = 0.01 * balance + 0.001 * z
    return y, aux, balance, z


def reference(x, emb, pos_emb, attn_in_w, attn_in_b, attn_out_w, attn_out_b, ln1_g, ln1_b, ln2_g, ln2_b, router_w, w1, b1, w2, b2, head_w, head_b):
    Bq, T = x.shape
    h = emb[x] + pos_emb[:T][None, :, :]
    mask = jnp.triu(jnp.ones((T, T), dtype=bool), k=1)
    total_aux = jnp.zeros((), dtype=jnp.float32)
    for i in range(L):
        a = _mha(h, attn_in_w[i], attn_in_b[i], attn_out_w[i], attn_out_b[i], mask)
        h = _layer_norm(h + a, ln1_g[i], ln1_b[i])
        mo, aux, _, _ = _moae(h, router_w[i], w1[i], b1[i], w2[i], b2[i])
        h = _layer_norm(h + mo, ln2_g[i], ln2_b[i])
        total_aux = total_aux + aux
    logits = h @ head_w.T + head_b
    return (logits, total_aux)

if __name__ == "__main__":
    import jax
    _d = setup_inputs()
    print(jax.jit(kernel)(*tuple(_d.values())))

</pallas_src>

<mosaic_0001>
#map = affine_map<(d0, d1) -> (0)>
#map1 = affine_map<(d0, d1) -> (0, 0)>
module attributes {stable_mosaic.version = 14 : i64} {
  func.func @gather_k(%arg0: i32, %arg1: i32, %arg2: memref<2048xi32, #tpu.memory_space<hbm>>, %arg3: memref<16384x768xf32, #tpu.memory_space<hbm>>, %arg4: memref<2048x768xf32, #tpu.memory_space<hbm>>, %arg5: memref<64xi32, #tpu.memory_space<vmem>>, %arg6: memref<64x768xf32, #tpu.memory_space<vmem>>, %arg7: memref<!tpu.dma_semaphore, #tpu.memory_space<semaphore_mem>>) attributes {dimension_semantics = [#tpu.dimension_semantics<core_parallel>, #tpu.dimension_semantics<subcore_parallel>], iteration_bounds = array<i64: 2, 16>, scalar_prefetch = 0 : i64, scratch_operands = 3 : i64, tpu.core_type = #tpu.core_type<sc_vector_subcore>, window_params = [{transform_indices = #map}, {transform_indices = #map1}, {transform_indices = #map1}]} {
    %mul3A = arith.constant 2 : i32
    %mul3A_0 = arith.muli %arg1, %mul3A : i32
    %add3A = arith.addi %mul3A_0, %arg0 : i32
    %mul3A_1 = arith.constant 64 : i32
    %mul3A_2 = arith.muli %add3A, %mul3A_1 : i32
    "tpu.region"() ({
      %run_scoped3A = tpu.sem_alloc : memref<!tpu.dma_semaphore, #tpu.memory_space<semaphore_mem>>
      %dma_start3A_7 = tpu.memref_slice %arg2[%mul3A_2] : memref<2048xi32, #tpu.memory_space<hbm>> -> memref<64xi32, #tpu.memory_space<hbm>>
      %dma_start3A_8 = tpu.memref_slice %arg2[%mul3A_2] : memref<2048xi32, #tpu.memory_space<hbm>> -> memref<64xi32, #tpu.memory_space<hbm>>
      tpu.enqueue_dma source(%dma_start3A_8 : memref<64xi32, #tpu.memory_space<hbm>>) target(%arg5 : memref<64xi32, #tpu.memory_space<vmem>>) target_semaphore(%run_scoped3A : memref<!tpu.dma_semaphore, #tpu.memory_space<semaphore_mem>>)
      %dma_wait3A_9 = tpu.memref_slice %arg2[%mul3A_2] : memref<2048xi32, #tpu.memory_space<hbm>> -> memref<64xi32, #tpu.memory_space<hbm>>
      %dma_wait3A_10 = tpu.memref_slice %arg2[%mul3A_2] : memref<2048xi32, #tpu.memory_space<hbm>> -> memref<64xi32, #tpu.memory_space<hbm>>
      tpu.wait_dma2 semaphore(%run_scoped3A : memref<!tpu.dma_semaphore, #tpu.memory_space<semaphore_mem>>) src(%dma_wait3A_10 : memref<64xi32, #tpu.memory_space<hbm>>) dst(%arg5 : memref<64xi32, #tpu.memory_space<vmem>>)
      tpu.yield
    }) : () -> ()
    %dma_start3A = arith.constant 0 : i32
    %dma_start3A_3 = arith.constant 0 : i32
    %dma_start3A_4 = tpu.memref_slice %arg3[%dma_start3A, %dma_start3A_3] : memref<16384x768xf32, #tpu.memory_space<hbm>> -> memref<16384x768xf32, #tpu.memory_space<hbm>>
    tpu.enqueue_indirect_dma source(%dma_start3A_4 : memref<16384x768xf32, #tpu.memory_space<hbm>>) target(%arg6 : memref<64x768xf32, #tpu.memory_space<vmem>>) offsets(%arg5 : memref<64xi32, #tpu.memory_space<vmem>>) semaphore(%arg7 : memref<!tpu.dma_semaphore, #tpu.memory_space<semaphore_mem>>)
    %dma_wait3A = arith.constant 0 : i32
    %dma_wait3A_5 = arith.constant 0 : i32
    %dma_wait3A_6 = tpu.memref_slice %arg3[%dma_wait3A, %dma_wait3A_5] : memref<16384x768xf32, #tpu.memory_space<hbm>> -> memref<16384x768xf32, #tpu.memory_space<hbm>>
    tpu.wait_indirect_dma semaphore(%arg7 : memref<!tpu.dma_semaphore, #tpu.memory_space<semaphore_mem>>) src(%dma_wait3A_6 : memref<16384x768xf32, #tpu.memory_space<hbm>>) dst(%arg6 : memref<64x768xf32, #tpu.memory_space<vmem>>)
    "tpu.region"() ({
      %run_scoped3A = tpu.sem_alloc : memref<!tpu.dma_semaphore, #tpu.memory_space<semaphore_mem>>
      %dma_start3A_7 = arith.constant 0 : i32
      %dma_start3A_8 = tpu.memref_slice %arg4[%mul3A_2, %dma_start3A_7] : memref<2048x768xf32, #tpu.memory_space<hbm>> -> memref<64x768xf32, #tpu.memory_space<hbm>>
      %dma_start3A_9 = arith.constant 0 : i32
      %dma_start3A_10 = tpu.memref_slice %arg4[%mul3A_2, %dma_start3A_9] : memref<2048x768xf32, #tpu.memory_space<hbm>> -> memref<64x768xf32, #tpu.memory_space<hbm>>
      tpu.enqueue_dma source(%arg6 : memref<64x768xf32, #tpu.memory_space<vmem>>) target(%dma_start3A_10 : memref<64x768xf32, #tpu.memory_space<hbm>>) target_semaphore(%run_scoped3A : memref<!tpu.dma_semaphore, #tpu.memory_space<semaphore_mem>>)
      %dma_wait3A_11 = arith.constant 0 : i32
      %dma_wait3A_12 = tpu.memref_slice %arg4[%mul3A_2, %dma_wait3A_11] : memref<2048x768xf32, #tpu.memory_space<hbm>> -> memref<64x768xf32, #tpu.memory_space<hbm>>
      %dma_wait3A_13 = arith.constant 0 : i32
      %dma_wait3A_14 = tpu.memref_slice %arg4[%mul3A_2, %dma_wait3A_13] : memref<2048x768xf32, #tpu.memory_space<hbm>> -> memref<64x768xf32, #tpu.memory_space<hbm>>
      tpu.wait_dma2 semaphore(%run_scoped3A : memref<!tpu.dma_semaphore, #tpu.memory_space<semaphore_mem>>) src(%arg6 : memref<64x768xf32, #tpu.memory_space<vmem>>) dst(%dma_wait3A_14 : memref<64x768xf32, #tpu.memory_space<hbm>>)
      tpu.yield
    }) : () -> ()
    return
  }
}

#map = affine_map<(d0, d1) -> (0)>
#map1 = affine_map<(d0, d1) -> (0, 0)>
module attributes {stable_mosaic.version = 14 : i64} {
  func.func @k(%arg0: i32, %arg1: i32, %arg2: memref<4096xi32, #tpu.memory_space<hbm>>, %arg3: memref<2048x768xf32, #tpu.memory_space<hbm>>, %arg4: memref<5128x768xf32, #tpu.memory_space<hbm>>, %arg5: memref<128xi32, #tpu.memory_space<vmem>>, %arg6: memref<128x768xf32, #tpu.memory_space<vmem>>, %arg7: memref<!tpu.dma_semaphore, #tpu.memory_space<semaphore_mem>>) attributes {dimension_semantics = [#tpu.dimension_semantics<core_parallel>, #tpu.dimension_semantics<subcore_parallel>], iteration_bounds = array<i64: 2, 16>, scalar_prefetch = 0 : i64, scratch_operands = 3 : i64, tpu.core_type = #tpu.core_type<sc_vector_subcore>, window_params = [{transform_indices = #map}, {transform_indices = #map1}, {transform_indices = #map1}]} {
    %mul3A = arith.constant 2 : i32
    %mul3A_0 = arith.muli %arg1, %mul3A : i32
    %add3A = arith.addi %mul3A_0, %arg0 : i32
    %mul3A_1 = arith.constant 128 : i32
    %mul3A_2 = arith.muli %add3A, %mul3A_1 : i32
    %rem3A = arith.constant 2048 : i32
    %rem3A_3 = arith.remsi %mul3A_2, %rem3A : i32
    "tpu.region"() ({
      %run_scoped3A = tpu.sem_alloc : memref<!tpu.dma_semaphore, #tpu.memory_space<semaphore_mem>>
      %dma_start3A_8 = tpu.memref_slice %arg2[%mul3A_2] : memref<4096xi32, #tpu.memory_space<hbm>> -> memref<128xi32, #tpu.memory_space<hbm>>
      %dma_start3A_9 = tpu.memref_slice %arg2[%mul3A_2] : memref<4096xi32, #tpu.memory_space<hbm>> -> memref<128xi32, #tpu.memory_space<hbm>>
      tpu.enqueue_dma source(%dma_start3A_9 : memref<128xi32, #tpu.memory_space<hbm>>) target(%arg5 : memref<128xi32, #tpu.memory_space<vmem>>) target_semaphore(%run_scoped3A : memref<!tpu.dma_semaphore, #tpu.memory_space<semaphore_mem>>)
      %dma_wait3A_10 = tpu.memref_slice %arg2[%mul3A_2] : memref<4096xi32, #tpu.memory_space<hbm>> -> memref<128xi32, #tpu.memory_space<hbm>>
      %dma_wait3A_11 = tpu.memref_slice %arg2[%mul3A_2] : memref<4096xi32, #tpu.memory_space<hbm>> -> memref<128xi32, #tpu.memory_space<hbm>>
      tpu.wait_dma2 semaphore(%run_scoped3A : memref<!tpu.dma_semaphore, #tpu.memory_space<semaphore_mem>>) src(%dma_wait3A_11 : memref<128xi32, #tpu.memory_space<hbm>>) dst(%arg5 : memref<128xi32, #tpu.memory_space<vmem>>)
      tpu.yield
    }) : () -> ()
    "tpu.region"() ({
      %run_scoped3A = tpu.sem_alloc : memref<!tpu.dma_semaphore, #tpu.memory_space<semaphore_mem>>
      %dma_start3A_8 = arith.constant 0 : i32
      %dma_start3A_9 = tpu.memref_slice %arg3[%rem3A_3, %dma_start3A_8] : memref<2048x768xf32, #tpu.memory_space<hbm>> -> memref<128x768xf32, #tpu.memory_space<hbm>>
      %dma_start3A_10 = arith.constant 0 : i32
      %dma_start3A_11 = tpu.memref_slice %arg3[%rem3A_3, %dma_start3A_10] : memref<2048x768xf32, #tpu.memory_space<hbm>> -> memref<128x768xf32, #tpu.memory_space<hbm>>
      tpu.enqueue_dma source(%dma_start3A_11 : memref<128x768xf32, #tpu.memory_space<hbm>>) target(%arg6 : memref<128x768xf32, #tpu.memory_space<vmem>>) target_semaphore(%run_scoped3A : memref<!tpu.dma_semaphore, #tpu.memory_space<semaphore_mem>>)
      %dma_wait3A_12 = arith.constant 0 : i32
      %dma_wait3A_13 = tpu.memref_slice %arg3[%rem3A_3, %dma_wait3A_12] : memref<2048x768xf32, #tpu.memory_space<hbm>> -> memref<128x768xf32, #tpu.memory_space<hbm>>
      %dma_wait3A_14 = arith.constant 0 : i32
      %dma_wait3A_15 = tpu.memref_slice %arg3[%rem3A_3, %dma_wait3A_14] : memref<2048x768xf32, #tpu.memory_space<hbm>> -> memref<128x768xf32, #tpu.memory_space<hbm>>
      tpu.wait_dma2 semaphore(%run_scoped3A : memref<!tpu.dma_semaphore, #tpu.memory_space<semaphore_mem>>) src(%dma_wait3A_15 : memref<128x768xf32, #tpu.memory_space<hbm>>) dst(%arg6 : memref<128x768xf32, #tpu.memory_space<vmem>>)
      tpu.yield
    }) : () -> ()
    %dma_start3A = arith.constant 0 : i32
    %dma_start3A_4 = arith.constant 0 : i32
    %dma_start3A_5 = tpu.memref_slice %arg4[%dma_start3A, %dma_start3A_4] : memref<5128x768xf32, #tpu.memory_space<hbm>> -> memref<5128x768xf32, #tpu.memory_space<hbm>>
    tpu.enqueue_indirect_dma source(%arg6 : memref<128x768xf32, #tpu.memory_space<vmem>>) target(%dma_start3A_5 : memref<5128x768xf32, #tpu.memory_space<hbm>>) offsets(%arg5 : memref<128xi32, #tpu.memory_space<vmem>>) semaphore(%arg7 : memref<!tpu.dma_semaphore, #tpu.memory_space<semaphore_mem>>)
    %dma_wait3A = arith.constant 0 : i32
    %dma_wait3A_6 = arith.constant 0 : i32
    %dma_wait3A_7 = tpu.memref_slice %arg4[%dma_wait3A, %dma_wait3A_6] : memref<5128x768xf32, #tpu.memory_space<hbm>> -> memref<5128x768xf32, #tpu.memory_space<hbm>>
    tpu.wait_indirect_dma semaphore(%arg7 : memref<!tpu.dma_semaphore, #tpu.memory_space<semaphore_mem>>) src(%arg6 : memref<128x768xf32, #tpu.memory_space<vmem>>) dst(%dma_wait3A_7 : memref<5128x768xf32, #tpu.memory_space<hbm>>)
    return
  }
}

#map = affine_map<(d0, d1) -> (0)>
#map1 = affine_map<(d0, d1) -> (0, 0)>
module attributes {stable_mosaic.version = 14 : i64} {
  func.func @k(%arg0: i32, %arg1: i32, %arg2: memref<4096xi32, #tpu.memory_space<hbm>>, %arg3: memref<2048x768xf32, #tpu.memory_space<hbm>>, %arg4: memref<5128x768xf32, #tpu.memory_space<hbm>>, %arg5: memref<128xi32, #tpu.memory_space<vmem>>, %arg6: memref<128x768xf32, #tpu.memory_space<vmem>>, %arg7: memref<!tpu.dma_semaphore, #tpu.memory_space<semaphore_mem>>) attributes {dimension_semantics = [#tpu.dimension_semantics<core_parallel>, #tpu.dimension_semantics<subcore_parallel>], iteration_bounds = array<i64: 2, 16>, scalar_prefetch = 0 : i64, scratch_operands = 3 : i64, tpu.core_type = #tpu.core_type<sc_vector_subcore>, window_params = [{transform_indices = #map}, {transform_indices = #map1}, {transform_indices = #map1}]} {
    %mul3A = arith.constant 2 : i32
    %mul3A_0 = arith.muli %arg1, %mul3A : i32
    %add3A = arith.addi %mul3A_0, %arg0 : i32
    %mul3A_1 = arith.constant 128 : i32
    %mul3A_2 = arith.muli %add3A, %mul3A_1 : i32
    %rem3A = arith.constant 2048 : i32
    %rem3A_3 = arith.remsi %mul3A_2, %rem3A : i32
    "tpu.region"() ({
      %run_scoped3A = tpu.sem_alloc : memref<!tpu.dma_semaphore, #tpu.memory_space<semaphore_mem>>
      %dma_start3A_8 = tpu.memref_slice %arg2[%mul3A_2] : memref<4096xi32, #tpu.memory_space<hbm>> -> memref<128xi32, #tpu.memory_space<hbm>>
      %dma_start3A_9 = tpu.memref_slice %arg2[%mul3A_2] : memref<4096xi32, #tpu.memory_space<hbm>> -> memref<128xi32, #tpu.memory_space<hbm>>
      tpu.enqueue_dma source(%dma_start3A_9 : memref<128xi32, #tpu.memory_space<hbm>>) target(%arg5 : memref<128xi32, #tpu.memory_space<vmem>>) target_semaphore(%run_scoped3A : memref<!tpu.dma_semaphore, #tpu.memory_space<semaphore_mem>>)
      %dma_wait3A_10 = tpu.memref_slice %arg2[%mul3A_2] : memref<4096xi32, #tpu.memory_space<hbm>> -> memref<128xi32, #tpu.memory_space<hbm>>
      %dma_wait3A_11 = tpu.memref_slice %arg2[%mul3A_2] : memref<4096xi32, #tpu.memory_space<hbm>> -> memref<128xi32, #tpu.memory_space<hbm>>
      tpu.wait_dma2 semaphore(%run_scoped3A : memref<!tpu.dma_semaphore, #tpu.memory_space<semaphore_mem>>) src(%dma_wait3A_11 : memref<128xi32, #tpu.memory_space<hbm>>) dst(%arg5 : memref<128xi32, #tpu.memory_space<vmem>>)
      tpu.yield
    }) : () -> ()
    "tpu.region"() ({
      %run_scoped3A = tpu.sem_alloc : memref<!tpu.dma_semaphore, #tpu.memory_space<semaphore_mem>>
      %dma_start3A_8 = arith.constant 0 : i32
      %dma_start3A_9 = tpu.memref_slice %arg3[%rem3A_3, %dma_start3A_8] : memref<2048x768xf32, #tpu.memory_space<hbm>> -> memref<128x768xf32, #tpu.memory_space<hbm>>
      %dma_start3A_10 = arith.constant 0 : i32
      %dma_start3A_11 = tpu.memref_slice %arg3[%rem3A_3, %dma_start3A_10] : memref<2048x768xf32, #tpu.memory_space<hbm>> -> memref<128x768xf32, #tpu.memory_space<hbm>>
      tpu.enqueue_dma source(%dma_start3A_11 : memref<128x768xf32, #tpu.memory_space<hbm>>) target(%arg6 : memref<128x768xf32, #tpu.memory_space<vmem>>) target_semaphore(%run_scoped3A : memref<!tpu.dma_semaphore, #tpu.memory_space<semaphore_mem>>)
      %dma_wait3A_12 = arith.constant 0 : i32
      %dma_wait3A_13 = tpu.memref_slice %arg3[%rem3A_3, %dma_wait3A_12] : memref<2048x768xf32, #tpu.memory_space<hbm>> -> memref<128x768xf32, #tpu.memory_space<hbm>>
      %dma_wait3A_14 = arith.constant 0 : i32
      %dma_wait3A_15 = tpu.memref_slice %arg3[%rem3A_3, %dma_wait3A_14] : memref<2048x768xf32, #tpu.memory_space<hbm>> -> memref<128x768xf32, #tpu.memory_space<hbm>>
      tpu.wait_dma2 semaphore(%run_scoped3A : memref<!tpu.dma_semaphore, #tpu.memory_space<semaphore_mem>>) src(%dma_wait3A_15 : memref<128x768xf32, #tpu.memory_space<hbm>>) dst(%arg6 : memref<128x768xf32, #tpu.memory_space<vmem>>)
      tpu.yield
    }) : () -> ()
    %dma_start3A = arith.constant 0 : i32
    %dma_start3A_4 = arith.constant 0 : i32
    %dma_start3A_5 = tpu.memref_slice %arg4[%dma_start3A, %dma_start3A_4] : memref<5128x768xf32, #tpu.memory_space<hbm>> -> memref<5128x768xf32, #tpu.memory_space<hbm>>
    tpu.enqueue_indirect_dma source(%arg6 : memref<128x768xf32, #tpu.memory_space<vmem>>) target(%dma_start3A_5 : memref<5128x768xf32, #tpu.memory_space<hbm>>) offsets(%arg5 : memref<128xi32, #tpu.memory_space<vmem>>) semaphore(%arg7 : memref<!tpu.dma_semaphore, #tpu.memory_space<semaphore_mem>>)
    %dma_wait3A = arith.constant 0 : i32
    %dma_wait3A_6 = arith.constant 0 : i32
    %dma_wait3A_7 = tpu.memref_slice %arg4[%dma_wait3A, %dma_wait3A_6] : memref<5128x768xf32, #tpu.memory_space<hbm>> -> memref<5128x768xf32, #tpu.memory_space<hbm>>
    tpu.wait_indirect_dma semaphore(%arg7 : memref<!tpu.dma_semaphore, #tpu.memory_space<semaphore_mem>>) src(%arg6 : memref<128x768xf32, #tpu.memory_space<vmem>>) dst(%dma_wait3A_7 : memref<5128x768xf32, #tpu.memory_space<hbm>>)
    return
  }
}

#map = affine_map<(d0, d1) -> (0)>
#map1 = affine_map<(d0, d1) -> (0, 0)>
module attributes {stable_mosaic.version = 14 : i64} {
  func.func @k(%arg0: i32, %arg1: i32, %arg2: memref<4096xi32, #tpu.memory_space<hbm>>, %arg3: memref<5120x768xf32, #tpu.memory_space<hbm>>, %arg4: memref<4096x768xf32, #tpu.memory_space<hbm>>, %arg5: memref<128xi32, #tpu.memory_space<vmem>>, %arg6: memref<128x768xf32, #tpu.memory_space<vmem>>, %arg7: memref<!tpu.dma_semaphore, #tpu.memory_space<semaphore_mem>>) attributes {dimension_semantics = [#tpu.dimension_semantics<core_parallel>, #tpu.dimension_semantics<subcore_parallel>], iteration_bounds = array<i64: 2, 16>, scalar_prefetch = 0 : i64, scratch_operands = 3 : i64, tpu.core_type = #tpu.core_type<sc_vector_subcore>, window_params = [{transform_indices = #map}, {transform_indices = #map1}, {transform_indices = #map1}]} {
    %mul3A = arith.constant 2 : i32
    %mul3A_0 = arith.muli %arg1, %mul3A : i32
    %add3A = arith.addi %mul3A_0, %arg0 : i32
    %mul3A_1 = arith.constant 128 : i32
    %mul3A_2 = arith.muli %add3A, %mul3A_1 : i32
    "tpu.region"() ({
      %run_scoped3A = tpu.sem_alloc : memref<!tpu.dma_semaphore, #tpu.memory_space<semaphore_mem>>
      %dma_start3A_7 = tpu.memref_slice %arg2[%mul3A_2] : memref<4096xi32, #tpu.memory_space<hbm>> -> memref<128xi32, #tpu.memory_space<hbm>>
      %dma_start3A_8 = tpu.memref_slice %arg2[%mul3A_2] : memref<4096xi32, #tpu.memory_space<hbm>> -> memref<128xi32, #tpu.memory_space<hbm>>
      tpu.enqueue_dma source(%dma_start3A_8 : memref<128xi32, #tpu.memory_space<hbm>>) target(%arg5 : memref<128xi32, #tpu.memory_space<vmem>>) target_semaphore(%run_scoped3A : memref<!tpu.dma_semaphore, #tpu.memory_space<semaphore_mem>>)
      %dma_wait3A_9 = tpu.memref_slice %arg2[%mul3A_2] : memref<4096xi32, #tpu.memory_space<hbm>> -> memref<128xi32, #tpu.memory_space<hbm>>
      %dma_wait3A_10 = tpu.memref_slice %arg2[%mul3A_2] : memref<4096xi32, #tpu.memory_space<hbm>> -> memref<128xi32, #tpu.memory_space<hbm>>
      tpu.wait_dma2 semaphore(%run_scoped3A : memref<!tpu.dma_semaphore, #tpu.memory_space<semaphore_mem>>) src(%dma_wait3A_10 : memref<128xi32, #tpu.memory_space<hbm>>) dst(%arg5 : memref<128xi32, #tpu.memory_space<vmem>>)
      tpu.yield
    }) : () -> ()
    %dma_start3A = arith.constant 0 : i32
    %dma_start3A_3 = arith.constant 0 : i32
    %dma_start3A_4 = tpu.memref_slice %arg3[%dma_start3A, %dma_start3A_3] : memref<5120x768xf32, #tpu.memory_space<hbm>> -> memref<5120x768xf32, #tpu.memory_space<hbm>>
    tpu.enqueue_indirect_dma source(%dma_start3A_4 : memref<5120x768xf32, #tpu.memory_space<hbm>>) target(%arg6 : memref<128x768xf32, #tpu.memory_space<vmem>>) offsets(%arg5 : memref<128xi32, #tpu.memory_space<vmem>>) semaphore(%arg7 : memref<!tpu.dma_semaphore, #tpu.memory_space<semaphore_mem>>)
    %dma_wait3A = arith.constant 0 : i32
    %dma_wait3A_5 = arith.constant 0 : i32
    %dma_wait3A_6 = tpu.memref_slice %arg3[%dma_wait3A, %dma_wait3A_5] : memref<5120x768xf32, #tpu.memory_space<hbm>> -> memref<5120x768xf32, #tpu.memory_space<hbm>>
    tpu.wait_indirect_dma semaphore(%arg7 : memref<!tpu.dma_semaphore, #tpu.memory_space<semaphore_mem>>) src(%dma_wait3A_6 : memref<5120x768xf32, #tpu.memory_space<hbm>>) dst(%arg6 : memref<128x768xf32, #tpu.memory_space<vmem>>)
    "tpu.region"() ({
      %run_scoped3A = tpu.sem_alloc : memref<!tpu.dma_semaphore, #tpu.memory_space<semaphore_mem>>
      %dma_start3A_7 = arith.constant 0 : i32
      %dma_start3A_8 = tpu.memref_slice %arg4[%mul3A_2, %dma_start3A_7] : memref<4096x768xf32, #tpu.memory_space<hbm>> -> memref<128x768xf32, #tpu.memory_space<hbm>>
      %dma_start3A_9 = arith.constant 0 : i32
      %dma_start3A_10 = tpu.memref_slice %arg4[%mul3A_2, %dma_start3A_9] : memref<4096x768xf32, #tpu.memory_space<hbm>> -> memref<128x768xf32, #tpu.memory_space<hbm>>
      tpu.enqueue_dma source(%arg6 : memref<128x768xf32, #tpu.memory_space<vmem>>) target(%dma_start3A_10 : memref<128x768xf32, #tpu.memory_space<hbm>>) target_semaphore(%run_scoped3A : memref<!tpu.dma_semaphore, #tpu.memory_space<semaphore_mem>>)
      %dma_wait3A_11 = arith.constant 0 : i32
      %dma_wait3A_12 = tpu.memref_slice %arg4[%mul3A_2, %dma_wait3A_11] : memref<4096x768xf32, #tpu.memory_space<hbm>> -> memref<128x768xf32, #tpu.memory_space<hbm>>
      %dma_wait3A_13 = arith.constant 0 : i32
      %dma_wait3A_14 = tpu.memref_slice %arg4[%mul3A_2, %dma_wait3A_13] : memref<4096x768xf32, #tpu.memory_space<hbm>> -> memref<128x768xf32, #tpu.memory_space<hbm>>
      tpu.wait_dma2 semaphore(%run_scoped3A : memref<!tpu.dma_semaphore, #tpu.memory_space<semaphore_mem>>) src(%arg6 : memref<128x768xf32, #tpu.memory_space<vmem>>) dst(%dma_wait3A_14 : memref<128x768xf32, #tpu.memory_space<hbm>>)
      tpu.yield
    }) : () -> ()
    return
  }
}

#map = affine_map<(d0, d1) -> (0)>
#map1 = affine_map<(d0, d1) -> (0, 0)>
module attributes {stable_mosaic.version = 14 : i64} {
  func.func @k(%arg0: i32, %arg1: i32, %arg2: memref<4096xi32, #tpu.memory_space<hbm>>, %arg3: memref<5120x768xf32, #tpu.memory_space<hbm>>, %arg4: memref<4096x768xf32, #tpu.memory_space<hbm>>, %arg5: memref<128xi32, #tpu.memory_space<vmem>>, %arg6: memref<128x768xf32, #tpu.memory_space<vmem>>, %arg7: memref<!tpu.dma_semaphore, #tpu.memory_space<semaphore_mem>>) attributes {dimension_semantics = [#tpu.dimension_semantics<core_parallel>, #tpu.dimension_semantics<subcore_parallel>], iteration_bounds = array<i64: 2, 16>, scalar_prefetch = 0 : i64, scratch_operands = 3 : i64, tpu.core_type = #tpu.core_type<sc_vector_subcore>, window_params = [{transform_indices = #map}, {transform_indices = #map1}, {transform_indices = #map1}]} {
    %mul3A = arith.constant 2 : i32
    %mul3A_0 = arith.muli %arg1, %mul3A : i32
    %add3A = arith.addi %mul3A_0, %arg0 : i32
    %mul3A_1 = arith.constant 128 : i32
    %mul3A_2 = arith.muli %add3A, %mul3A_1 : i32
    "tpu.region"() ({
      %run_scoped3A = tpu.sem_alloc : memref<!tpu.dma_semaphore, #tpu.memory_space<semaphore_mem>>
      %dma_start3A_7 = tpu.memref_slice %arg2[%mul3A_2] : memref<4096xi32, #tpu.memory_space<hbm>> -> memref<128xi32, #tpu.memory_space<hbm>>
      %dma_start3A_8 = tpu.memref_slice %arg2[%mul3A_2] : memref<4096xi32, #tpu.memory_space<hbm>> -> memref<128xi32, #tpu.memory_space<hbm>>
      tpu.enqueue_dma source(%dma_start3A_8 : memref<128xi32, #tpu.memory_space<hbm>>) target(%arg5 : memref<128xi32, #tpu.memory_space<vmem>>) target_semaphore(%run_scoped3A : memref<!tpu.dma_semaphore, #tpu.memory_space<semaphore_mem>>)
      %dma_wait3A_9 = tpu.memref_slice %arg2[%mul3A_2] : memref<4096xi32, #tpu.memory_space<hbm>> -> memref<128xi32, #tpu.memory_space<hbm>>
      %dma_wait3A_10 = tpu.memref_slice %arg2[%mul3A_2] : memref<4096xi32, #tpu.memory_space<hbm>> -> memref<128xi32, #tpu.memory_space<hbm>>
      tpu.wait_dma2 semaphore(%run_scoped3A : memref<!tpu.dma_semaphore, #tpu.memory_space<semaphore_mem>>) src(%dma_wait3A_10 : memref<128xi32, #tpu.memory_space<hbm>>) dst(%arg5 : memref<128xi32, #tpu.memory_space<vmem>>)
      tpu.yield
    }) : () -> ()
    %dma_start3A = arith.constant 0 : i32
    %dma_start3A_3 = arith.constant 0 : i32
    %dma_start3A_4 = tpu.memref_slice %arg3[%dma_start3A, %dma_start3A_3] : memref<5120x768xf32, #tpu.memory_space<hbm>> -> memref<5120x768xf32, #tpu.memory_space<hbm>>
    tpu.enqueue_indirect_dma source(%dma_start3A_4 : memref<5120x768xf32, #tpu.memory_space<hbm>>) target(%arg6 : memref<128x768xf32, #tpu.memory_space<vmem>>) offsets(%arg5 : memref<128xi32, #tpu.memory_space<vmem>>) semaphore(%arg7 : memref<!tpu.dma_semaphore, #tpu.memory_space<semaphore_mem>>)
    %dma_wait3A = arith.constant 0 : i32
    %dma_wait3A_5 = arith.constant 0 : i32
    %dma_wait3A_6 = tpu.memref_slice %arg3[%dma_wait3A, %dma_wait3A_5] : memref<5120x768xf32, #tpu.memory_space<hbm>> -> memref<5120x768xf32, #tpu.memory_space<hbm>>
    tpu.wait_indirect_dma semaphore(%arg7 : memref<!tpu.dma_semaphore, #tpu.memory_space<semaphore_mem>>) src(%dma_wait3A_6 : memref<5120x768xf32, #tpu.memory_space<hbm>>) dst(%arg6 : memref<128x768xf32, #tpu.memory_space<vmem>>)
    "tpu.region"() ({
      %run_scoped3A = tpu.sem_alloc : memref<!tpu.dma_semaphore, #tpu.memory_space<semaphore_mem>>
      %dma_start3A_7 = arith.constant 0 : i32
      %dma_start3A_8 = tpu.memref_slice %arg4[%mul3A_2, %dma_start3A_7] : memref<4096x768xf32, #tpu.memory_space<hbm>> -> memref<128x768xf32, #tpu.memory_space<hbm>>
      %dma_start3A_9 = arith.constant 0 : i32
      %dma_start3A_10 = tpu.memref_slice %arg4[%mul3A_2, %dma_start3A_9] : memref<4096x768xf32, #tpu.memory_space<hbm>> -> memref<128x768xf32, #tpu.memory_space<hbm>>
      tpu.enqueue_dma source(%arg6 : memref<128x768xf32, #tpu.memory_space<vmem>>) target(%dma_start3A_10 : memref<128x768xf32, #tpu.memory_space<hbm>>) target_semaphore(%run_scoped3A : memref<!tpu.dma_semaphore, #tpu.memory_space<semaphore_mem>>)
      %dma_wait3A_11 = arith.constant 0 : i32
      %dma_wait3A_12 = tpu.memref_slice %arg4[%mul3A_2, %dma_wait3A_11] : memref<4096x768xf32, #tpu.memory_space<hbm>> -> memref<128x768xf32, #tpu.memory_space<hbm>>
      %dma_wait3A_13 = arith.constant 0 : i32
      %dma_wait3A_14 = tpu.memref_slice %arg4[%mul3A_2, %dma_wait3A_13] : memref<4096x768xf32, #tpu.memory_space<hbm>> -> memref<128x768xf32, #tpu.memory_space<hbm>>
      tpu.wait_dma2 semaphore(%run_scoped3A : memref<!tpu.dma_semaphore, #tpu.memory_space<semaphore_mem>>) src(%arg6 : memref<128x768xf32, #tpu.memory_space<vmem>>) dst(%dma_wait3A_14 : memref<128x768xf32, #tpu.memory_space<hbm>>)
      tpu.yield
    }) : () -> ()
    return
  }
}

module attributes {stable_mosaic.version = 14 : i64} {
  func.func @add_k(%arg0: memref<2048x768xf32, #tpu.memory_space<vmem>>, %arg1: memref<2048x768xf32, #tpu.memory_space<vmem>>, %arg2: memref<2048x768xf32, #tpu.memory_space<vmem>>) attributes {dimension_semantics = [], scalar_prefetch = 0 : i64, scratch_operands = 0 : i64, tpu.core_type = #tpu.core_type<tc>} {
    %get3A = arith.constant 0 : index
    %get3A_0 = arith.constant 0 : index
    %get3A_1 = vector.load %arg0[%get3A, %get3A_0] : memref<2048x768xf32, #tpu.memory_space<vmem>>, vector<2048x768xf32>
    %get3A_2 = arith.constant 0 : index
    %get3A_3 = arith.constant 0 : index
    %get3A_4 = vector.load %arg1[%get3A_2, %get3A_3] : memref<2048x768xf32, #tpu.memory_space<vmem>>, vector<2048x768xf32>
    %add3A = arith.addf %get3A_1, %get3A_4 : vector<2048x768xf32>
    %swap3A = arith.constant 0 : index
    %swap3A_5 = arith.constant 0 : index
    %swap3A_6 = vector.load %arg2[%swap3A, %swap3A_5] : memref<2048x768xf32, #tpu.memory_space<vmem>>, vector<2048x768xf32>
    tpu.vector_store %arg2[%swap3A, %swap3A_5], %add3A {strides = array<i32>} : memref<2048x768xf32, #tpu.memory_space<vmem>>, vector<2048x768xf32>,
    return
  }
}

module attributes {stable_mosaic.version = 14 : i64} {
  func.func @kern(%arg0: i32, %arg1: memref<2048x768xf32, #tpu.memory_space<vmem>>, %arg2: memref<1x64x768xf32, #tpu.memory_space<vmem>>, %arg3: memref<1x1x64xf32, #tpu.memory_space<vmem>>, %arg4: memref<1x2048x64xf32, #tpu.memory_space<vmem>>) attributes {dimension_semantics = [#tpu.dimension_semantics<arbitrary>], iteration_bounds = array<i64: 36>, scalar_prefetch = 0 : i64, scratch_operands = 0 : i64, tpu.core_type = #tpu.core_type<tc>, window_params = [{pipeline_mode = #tpu.pipeline_mode<synchronous>, transform_indices = @transform_0, window_bounds = array<i64: 2048, 768>}, {transform_indices = @transform_1, window_bounds = array<i64: 1, 64, 768>}, {transform_indices = @transform_2, window_bounds = array<i64: 1, 1, 64>}, {transform_indices = @transform_3, window_bounds = array<i64: 1, 2048, 64>}]} {
    %get3A = arith.constant 0 : index
    %get3A_0 = arith.constant 0 : index
    %get3A_1 = vector.load %arg1[%get3A, %get3A_0] : memref<2048x768xf32, #tpu.memory_space<vmem>>, vector<2048x768xf32>
    %get3A_2 = arith.constant 0 : index
    %get3A_3 = arith.constant 0 : index
    %get3A_4 = arith.constant 0 : index
    %get3A_5 = vector.load %arg2[%get3A_2, %get3A_3, %get3A_4] : memref<1x64x768xf32, #tpu.memory_space<vmem>>, vector<1x64x768xf32>
    %get3A_6 = vector.shape_cast %get3A_5 : vector<1x64x768xf32> to vector<64x768xf32>
    %dot_general3A = arith.constant dense<0.000000e+00> : vector<2048x64xf32>
    %dot_general3A_7 = tpu.matmul %get3A_1, %get3A_6, %dot_general3A {dimension_numbers = #tpu.dot_dimension_numbers<[1], [1], [0], [0], [0, 0, 1, 0], [], []>, transpose_lhs_hint = false} : vector<2048x768xf32>, vector<64x768xf32>, vector<2048x64xf32> -> vector<2048x64xf32>
    %get3A_8 = arith.constant 0 : index
    %get3A_9 = arith.constant 0 : index
    %get3A_10 = arith.constant 0 : index
    %get3A_11 = vector.load %arg3[%get3A_8, %get3A_9, %get3A_10] : memref<1x1x64xf32, #tpu.memory_space<vmem>>, vector<1x1x64xf32>
    %get3A_12 = vector.shape_cast %get3A_11 : vector<1x1x64xf32> to vector<1x64xf32>
    %add3A = vector.broadcast %get3A_12 : vector<1x64xf32> to vector<2048x64xf32>
    %add3A_13 = arith.addf %dot_general3A_7, %add3A : vector<2048x64xf32>
    %swap3A = arith.constant 0 : index
    %swap3A_14 = arith.constant 0 : index
    %swap3A_15 = arith.constant 0 : index
    %swap3A_16 = vector.load %arg4[%swap3A, %swap3A_14, %swap3A_15] : memref<1x2048x64xf32, #tpu.memory_space<vmem>>, vector<1x2048x64xf32>
    %swap3A_17 = vector.shape_cast %swap3A_16 : vector<1x2048x64xf32> to vector<2048x64xf32>
    %swap3A_18 = vector.shape_cast %add3A_13 : vector<2048x64xf32> to vector<1x2048x64xf32>
    tpu.vector_store %arg4[%swap3A, %swap3A_14, %swap3A_15], %swap3A_18 {strides = array<i32>} : memref<1x2048x64xf32, #tpu.memory_space<vmem>>, vector<1x2048x64xf32>,
    return
  }
  func.func @transform_0(%arg0: i32) -> (i32, i32) {
    %c0_i32 = arith.constant 0 : i32
    %c0_i32_0 = arith.constant 0 : i32
    %c0_i32_1 = arith.constant 0 : i32
    return %c0_i32, %c0_i32_0 : i32, i32
  }
  func.func @transform_1(%arg0: i32) -> (i32, i32, i32) {
    %c0_i32 = arith.constant 0 : i32
    %c0_i32_0 = arith.constant 0 : i32
    %c0_i32_1 = arith.constant 0 : i32
    return %arg0, %c0_i32, %c0_i32_0 : i32, i32, i32
  }
  func.func @transform_2(%arg0: i32) -> (i32, i32, i32) {
    %c0_i32 = arith.constant 0 : i32
    %c0_i32_0 = arith.constant 0 : i32
    %c0_i32_1 = arith.constant 0 : i32
    return %arg0, %c0_i32, %c0_i32_0 : i32, i32, i32
  }
  func.func @transform_3(%arg0: i32) -> (i32, i32, i32) {
    %c0_i32 = arith.constant 0 : i32
    %c0_i32_0 = arith.constant 0 : i32
    %c0_i32_1 = arith.constant 0 : i32
    return %arg0, %c0_i32, %c0_i32_0 : i32, i32, i32
  }
}

module attributes {stable_mosaic.version = 14 : i64} {
  func.func @kern(%arg0: i32, %arg1: memref<1x2048x64xf32, #tpu.memory_space<vmem>>, %arg2: memref<1x2048x64xf32, #tpu.memory_space<vmem>>, %arg3: memref<1x2048x64xf32, #tpu.memory_space<vmem>>, %arg4: memref<1x2048x64xf32, #tpu.memory_space<vmem>>) attributes {dimension_semantics = [#tpu.dimension_semantics<arbitrary>], iteration_bounds = array<i64: 12>, scalar_prefetch = 0 : i64, scratch_operands = 0 : i64, tpu.core_type = #tpu.core_type<tc>, window_params = [{transform_indices = @transform_0, window_bounds = array<i64: 1, 2048, 64>}, {transform_indices = @transform_1, window_bounds = array<i64: 1, 2048, 64>}, {transform_indices = @transform_2, window_bounds = array<i64: 1, 2048, 64>}, {transform_indices = @transform_3, window_bounds = array<i64: 1, 2048, 64>}]} {
    %get3A = arith.constant 0 : index
    %get3A_0 = arith.constant 0 : index
    %get3A_1 = arith.constant 0 : index
    %get3A_2 = vector.load %arg1[%get3A, %get3A_0, %get3A_1] : memref<1x2048x64xf32, #tpu.memory_space<vmem>>, vector<1x256x64xf32>
    %squeeze3A = vector.shape_cast %get3A_2 : vector<1x256x64xf32> to vector<256x64xf32>
    %get3A_3 = arith.constant 0 : index
    %get3A_4 = arith.constant 0 : index
    %get3A_5 = arith.constant 0 : index
    %get3A_6 = vector.load %arg2[%get3A_3, %get3A_4, %get3A_5] : memref<1x2048x64xf32, #tpu.memory_space<vmem>>, vector<1x256x64xf32>
    %get3A_7 = vector.shape_cast %get3A_6 : vector<1x256x64xf32> to vector<256x64xf32>
    %get3A_8 = arith.constant 0 : index
    %get3A_9 = arith.constant 0 : index
    %get3A_10 = arith.constant 0 : index
    %get3A_11 = vector.load %arg3[%get3A_8, %get3A_9, %get3A_10] : memref<1x2048x64xf32, #tpu.memory_space<vmem>>, vector<1x256x64xf32>
    %get3A_12 = vector.shape_cast %get3A_11 : vector<1x256x64xf32> to vector<256x64xf32>
    %dot_general3A = arith.constant dense<0.000000e+00> : vector<256x256xf32>
    %dot_general3A_13 = tpu.matmul %squeeze3A, %get3A_7, %dot_general3A {dimension_numbers = #tpu.dot_dimension_numbers<[1], [1], [0], [0], [0, 0, 1, 0], [], []>, transpose_lhs_hint = false} : vector<256x64xf32>, vector<256x64xf32>, vector<256x256xf32> -> vector<256x256xf32>
    %mul3A = arith.constant 1.250000e-01 : f32
    %mul3A_14 = vector.broadcast %mul3A : f32 to vector<256x256xf32>
    %mul3A_15 = arith.mulf %dot_general3A_13, %mul3A_14 : vector<256x256xf32>
    %iota3A = tpu.iota {dimensions = array<i32: 0>} : vector<256x256xi32>
    %add3A = arith.constant 0 : i32
    %add3A_16 = vector.broadcast %add3A : i32 to vector<256x256xi32>
    %add3A_17 = arith.addi %add3A_16, %iota3A : vector<256x256xi32>
    %iota3A_18 = tpu.iota {dimensions = array<i32: 1>} : vector<256x256xi32>
    %gt3A = arith.cmpi sgt, %iota3A_18, %add3A_17 : vector<256x256xi32>
    %jit3A = arith.constant -1.000000e+09 : f32
    %broadcast_in_dim3A = vector.broadcast %jit3A : f32 to vector<256x256xf32>
    %select_n3A = arith.select %gt3A, %broadcast_in_dim3A, %mul3A_15 : vector<256x256xi1>, vector<256x256xf32>
    %reduce_max3A = arith.constant dense<0xFF800000> : vector<256xf32>
    %reduce_max3A_19 = vector.multi_reduction <maximumf>, %select_n3A, %reduce_max3A [1] : vector<256x256xf32> to vector<256xf32>
    %broadcast_in_dim3A_20 = vector.shape_cast %reduce_max3A_19 : vector<256xf32> to vector<256x1xf32>
    %sub3A = vector.broadcast %broadcast_in_dim3A_20 : vector<256x1xf32> to vector<256x256xf32>
    %sub3A_21 = arith.subf %select_n3A, %sub3A : vector<256x256xf32>
    %exp3A = math.exp %sub3A_21 : vector<256x256xf32>
    %reduce_sum3A = arith.constant dense<0.000000e+00> : vector<256xf32>
    %reduce_sum3A_22 = vector.multi_reduction <add>, %exp3A, %reduce_sum3A [1] : vector<256x256xf32> to vector<256xf32>
    %broadcast_in_dim3A_23 = vector.shape_cast %reduce_sum3A_22 : vector<256xf32> to vector<256x1xf32>
    %div3A = arith.constant 1.000000e+00 : f32
    %div3A_24 = vector.broadcast %div3A : f32 to vector<256x1xf32>
    %div3A_25 = arith.divf %div3A_24, %broadcast_in_dim3A_23 : vector<256x1xf32>
    %dot_general3A_26 = arith.constant dense<0.000000e+00> : vector<256x64xf32>
    %dot_general3A_27 = tpu.matmul %exp3A, %get3A_12, %dot_general3A_26 {dimension_numbers = #tpu.dot_dimension_numbers<[1], [0], [0], [1], [0, 0, 1, 1], [], []>, transpose_lhs_hint = false} : vector<256x256xf32>, vector<256x64xf32>, vector<256x64xf32> -> vector<256x64xf32>
    %mul3A_28 = vector.broadcast %div3A_25 : vector<256x1xf32> to vector<256x64xf32>
    %mul3A_29 = arith.mulf %dot_general3A_27, %mul3A_28 : vector<256x64xf32>
    %swap3A = arith.constant 0 : index
    %swap3A_30 = arith.constant 0 : index
    %swap3A_31 = arith.constant 0 : index
    %swap3A_32 = vector.load %arg4[%swap3A, %swap3A_30, %swap3A_31] : memref<1x2048x64xf32, #tpu.memory_space<vmem>>, vector<1x256x64xf32>
    %swap3A_33 = vector.shape_cast %swap3A_32 : vector<1x256x64xf32> to vector<256x64xf32>
    %swap3A_34 = vector.shape_cast %mul3A_29 : vector<256x64xf32> to vector<1x256x64xf32>
    tpu.vector_store %arg4[%swap3A, %swap3A_30, %swap3A_31], %swap3A_34 {strides = array<i32>} : memref<1x2048x64xf32, #tpu.memory_space<vmem>>, vector<1x256x64xf32>,
    %get3A_35 = arith.constant 0 : index
    %get3A_36 = arith.constant 256 : index
    %get3A_37 = arith.constant 0 : index
    %get3A_38 = vector.load %arg1[%get3A_35, %get3A_36, %get3A_37] : memref<1x2048x64xf32, #tpu.memory_space<vmem>>, vector<1x256x64xf32>
    %squeeze3A_39 = vector.shape_cast %get3A_38 : vector<1x256x64xf32> to vector<256x64xf32>
    %get3A_40 = arith.constant 0 : index
    %get3A_41 = arith.constant 0 : index
    %get3A_42 = arith.constant 0 : index
    %get3A_43 = vector.load %arg2[%get3A_40, %get3A_41, %get3A_42] : memref<1x2048x64xf32, #tpu.memory_space<vmem>>, vector<1x512x64xf32>
    %get3A_44 = vector.shape_cast %get3A_43 : vector<1x512x64xf32> to vector<512x64xf32>
    %get3A_45 = arith.constant 0 : index
    %get3A_46 = arith.constant 0 : index
    %get3A_47 = arith.constant 0 : index
    %get3A_48 = vector.load %arg3[%get3A_45, %get3A_46, %get3A_47] : memref<1x2048x64xf32, #tpu.memory_space<vmem>>, vector<1x512x64xf32>
    %get3A_49 = vector.shape_cast %get3A_48 : vector<1x512x64xf32> to vector<512x64xf32>
    %dot_general3A_50 = arith.constant dense<0.000000e+00> : vector<256x512xf32>
    %dot_general3A_51 = tpu.matmul %squeeze3A_39, %get3A_44, %dot_general3A_50 {dimension_numbers = #tpu.dot_dimension_numbers<[1], [1], [0], [0], [0, 0, 1, 0], [], []>, transpose_lhs_hint = false} : vector<256x64xf32>, vector<512x64xf32>, vector<256x512xf32> -> vector<256x512xf32>
    %mul3A_52 = arith.constant 1.250000e-01 : f32
    %mul3A_53 = vector.broadcast %mul3A_52 : f32 to vector<256x512xf32>
    %mul3A_54 = arith.mulf %dot_general3A_51, %mul3A_53 : vector<256x512xf32>
    %iota3A_55 = tpu.iota {dimensions = array<i32: 0>} : vector<256x512xi32>
    %add3A_56 = arith.constant 256 : i32
    %add3A_57 = vector.broadcast %add3A_56 : i32 to vector<256x512xi32>
    %add3A_58 = arith.addi %add3A_57, %iota3A_55 : vector<256x512xi32>
    %iota3A_59 = tpu.iota {dimensions = array<i32: 1>} : vector<256x512xi32>
    %gt3A_60 = arith.cmpi sgt, %iota3A_59, %add3A_58 : vector<256x512xi32>
    %jit3A_61 = arith.constant -1.000000e+09 : f32
    %broadcast_in_dim3A_62 = vector.broadcast %jit3A_61 : f32 to vector<256x512xf32>
    %select_n3A_63 = arith.select %gt3A_60, %broadcast_in_dim3A_62, %mul3A_54 : vector<256x512xi1>, vector<256x512xf32>
    %reduce_max3A_64 = arith.constant dense<0xFF800000> : vector<256xf32>
    %reduce_max3A_65 = vector.multi_reduction <maximumf>, %select_n3A_63, %reduce_max3A_64 [1] : vector<256x512xf32> to vector<256xf32>
    %broadcast_in_dim3A_66 = vector.shape_cast %reduce_max3A_65 : vector<256xf32> to vector<256x1xf32>
    %sub3A_67 = vector.broadcast %broadcast_in_dim3A_66 : vector<256x1xf32> to vector<256x512xf32>
    %sub3A_68 = arith.subf %select_n3A_63, %sub3A_67 : vector<256x512xf32>
    %exp3A_69 = math.exp %sub3A_68 : vector<256x512xf32>
    %reduce_sum3A_70 = arith.constant dense<0.000000e+00> : vector<256xf32>
    %reduce_sum3A_71 = vector.multi_reduction <add>, %exp3A_69, %reduce_sum3A_70 [1] : vector<256x512xf32> to vector<256xf32>
    %broadcast_in_dim3A_72 = vector.shape_cast %reduce_sum3A_71 : vector<256xf32> to vector<256x1xf32>
    %div3A_73 = arith.constant 1.000000e+00 : f32
    %div3A_74 = vector.broadcast %div3A_73 : f32 to vector<256x1xf32>
    %div3A_75 = arith.divf %div3A_74, %broadcast_in_dim3A_72 : vector<256x1xf32>
    %dot_general3A_76 = arith.constant dense<0.000000e+00> : vector<256x64xf32>
    %dot_general3A_77 = tpu.matmul %exp3A_69, %get3A_49, %dot_general3A_76 {dimension_numbers = #tpu.dot_dimension_numbers<[1], [0], [0], [1], [0, 0, 1, 1], [], []>, transpose_lhs_hint = false} : vector<256x512xf32>, vector<512x64xf32>, vector<256x64xf32> -> vector<256x64xf32>
    %mul3A_78 = vector.broadcast %div3A_75 : vector<256x1xf32> to vector<256x64xf32>
    %mul3A_79 = arith.mulf %dot_general3A_77, %mul3A_78 : vector<256x64xf32>
    %swap3A_80 = arith.constant 0 : index
    %swap3A_81 = arith.constant 256 : index
    %swap3A_82 = arith.constant 0 : index
    %swap3A_83 = vector.load %arg4[%swap3A_80, %swap3A_81, %swap3A_82] : memref<1x2048x64xf32, #tpu.memory_space<vmem>>, vector<1x256x64xf32>
    %swap3A_84 = vector.shape_cast %swap3A_83 : vector<1x256x64xf32> to vector<256x64xf32>
    %swap3A_85 = vector.shape_cast %mul3A_79 : vector<256x64xf32> to vector<1x256x64xf32>
    tpu.vector_store %arg4[%swap3A_80, %swap3A_81, %swap3A_82], %swap3A_85 {strides = array<i32>} : memref<1x2048x64xf32, #tpu.memory_space<vmem>>, vector<1x256x64xf32>,
    %get3A_86 = arith.constant 0 : index
    %get3A_87 = arith.constant 512 : index
    %get3A_88 = arith.constant 0 : index
    %get3A_89 = vector.load %arg1[%get3A_86, %get3A_87, %get3A_88] : memref<1x2048x64xf32, #tpu.memory_space<vmem>>, vector<1x256x64xf32>
    %squeeze3A_90 = vector.shape_cast %get3A_89 : vector<1x256x64xf32> to vector<256x64xf32>
    %get3A_91 = arith.constant 0 : index
    %get3A_92 = arith.constant 0 : index
    %get3A_93 = arith.constant 0 : index
    %get3A_94 = vector.load %arg2[%get3A_91, %get3A_92, %get3A_93] : memref<1x2048x64xf32, #tpu.memory_space<vmem>>, vector<1x768x64xf32>
    %get3A_95 = vector.shape_cast %get3A_94 : vector<1x768x64xf32> to vector<768x64xf32>
    %get3A_96 = arith.constant 0 : index
    %get3A_97 = arith.constant 0 : index
    %get3A_98 = arith.constant 0 : index
    %get3A_99 = vector.load %arg3[%get3A_96, %get3A_97, %get3A_98] : memref<1x2048x64xf32, #tpu.memory_space<vmem>>, vector<1x768x64xf32>
    %get3A_100 = vector.shape_cast %get3A_99 : vector<1x768x64xf32> to vector<768x64xf32>
    %dot_general3A_101 = arith.constant dense<0.000000e+00> : vector<256x768xf32>
    %dot_general3A_102 = tpu.matmul %squeeze3A_90, %get3A_95, %dot_general3A_101 {dimension_numbers = #tpu.dot_dimension_numbers<[1], [1], [0], [0], [0, 0, 1, 0], [], []>, transpose_lhs_hint = false} : vector<256x64xf32>, vector<768x64xf32>, vector<256x768xf32> -> vector<256x768xf32>
    %mul3A_103 = arith.constant 1.250000e-01 : f32
    %mul3A_104 = vector.broadcast %mul3A_103 : f32 to vector<256x768xf32>
    %mul3A_105 = arith.mulf %dot_general3A_102, %mul3A_104 : vector<256x768xf32>
    %iota3A_106 = tpu.iota {dimensions = array<i32: 0>} : vector<256x768xi32>
    %add3A_107 = arith.constant 512 : i32
    %add3A_108 = vector.broadcast %add3A_107 : i32 to vector<256x768xi32>
    %add3A_109 = arith.addi %add3A_108, %iota3A_106 : vector<256x768xi32>
    %iota3A_110 = tpu.iota {dimensions = array<i32: 1>} : vector<256x768xi32>
    %gt3A_111 = arith.cmpi sgt, %iota3A_110, %add3A_109 : vector<256x768xi32>
    %jit3A_112 = arith.constant -1.000000e+09 : f32
    %broadcast_in_dim3A_113 = vector.broadcast %jit3A_112 : f32 to vector<256x768xf32>
    %select_n3A_114 = arith.select %gt3A_111, %broadcast_in_dim3A_113, %mul3A_105 : vector<256x768xi1>, vector<256x768xf32>
    %reduce_max3A_115 = arith.constant dense<0xFF800000> : vector<256xf32>
    %reduce_max3A_116 = vector.multi_reduction <maximumf>, %select_n3A_114, %reduce_max3A_115 [1] : vector<256x768xf32> to vector<256xf32>
    %broadcast_in_dim3A_117 = vector.shape_cast %reduce_max3A_116 : vector<256xf32> to vector<256x1xf32>
    %sub3A_118 = vector.broadcast %broadcast_in_dim3A_117 : vector<256x1xf32> to vector<256x768xf32>
    %sub3A_119 = arith.subf %select_n3A_114, %sub3A_118 : vector<256x768xf32>
    %exp3A_120 = math.exp %sub3A_119 : vector<256x768xf32>
    %reduce_sum3A_121 = arith.constant dense<0.000000e+00> : vector<256xf32>
    %reduce_sum3A_122 = vector.multi_reduction <add>, %exp3A_120, %reduce_sum3A_121 [1] : vector<256x768xf32> to vector<256xf32>
    %broadcast_in_dim3A_123 = vector.shape_cast %reduce_sum3A_122 : vector<256xf32> to vector<256x1xf32>
    %div3A_124 = arith.constant 1.000000e+00 : f32
    %div3A_125 = vector.broadcast %div3A_124 : f32 to vector<256x1xf32>
    %div3A_126 = arith.divf %div3A_125, %broadcast_in_dim3A_123 : vector<256x1xf32>
    %dot_general3A_127 = arith.constant dense<0.000000e+00> : vector<256x64xf32>
    %dot_general3A_128 = tpu.matmul %exp3A_120, %get3A_100, %dot_general3A_127 {dimension_numbers = #tpu.dot_dimension_numbers<[1], [0], [0], [1], [0, 0, 1, 1], [], []>, transpose_lhs_hint = false} : vector<256x768xf32>, vector<768x64xf32>, vector<256x64xf32> -> vector<256x64xf32>
    %mul3A_129 = vector.broadcast %div3A_126 : vector<256x1xf32> to vector<256x64xf32>
    %mul3A_130 = arith.mulf %dot_general3A_128, %mul3A_129 : vector<256x64xf32>
    %swap3A_131 = arith.constant 0 : index
    %swap3A_132 = arith.constant 512 : index
    %swap3A_133 = arith.constant 0 : index
    %swap3A_134 = vector.load %arg4[%swap3A_131, %swap3A_132, %swap3A_133] : memref<1x2048x64xf32, #tpu.memory_space<vmem>>, vector<1x256x64xf32>
    %swap3A_135 = vector.shape_cast %swap3A_134 : vector<1x256x64xf32> to vector<256x64xf32>
    %swap3A_136 = vector.shape_cast %mul3A_130 : vector<256x64xf32> to vector<1x256x64xf32>
    tpu.vector_store %arg4[%swap3A_131, %swap3A_132, %swap3A_133], %swap3A_136 {strides = array<i32>} : memref<1x2048x64xf32, #tpu.memory_space<vmem>>, vector<1x256x64xf32>,
    %get3A_137 = arith.constant 0 : index
    %get3A_138 = arith.constant 768 : index
    %get3A_139 = arith.constant 0 : index
    %get3A_140 = vector.load %arg1[%get3A_137, %get3A_138, %get3A_139] : memref<1x2048x64xf32, #tpu.memory_space<vmem>>, vector<1x256x64xf32>
    %squeeze3A_141 = vector.shape_cast %get3A_140 : vector<1x256x64xf32> to vector<256x64xf32>
    %get3A_142 = arith.constant 0 : index
    %get3A_143 = arith.constant 0 : index
    %get3A_144 = arith.constant 0 : index
    %get3A_145 = vector.load %arg2[%get3A_142, %get3A_143, %get3A_144] : memref<1x2048x64xf32, #tpu.memory_space<vmem>>, vector<1x1024x64xf32>
    %get3A_146 = vector.shape_cast %get3A_145 : vector<1x1024x64xf32> to vector<1024x64xf32>
    %get3A_147 = arith.constant 0 : index
    %get3A_148 = arith.constant 0 : index
    %get3A_149 = arith.constant 0 : index
    %get3A_150 = vector.load %arg3[%get3A_147, %get3A_148, %get3A_149] : memref<1x2048x64xf32, #tpu.memory_space<vmem>>, vector<1x1024x64xf32>
    %get3A_151 = vector.shape_cast %get3A_150 : vector<1x1024x64xf32> to vector<1024x64xf32>
    %dot_general3A_152 = arith.constant dense<0.000000e+00> : vector<256x1024xf32>
    %dot_general3A_153 = tpu.matmul %squeeze3A_141, %get3A_146, %dot_general3A_152 {dimension_numbers = #tpu.dot_dimension_numbers<[1], [1], [0], [0], [0, 0, 1, 0], [], []>, transpose_lhs_hint = false} : vector<256x64xf32>, vector<1024x64xf32>, vector<256x1024xf32> -> vector<256x1024xf32>
    %mul3A_154 = arith.constant 1.250000e-01 : f32
    %mul3A_155 = vector.broadcast %mul3A_154 : f32 to vector<256x1024xf32>
    %mul3A_156 = arith.mulf %dot_general3A_153, %mul3A_155 : vector<256x1024xf32>
    %iota3A_157 = tpu.iota {dimensions = array<i32: 0>} : vector<256x1024xi32>
    %add3A_158 = arith.constant 768 : i32
    %add3A_159 = vector.broadcast %add3A_158 : i32 to vector<256x1024xi32>
    %add3A_160 = arith.addi %add3A_159, %iota3A_157 : vector<256x1024xi32>
    %iota3A_161 = tpu.iota {dimensions = array<i32: 1>} : vector<256x1024xi32>
    %gt3A_162 = arith.cmpi sgt, %iota3A_161, %add3A_160 : vector<256x1024xi32>
    %jit3A_163 = arith.constant -1.000000e+09 : f32
    %broadcast_in_dim3A_164 = vector.broadcast %jit3A_163 : f32 to vector<256x1024xf32>
    %select_n3A_165 = arith.select %gt3A_162, %broadcast_in_dim3A_164, %mul3A_156 : vector<256x1024xi1>, vector<256x1024xf32>
    %reduce_max3A_166 = arith.constant dense<0xFF800000> : vector<256xf32>
    %reduce_max3A_167 = vector.multi_reduction <maximumf>, %select_n3A_165, %reduce_max3A_166 [1] : vector<256x1024xf32> to vector<256xf32>
    %broadcast_in_dim3A_168 = vector.shape_cast %reduce_max3A_167 : vector<256xf32> to vector<256x1xf32>
    %sub3A_169 = vector.broadcast %broadcast_in_dim3A_168 : vector<256x1xf32> to vector<256x1024xf32>
    %sub3A_170 = arith.subf %select_n3A_165, %sub3A_169 : vector<256x1024xf32>
    %exp3A_171 = math.exp %sub3A_170 : vector<256x1024xf32>
    %reduce_sum3A_172 = arith.constant dense<0.000000e+00> : vector<256xf32>
    %reduce_sum3A_173 = vector.multi_reduction <add>, %exp3A_171, %reduce_sum3A_172 [1] : vector<256x1024xf32> to vector<256xf32>
    %broadcast_in_dim3A_174 = vector.shape_cast %reduce_sum3A_173 : vector<256xf32> to vector<256x1xf32>
    %div3A_175 = arith.constant 1.000000e+00 : f32
    %div3A_176 = vector.broadcast %div3A_175 : f32 to vector<256x1xf32>
    %div3A_177 = arith.divf %div3A_176, %broadcast_in_dim3A_174 : vector<256x1xf32>
    %dot_general3A_178 = arith.constant dense<0.000000e+00> : vector<256x64xf32>
    %dot_general3A_179 = tpu.matmul %exp3A_171, %get3A_151, %dot_general3A_178 {dimension_numbers = #tpu.dot_dimension_numbers<[1], [0], [0], [1], [0, 0, 1, 1], [], []>, transpose_lhs_hint = false} : vector<256x1024xf32>, vector<1024x64xf32>, vector<256x64xf32> -> vector<256x64xf32>
    %mul3A_180 = vector.broadcast %div3A_177 : vector<256x1xf32> to vector<256x64xf32>
    %mul3A_181 = arith.mulf %dot_general3A_179, %mul3A_180 : vector<256x64xf32>
    %swap3A_182 = arith.constant 0 : index
    %swap3A_183 = arith.constant 768 : index
    %swap3A_184 = arith.constant 0 : index
    %swap3A_185 = vector.load %arg4[%swap3A_182, %swap3A_183, %swap3A_184] : memref<1x2048x64xf32, #tpu.memory_space<vmem>>, vector<1x256x64xf32>
    %swap3A_186 = vector.shape_cast %swap3A_185 : vector<1x256x64xf32> to vector<256x64xf32>
    %swap3A_187 = vector.shape_cast %mul3A_181 : vector<256x64xf32> to vector<1x256x64xf32>
    tpu.vector_store %arg4[%swap3A_182, %swap3A_183, %swap3A_184], %swap3A_187 {strides = array<i32>} : memref<1x2048x64xf32, #tpu.memory_space<vmem>>, vector<1x256x64xf32>,
    %get3A_188 = arith.constant 0 : index
    %get3A_189 = arith.constant 1024 : index
    %get3A_190 = arith.constant 0 : index
    %get3A_191 = vector.load %arg1[%get3A_188, %get3A_189, %get3A_190] : memref<1x2048x64xf32, #tpu.memory_space<vmem>>, vector<1x256x64xf32>
    %squeeze3A_192 = vector.shape_cast %get3A_191 : vector<1x256x64xf32> to vector<256x64xf32>
    %get3A_193 = arith.constant 0 : index
    %get3A_194 = arith.constant 0 : index
    %get3A_195 = arith.constant 0 : index
    %get3A_196 = vector.load %arg2[%get3A_193, %get3A_194, %get3A_195] : memref<1x2048x64xf32, #tpu.memory_space<vmem>>, vector<1x1280x64xf32>
    %get3A_197 = vector.shape_cast %get3A_196 : vector<1x1280x64xf32> to vector<1280x64xf32>
    %get3A_198 = arith.constant 0 : index
    %get3A_199 = arith.constant 0 : index
    %get3A_200 = arith.constant 0 : index
    %get3A_201 = vector.load %arg3[%get3A_198, %get3A_199, %get3A_200] : memref<1x2048x64xf32, #tpu.memory_space<vmem>>, vector<1x1280x64xf32>
    %get3A_202 = vector.shape_cast %get3A_201 : vector<1x1280x64xf32> to vector<1280x64xf32>
    %dot_general3A_203 = arith.constant dense<0.000000e+00> : vector<256x1280xf32>
    %dot_general3A_204 = tpu.matmul %squeeze3A_192, %get3A_197, %dot_general3A_203 {dimension_numbers = #tpu.dot_dimension_numbers<[1], [1], [0], [0], [0, 0, 1, 0], [], []>, transpose_lhs_hint = false} : vector<256x64xf32>, vector<1280x64xf32>, vector<256x1280xf32> -> vector<256x1280xf32>
    %mul3A_205 = arith.constant 1.250000e-01 : f32
    %mul3A_206 = vector.broadcast %mul3A_205 : f32 to vector<256x1280xf32>
    %mul3A_207 = arith.mulf %dot_general3A_204, %mul3A_206 : vector<256x1280xf32>
    %iota3A_208 = tpu.iota {dimensions = array<i32: 0>} : vector<256x1280xi32>
    %add3A_209 = arith.constant 1024 : i32
    %add3A_210 = vector.broadcast %add3A_209 : i32 to vector<256x1280xi32>
    %add3A_211 = arith.addi %add3A_210, %iota3A_208 : vector<256x1280xi32>
    %iota3A_212 = tpu.iota {dimensions = array<i32: 1>} : vector<256x1280xi32>
    %gt3A_213 = arith.cmpi sgt, %iota3A_212, %add3A_211 : vector<256x1280xi32>
    %jit3A_214 = arith.constant -1.000000e+09 : f32
    %broadcast_in_dim3A_215 = vector.broadcast %jit3A_214 : f32 to vector<256x1280xf32>
    %select_n3A_216 = arith.select %gt3A_213, %broadcast_in_dim3A_215, %mul3A_207 : vector<256x1280xi1>, vector<256x1280xf32>
    %reduce_max3A_217 = arith.constant dense<0xFF800000> : vector<256xf32>
    %reduce_max3A_218 = vector.multi_reduction <maximumf>, %select_n3A_216, %reduce_max3A_217 [1] : vector<256x1280xf32> to vector<256xf32>
    %broadcast_in_dim3A_219 = vector.shape_cast %reduce_max3A_218 : vector<256xf32> to vector<256x1xf32>
    %sub3A_220 = vector.broadcast %broadcast_in_dim3A_219 : vector<256x1xf32> to vector<256x1280xf32>
    %sub3A_221 = arith.subf %select_n3A_216, %sub3A_220 : vector<256x1280xf32>
    %exp3A_222 = math.exp %sub3A_221 : vector<256x1280xf32>
    %reduce_sum3A_223 = arith.constant dense<0.000000e+00> : vector<256xf32>
    %reduce_sum3A_224 = vector.multi_reduction <add>, %exp3A_222, %reduce_sum3A_223 [1] : vector<256x1280xf32> to vector<256xf32>
    %broadcast_in_dim3A_225 = vector.shape_cast %reduce_sum3A_224 : vector<256xf32> to vector<256x1xf32>
    %div3A_226 = arith.constant 1.000000e+00 : f32
    %div3A_227 = vector.broadcast %div3A_226 : f32 to vector<256x1xf32>
    %div3A_228 = arith.divf %div3A_227, %broadcast_in_dim3A_225 : vector<256x1xf32>
    %dot_general3A_229 = arith.constant dense<0.000000e+00> : vector<256x64xf32>
    %dot_general3A_230 = tpu.matmul %exp3A_222, %get3A_202, %dot_general3A_229 {dimension_numbers = #tpu.dot_dimension_numbers<[1], [0], [0], [1], [0, 0, 1, 1], [], []>, transpose_lhs_hint = false} : vector<256x1280xf32>, vector<1280x64xf32>, vector<256x64xf32> -> vector<256x64xf32>
    %mul3A_231 = vector.broadcast %div3A_228 : vector<256x1xf32> to vector<256x64xf32>
    %mul3A_232 = arith.mulf %dot_general3A_230, %mul3A_231 : vector<256x64xf32>
    %swap3A_233 = arith.constant 0 : index
    %swap3A_234 = arith.constant 1024 : index
    %swap3A_235 = arith.constant 0 : index
    %swap3A_236 = vector.load %arg4[%swap3A_233, %swap3A_234, %swap3A_235] : memref<1x2048x64xf32, #tpu.memory_space<vmem>>, vector<1x256x64xf32>
    %swap3A_237 = vector.shape_cast %swap3A_236 : vector<1x256x64xf32> to vector<256x64xf32>
    %swap3A_238 = vector.shape_cast %mul3A_232 : vector<256x64xf32> to vector<1x256x64xf32>
    tpu.vector_store %arg4[%swap3A_233, %swap3A_234, %swap3A_235], %swap3A_238 {strides = array<i32>} : memref<1x2048x64xf32, #tpu.memory_space<vmem>>, vector<1x256x64xf32>,
    %get3A_239 = arith.constant 0 : index
    %get3A_240 = arith.constant 1280 : index
    %get3A_241 = arith.constant 0 : index
    %get3A_242 = vector.load %arg1[%get3A_239, %get3A_240, %get3A_241] : memref<1x2048x64xf32, #tpu.memory_space<vmem>>, vector<1x256x64xf32>
    %squeeze3A_243 = vector.shape_cast %get3A_242 : vector<1x256x64xf32> to vector<256x64xf32>
    %get3A_244 = arith.constant 0 : index
    %get3A_245 = arith.constant 0 : index
    %get3A_246 = arith.constant 0 : index
    %get3A_247 = vector.load %arg2[%get3A_244, %get3A_245, %get3A_246] : memref<1x2048x64xf32, #tpu.memory_space<vmem>>, vector<1x1536x64xf32>
    %get3A_248 = vector.shape_cast %get3A_247 : vector<1x1536x64xf32> to vector<1536x64xf32>
    %get3A_249 = arith.constant 0 : index
    %get3A_250 = arith.constant 0 : index
    %get3A_251 = arith.constant 0 : index
    %get3A_252 = vector.load %arg3[%get3A_249, %get3A_250, %get3A_251] : memref<1x2048x64xf32, #tpu.memory_space<vmem>>, vector<1x1536x64xf32>
    %get3A_253 = vector.shape_cast %get3A_252 : vector<1x1536x64xf32> to vector<1536x64xf32>
    %dot_general3A_254 = arith.constant dense<0.000000e+00> : vector<256x1536xf32>
    %dot_general3A_255 = tpu.matmul %squeeze3A_243, %get3A_248, %dot_general3A_254 {dimension_numbers = #tpu.dot_dimension_numbers<[1], [1], [0], [0], [0, 0, 1, 0], [], []>, transpose_lhs_hint = false} : vector<256x64xf32>, vector<1536x64xf32>, vector<256x1536xf32> -> vector<256x1536xf32>
    %mul3A_256 = arith.constant 1.250000e-01 : f32
    %mul3A_257 = vector.broadcast %mul3A_256 : f32 to vector<256x1536xf32>
    %mul3A_258 = arith.mulf %dot_general3A_255, %mul3A_257 : vector<256x1536xf32>
    %iota3A_259 = tpu.iota {dimensions = array<i32: 0>} : vector<256x1536xi32>
    %add3A_260 = arith.constant 1280 : i32
    %add3A_261 = vector.broadcast %add3A_260 : i32 to vector<256x1536xi32>
    %add3A_262 = arith.addi %add3A_261, %iota3A_259 : vector<256x1536xi32>
    %iota3A_263 = tpu.iota {dimensions = array<i32: 1>} : vector<256x1536xi32>
    %gt3A_264 = arith.cmpi sgt, %iota3A_263, %add3A_262 : vector<256x1536xi32>
    %jit3A_265 = arith.constant -1.000000e+09 : f32
    %broadcast_in_dim3A_266 = vector.broadcast %jit3A_265 : f32 to vector<256x1536xf32>
    %select_n3A_267 = arith.select %gt3A_264, %broadcast_in_dim3A_266, %mul3A_258 : vector<256x1536xi1>, vector<256x1536xf32>
    %reduce_max3A_268 = arith.constant dense<0xFF800000> : vector<256xf32>
    %reduce_max3A_269 = vector.multi_reduction <maximumf>, %select_n3A_267, %reduce_max3A_268 [1] : vector<256x1536xf32> to vector<256xf32>
    %broadcast_in_dim3A_270 = vector.shape_cast %reduce_max3A_269 : vector<256xf32> to vector<256x1xf32>
    %sub3A_271 = vector.broadcast %broadcast_in_dim3A_270 : vector<256x1xf32> to vector<256x1536xf32>
    %sub3A_272 = arith.subf %select_n3A_267, %sub3A_271 : vector<256x1536xf32>
    %exp3A_273 = math.exp %sub3A_272 : vector<256x1536xf32>
    %reduce_sum3A_274 = arith.constant dense<0.000000e+00> : vector<256xf32>
    %reduce_sum3A_275 = vector.multi_reduction <add>, %exp3A_273, %reduce_sum3A_274 [1] : vector<256x1536xf32> to vector<256xf32>
    %broadcast_in_dim3A_276 = vector.shape_cast %reduce_sum3A_275 : vector<256xf32> to vector<256x1xf32>
    %div3A_277 = arith.constant 1.000000e+00 : f32
    %div3A_278 = vector.broadcast %div3A_277 : f32 to vector<256x1xf32>
    %div3A_279 = arith.divf %div3A_278, %broadcast_in_dim3A_276 : vector<256x1xf32>
    %dot_general3A_280 = arith.constant dense<0.000000e+00> : vector<256x64xf32>
    %dot_general3A_281 = tpu.matmul %exp3A_273, %get3A_253, %dot_general3A_280 {dimension_numbers = #tpu.dot_dimension_numbers<[1], [0], [0], [1], [0, 0, 1, 1], [], []>, transpose_lhs_hint = false} : vector<256x1536xf32>, vector<1536x64xf32>, vector<256x64xf32> -> vector<256x64xf32>
    %mul3A_282 = vector.broadcast %div3A_279 : vector<256x1xf32> to vector<256x64xf32>
    %mul3A_283 = arith.mulf %dot_general3A_281, %mul3A_282 : vector<256x64xf32>
    %swap3A_284 = arith.constant 0 : index
    %swap3A_285 = arith.constant 1280 : index
    %swap3A_286 = arith.constant 0 : index
    %swap3A_287 = vector.load %arg4[%swap3A_284, %swap3A_285, %swap3A_286] : memref<1x2048x64xf32, #tpu.memory_space<vmem>>, vector<1x256x64xf32>
    %swap3A_288 = vector.shape_cast %swap3A_287 : vector<1x256x64xf32> to vector<256x64xf32>
    %swap3A_289 = vector.shape_cast %mul3A_283 : vector<256x64xf32> to vector<1x256x64xf32>
    tpu.vector_store %arg4[%swap3A_284, %swap3A_285, %swap3A_286], %swap3A_289 {strides = array<i32>} : memref<1x2048x64xf32, #tpu.memory_space<vmem>>, vector<1x256x64xf32>,
    %get3A_290 = arith.constant 0 : index
    %get3A_291 = arith.constant 1536 : index
    %get3A_292 = arith.constant 0 : index
    %get3A_293 = vector.load %arg1[%get3A_290, %get3A_291, %get3A_292] : memref<1x2048x64xf32, #tpu.memory_space<vmem>>, vector<1x256x64xf32>
    %squeeze3A_294 = vector.shape_cast %get3A_293 : vector<1x256x64xf32> to vector<256x64xf32>
    %get3A_295 = arith.constant 0 : index
    %get3A_296 = arith.constant 0 : index
    %get3A_297 = arith.constant 0 : index
    %get3A_298 = vector.load %arg2[%get3A_295, %get3A_296, %get3A_297] : memref<1x2048x64xf32, #tpu.memory_space<vmem>>, vector<1x1792x64xf32>
    %get3A_299 = vector.shape_cast %get3A_298 : vector<1x1792x64xf32> to vector<1792x64xf32>
    %get3A_300 = arith.constant 0 : index
    %get3A_301 = arith.constant 0 : index
    %get3A_302 = arith.constant 0 : index
    %get3A_303 = vector.load %arg3[%get3A_300, %get3A_301, %get3A_302] : memref<1x2048x64xf32, #tpu.memory_space<vmem>>, vector<1x1792x64xf32>
    %get3A_304 = vector.shape_cast %get3A_303 : vector<1x1792x64xf32> to vector<1792x64xf32>
    %dot_general3A_305 = arith.constant dense<0.000000e+00> : vector<256x1792xf32>
    %dot_general3A_306 = tpu.matmul %squeeze3A_294, %get3A_299, %dot_general3A_305 {dimension_numbers = #tpu.dot_dimension_numbers<[1], [1], [0], [0], [0, 0, 1, 0], [], []>, transpose_lhs_hint = false} : vector<256x64xf32>, vector<1792x64xf32>, vector<256x1792xf32> -> vector<256x1792xf32>
    %mul3A_307 = arith.constant 1.250000e-01 : f32
    %mul3A_308 = vector.broadcast %mul3A_307 : f32 to vector<256x1792xf32>
    %mul3A_309 = arith.mulf %dot_general3A_306, %mul3A_308 : vector<256x1792xf32>
    %iota3A_310 = tpu.iota {dimensions = array<i32: 0>} : vector<256x1792xi32>
    %add3A_311 = arith.constant 1536 : i32
    %add3A_312 = vector.broadcast %add3A_311 : i32 to vector<256x1792xi32>
    %add3A_313 = arith.addi %add3A_312, %iota3A_310 : vector<256x1792xi32>
    %iota3A_314 = tpu.iota {dimensions = array<i32: 1>} : vector<256x1792xi32>
    %gt3A_315 = arith.cmpi sgt, %iota3A_314, %add3A_313 : vector<256x1792xi32>
    %jit3A_316 = arith.constant -1.000000e+09 : f32
    %broadcast_in_dim3A_317 = vector.broadcast %jit3A_316 : f32 to vector<256x1792xf32>
    %select_n3A_318 = arith.select %gt3A_315, %broadcast_in_dim3A_317, %mul3A_309 : vector<256x1792xi1>, vector<256x1792xf32>
    %reduce_max3A_319 = arith.constant dense<0xFF800000> : vector<256xf32>
    %reduce_max3A_320 = vector.multi_reduction <maximumf>, %select_n3A_318, %reduce_max3A_319 [1] : vector<256x1792xf32> to vector<256xf32>
    %broadcast_in_dim3A_321 = vector.shape_cast %reduce_max3A_320 : vector<256xf32> to vector<256x1xf32>
    %sub3A_322 = vector.broadcast %broadcast_in_dim3A_321 : vector<256x1xf32> to vector<256x1792xf32>
    %sub3A_323 = arith.subf %select_n3A_318, %sub3A_322 : vector<256x1792xf32>
    %exp3A_324 = math.exp %sub3A_323 : vector<256x1792xf32>
    %reduce_sum3A_325 = arith.constant dense<0.000000e+00> : vector<256xf32>
    %reduce_sum3A_326 = vector.multi_reduction <add>, %exp3A_324, %reduce_sum3A_325 [1] : vector<256x1792xf32> to vector<256xf32>
    %broadcast_in_dim3A_327 = vector.shape_cast %reduce_sum3A_326 : vector<256xf32> to vector<256x1xf32>
    %div3A_328 = arith.constant 1.000000e+00 : f32
    %div3A_329 = vector.broadcast %div3A_328 : f32 to vector<256x1xf32>
    %div3A_330 = arith.divf %div3A_329, %broadcast_in_dim3A_327 : vector<256x1xf32>
    %dot_general3A_331 = arith.constant dense<0.000000e+00> : vector<256x64xf32>
    %dot_general3A_332 = tpu.matmul %exp3A_324, %get3A_304, %dot_general3A_331 {dimension_numbers = #tpu.dot_dimension_numbers<[1], [0], [0], [1], [0, 0, 1, 1], [], []>, transpose_lhs_hint = false} : vector<256x1792xf32>, vector<1792x64xf32>, vector<256x64xf32> -> vector<256x64xf32>
    %mul3A_333 = vector.broadcast %div3A_330 : vector<256x1xf32> to vector<256x64xf32>
    %mul3A_334 = arith.mulf %dot_general3A_332, %mul3A_333 : vector<256x64xf32>
    %swap3A_335 = arith.constant 0 : index
    %swap3A_336 = arith.constant 1536 : index
    %swap3A_337 = arith.constant 0 : index
    %swap3A_338 = vector.load %arg4[%swap3A_335, %swap3A_336, %swap3A_337] : memref<1x2048x64xf32, #tpu.memory_space<vmem>>, vector<1x256x64xf32>
    %swap3A_339 = vector.shape_cast %swap3A_338 : vector<1x256x64xf32> to vector<256x64xf32>
    %swap3A_340 = vector.shape_cast %mul3A_334 : vector<256x64xf32> to vector<1x256x64xf32>
    tpu.vector_store %arg4[%swap3A_335, %swap3A_336, %swap3A_337], %swap3A_340 {strides = array<i32>} : memref<1x2048x64xf32, #tpu.memory_space<vmem>>, vector<1x256x64xf32>,
    %get3A_341 = arith.constant 0 : index
    %get3A_342 = arith.constant 1792 : index
    %get3A_343 = arith.constant 0 : index
    %get3A_344 = vector.load %arg1[%get3A_341, %get3A_342, %get3A_343] : memref<1x2048x64xf32, #tpu.memory_space<vmem>>, vector<1x256x64xf32>
    %squeeze3A_345 = vector.shape_cast %get3A_344 : vector<1x256x64xf32> to vector<256x64xf32>
    %get3A_346 = arith.constant 0 : index
    %get3A_347 = arith.constant 0 : index
    %get3A_348 = arith.constant 0 : index
    %get3A_349 = vector.load %arg2[%get3A_346, %get3A_347, %get3A_348] : memref<1x2048x64xf32, #tpu.memory_space<vmem>>, vector<1x2048x64xf32>
    %get3A_350 = vector.shape_cast %get3A_349 : vector<1x2048x64xf32> to vector<2048x64xf32>
    %get3A_351 = arith.constant 0 : index
    %get3A_352 = arith.constant 0 : index
    %get3A_353 = arith.constant 0 : index
    %get3A_354 = vector.load %arg3[%get3A_351, %get3A_352, %get3A_353] : memref<1x2048x64xf32, #tpu.memory_space<vmem>>, vector<1x2048x64xf32>
    %get3A_355 = vector.shape_cast %get3A_354 : vector<1x2048x64xf32> to vector<2048x64xf32>
    %dot_general3A_356 = arith.constant dense<0.000000e+00> : vector<256x2048xf32>
    %dot_general3A_357 = tpu.matmul %squeeze3A_345, %get3A_350, %dot_general3A_356 {dimension_numbers = #tpu.dot_dimension_numbers<[1], [1], [0], [0], [0, 0, 1, 0], [], []>, transpose_lhs_hint = false} : vector<256x64xf32>, vector<2048x64xf32>, vector<256x2048xf32> -> vector<256x2048xf32>
    %mul3A_358 = arith.constant 1.250000e-01 : f32
    %mul3A_359 = vector.broadcast %mul3A_358 : f32 to vector<256x2048xf32>
    %mul3A_360 = arith.mulf %dot_general3A_357, %mul3A_359 : vector<256x2048xf32>
    %iota3A_361 = tpu.iota {dimensions = array<i32: 0>} : vector<256x2048xi32>
    %add3A_362 = arith.constant 1792 : i32
    %add3A_363 = vector.broadcast %add3A_362 : i32 to vector<256x2048xi32>
    %add3A_364 = arith.addi %add3A_363, %iota3A_361 : vector<256x2048xi32>
    %iota3A_365 = tpu.iota {dimensions = array<i32: 1>} : vector<256x2048xi32>
    %gt3A_366 = arith.cmpi sgt, %iota3A_365, %add3A_364 : vector<256x2048xi32>
    %jit3A_367 = arith.constant -1.000000e+09 : f32
    %broadcast_in_dim3A_368 = vector.broadcast %jit3A_367 : f32 to vector<256x2048xf32>
    %select_n3A_369 = arith.select %gt3A_366, %broadcast_in_dim3A_368, %mul3A_360 : vector<256x2048xi1>, vector<256x2048xf32>
    %reduce_max3A_370 = arith.constant dense<0xFF800000> : vector<256xf32>
    %reduce_max3A_371 = vector.multi_reduction <maximumf>, %select_n3A_369, %reduce_max3A_370 [1] : vector<256x2048xf32> to vector<256xf32>
    %broadcast_in_dim3A_372 = vector.shape_cast %reduce_max3A_371 : vector<256xf32> to vector<256x1xf32>
    %sub3A_373 = vector.broadcast %broadcast_in_dim3A_372 : vector<256x1xf32> to vector<256x2048xf32>
    %sub3A_374 = arith.subf %select_n3A_369, %sub3A_373 : vector<256x2048xf32>
    %exp3A_375 = math.exp %sub3A_374 : vector<256x2048xf32>
    %reduce_sum3A_376 = arith.constant dense<0.000000e+00> : vector<256xf32>
    %reduce_sum3A_377 = vector.multi_reduction <add>, %exp3A_375, %reduce_sum3A_376 [1] : vector<256x2048xf32> to vector<256xf32>
    %broadcast_in_dim3A_378 = vector.shape_cast %reduce_sum3A_377 : vector<256xf32> to vector<256x1xf32>
    %div3A_379 = arith.constant 1.000000e+00 : f32
    %div3A_380 = vector.broadcast %div3A_379 : f32 to vector<256x1xf32>
    %div3A_381 = arith.divf %div3A_380, %broadcast_in_dim3A_378 : vector<256x1xf32>
    %dot_general3A_382 = arith.constant dense<0.000000e+00> : vector<256x64xf32>
    %dot_general3A_383 = tpu.matmul %exp3A_375, %get3A_355, %dot_general3A_382 {dimension_numbers = #tpu.dot_dimension_numbers<[1], [0], [0], [1], [0, 0, 1, 1], [], []>, transpose_lhs_hint = false} : vector<256x2048xf32>, vector<2048x64xf32>, vector<256x64xf32> -> vector<256x64xf32>
    %mul3A_384 = vector.broadcast %div3A_381 : vector<256x1xf32> to vector<256x64xf32>
    %mul3A_385 = arith.mulf %dot_general3A_383, %mul3A_384 : vector<256x64xf32>
    %swap3A_386 = arith.constant 0 : index
    %swap3A_387 = arith.constant 1792 : index
    %swap3A_388 = arith.constant 0 : index
    %swap3A_389 = vector.load %arg4[%swap3A_386, %swap3A_387, %swap3A_388] : memref<1x2048x64xf32, #tpu.memory_space<vmem>>, vector<1x256x64xf32>
    %swap3A_390 = vector.shape_cast %swap3A_389 : vector<1x256x64xf32> to vector<256x64xf32>
    %swap3A_391 = vector.shape_cast %mul3A_385 : vector<256x64xf32> to vector<1x256x64xf32>
    tpu.vector_store %arg4[%swap3A_386, %swap3A_387, %swap3A_388], %swap3A_391 {strides = array<i32>} : memref<1x2048x64xf32, #tpu.memory_space<vmem>>, vector<1x256x64xf32>,
    return
  }
  func.func @transform_0(%arg0: i32) -> (i32, i32, i32) {
    %c0_i32 = arith.constant 0 : i32
    %c0_i32_0 = arith.constant 0 : i32
    %c0_i32_1 = arith.constant 0 : i32
    return %arg0, %c0_i32, %c0_i32_0 : i32, i32, i32
  }
  func.func @transform_1(%arg0: i32) -> (i32, i32, i32) {
    %add3A = arith.constant 12 : i32
    %add3A_0 = arith.addi %add3A, %arg0 : i32
    %c0_i32 = arith.constant 0 : i32
    %c0_i32_1 = arith.constant 0 : i32
    %c0_i32_2 = arith.constant 0 : i32
    return %add3A_0, %c0_i32, %c0_i32_1 : i32, i32, i32
  }
  func.func @transform_2(%arg0: i32) -> (i32, i32, i32) {
    %add3A = arith.constant 24 : i32
    %add3A_0 = arith.addi %add3A, %arg0 : i32
    %c0_i32 = arith.constant 0 : i32
    %c0_i32_1 = arith.constant 0 : i32
    %c0_i32_2 = arith.constant 0 : i32
    return %add3A_0, %c0_i32, %c0_i32_1 : i32, i32, i32
  }
  func.func @transform_3(%arg0: i32) -> (i32, i32, i32) {
    %c0_i32 = arith.constant 0 : i32
    %c0_i32_0 = arith.constant 0 : i32
    %c0_i32_1 = arith.constant 0 : i32
    return %arg0, %c0_i32, %c0_i32_0 : i32, i32, i32
  }
}

module attributes {stable_mosaic.version = 14 : i64} {
  func.func @kern(%arg0: i32, %arg1: memref<1x2048x64xf32, #tpu.memory_space<vmem>>, %arg2: memref<1x64x768xf32, #tpu.memory_space<vmem>>, %arg3: memref<1x768xf32, #tpu.memory_space<vmem>>, %arg4: memref<2048x768xf32, #tpu.memory_space<vmem>>, %arg5: memref<1x768xf32, #tpu.memory_space<vmem>>, %arg6: memref<1x768xf32, #tpu.memory_space<vmem>>, %arg7: memref<2048x768xf32, #tpu.memory_space<vmem>>) attributes {dimension_semantics = [#tpu.dimension_semantics<arbitrary>], iteration_bounds = array<i64: 12>, scalar_prefetch = 0 : i64, scratch_operands = 0 : i64, tpu.core_type = #tpu.core_type<tc>, window_params = [{transform_indices = @transform_0, window_bounds = array<i64: 1, 2048, 64>}, {transform_indices = @transform_1, window_bounds = array<i64: 1, 64, 768>}, {pipeline_mode = #tpu.pipeline_mode<synchronous>, transform_indices = @transform_2, window_bounds = array<i64: 1, 768>}, {pipeline_mode = #tpu.pipeline_mode<synchronous>, transform_indices = @transform_3, window_bounds = array<i64: 2048, 768>}, {pipeline_mode = #tpu.pipeline_mode<synchronous>, transform_indices = @transform_4, window_bounds = array<i64: 1, 768>}, {pipeline_mode = #tpu.pipeline_mode<synchronous>, transform_indices = @transform_5, window_bounds = array<i64: 1, 768>}, {pipeline_mode = #tpu.pipeline_mode<synchronous>, transform_indices = @transform_6, window_bounds = array<i64: 2048, 768>}]} {
    %eq3A = arith.constant 0 : i32
    %eq3A_0 = arith.cmpi eq, %arg0, %eq3A : i32
    %convert_element_type3A = arith.extui %eq3A_0 : i1 to i32
    %cond3A = arith.constant 0 : i32
    %cond3A_1 = arith.cmpi ne, %convert_element_type3A, %cond3A : i32
    scf.if %cond3A_1 {
      %broadcast_in_dim3A = arith.constant 0.000000e+00 : f32
      %broadcast_in_dim3A_22 = vector.broadcast %broadcast_in_dim3A : f32 to vector<2048x768xf32>
      %swap3A_23 = arith.constant 0 : index
      %swap3A_24 = arith.constant 0 : index
      %swap3A_25 = vector.load %arg7[%swap3A_23, %swap3A_24] : memref<2048x768xf32, #tpu.memory_space<vmem>>, vector<2048x768xf32>
      tpu.vector_store %arg7[%swap3A_23, %swap3A_24], %broadcast_in_dim3A_22 {strides = array<i32>} : memref<2048x768xf32, #tpu.memory_space<vmem>>, vector<2048x768xf32>,
    } else {
    }
    %get3A = arith.constant 0 : index
    %get3A_2 = arith.constant 0 : index
    %get3A_3 = vector.load %arg7[%get3A, %get3A_2] : memref<2048x768xf32, #tpu.memory_space<vmem>>, vector<2048x768xf32>
    %get3A_4 = arith.constant 0 : index
    %get3A_5 = arith.constant 0 : index
    %get3A_6 = arith.constant 0 : index
    %get3A_7 = vector.load %arg1[%get3A_4, %get3A_5, %get3A_6] : memref<1x2048x64xf32, #tpu.memory_space<vmem>>, vector<1x2048x64xf32>
    %get3A_8 = vector.shape_cast %get3A_7 : vector<1x2048x64xf32> to vector<2048x64xf32>
    %get3A_9 = arith.constant 0 : index
    %get3A_10 = arith.constant 0 : index
    %get3A_11 = arith.constant 0 : index
    %get3A_12 = vector.load %arg2[%get3A_9, %get3A_10, %get3A_11] : memref<1x64x768xf32, #tpu.memory_space<vmem>>, vector<1x64x768xf32>
    %get3A_13 = vector.shape_cast %get3A_12 : vector<1x64x768xf32> to vector<64x768xf32>
    %dot_general3A = arith.constant dense<0.000000e+00> : vector<2048x768xf32>
    %dot_general3A_14 = tpu.matmul %get3A_8, %get3A_13, %dot_general3A {dimension_numbers = #tpu.dot_dimension_numbers<[1], [0], [0], [1], [0, 0, 1, 1], [], []>, transpose_lhs_hint = false} : vector<2048x64xf32>, vector<64x768xf32>, vector<2048x768xf32> -> vector<2048x768xf32>
    %add3A = arith.addf %get3A_3, %dot_general3A_14 : vector<2048x768xf32>
    %swap3A = arith.constant 0 : index
    %swap3A_15 = arith.constant 0 : index
    %swap3A_16 = vector.load %arg7[%swap3A, %swap3A_15] : memref<2048x768xf32, #tpu.memory_space<vmem>>, vector<2048x768xf32>
    tpu.vector_store %arg7[%swap3A, %swap3A_15], %add3A {strides = array<i32>} : memref<2048x768xf32, #tpu.memory_space<vmem>>, vector<2048x768xf32>,
    %eq3A_17 = arith.constant 11 : i32
    %eq3A_18 = arith.cmpi eq, %arg0, %eq3A_17 : i32
    %convert_element_type3A_19 = arith.extui %eq3A_18 : i1 to i32
    %cond3A_20 = arith.constant 0 : i32
    %cond3A_21 = arith.cmpi ne, %convert_element_type3A_19, %cond3A_20 : i32
    scf.if %cond3A_21 {
      %get3A_22 = arith.constant 0 : index
      %get3A_23 = arith.constant 0 : index
      %get3A_24 = vector.load %arg7[%get3A_22, %get3A_23] : memref<2048x768xf32, #tpu.memory_space<vmem>>, vector<2048x768xf32>
      %get3A_25 = arith.constant 0 : index
      %get3A_26 = arith.constant 0 : index
      %get3A_27 = vector.load %arg3[%get3A_25, %get3A_26] : memref<1x768xf32, #tpu.memory_space<vmem>>, vector<1x768xf32>
      %add3A_28 = vector.broadcast %get3A_27 : vector<1x768xf32> to vector<2048x768xf32>
      %add3A_29 = arith.addf %get3A_24, %add3A_28 : vector<2048x768xf32>
      %get3A_30 = arith.constant 0 : index
      %get3A_31 = arith.constant 0 : index
      %get3A_32 = vector.load %arg4[%get3A_30, %get3A_31] : memref<2048x768xf32, #tpu.memory_space<vmem>>, vector<2048x768xf32>
      %add3A_33 = arith.addf %add3A_29, %get3A_32 : vector<2048x768xf32>
      %reduce_sum3A = arith.constant dense<0.000000e+00> : vector<2048xf32>
      %reduce_sum3A_34 = vector.multi_reduction <add>, %add3A_33, %reduce_sum3A [1] : vector<2048x768xf32> to vector<2048xf32>
      %broadcast_in_dim3A = vector.shape_cast %reduce_sum3A_34 : vector<2048xf32> to vector<2048x1xf32>
      %div3A = arith.constant 7.680000e+02 : f32
      %div3A_35 = vector.broadcast %div3A : f32 to vector<2048x1xf32>
      %div3A_36 = arith.divf %broadcast_in_dim3A, %div3A_35 : vector<2048x1xf32>
      %sub3A = vector.broadcast %div3A_36 : vector<2048x1xf32> to vector<2048x768xf32>
      %sub3A_37 = arith.subf %add3A_33, %sub3A : vector<2048x768xf32>
      %integer_pow3A = arith.mulf %sub3A_37, %sub3A_37 : vector<2048x768xf32>
      %reduce_sum3A_38 = arith.constant dense<0.000000e+00> : vector<2048xf32>
      %reduce_sum3A_39 = vector.multi_reduction <add>, %integer_pow3A, %reduce_sum3A_38 [1] : vector<2048x768xf32> to vector<2048xf32>
      %broadcast_in_dim3A_40 = vector.shape_cast %reduce_sum3A_39 : vector<2048xf32> to vector<2048x1xf32>
      %div3A_41 = arith.constant 7.680000e+02 : f32
      %div3A_42 = vector.broadcast %div3A_41 : f32 to vector<2048x1xf32>
      %div3A_43 = arith.divf %broadcast_in_dim3A_40, %div3A_42 : vector<2048x1xf32>
      %sub3A_44 = vector.broadcast %div3A_36 : vector<2048x1xf32> to vector<2048x768xf32>
      %sub3A_45 = arith.subf %add3A_33, %sub3A_44 : vector<2048x768xf32>
      %add3A_46 = arith.constant 9.99999974E-6 : f32
      %add3A_47 = vector.broadcast %add3A_46 : f32 to vector<2048x1xf32>
      %add3A_48 = arith.addf %div3A_43, %add3A_47 : vector<2048x1xf32>
      %sqrt3A = math.sqrt %add3A_48 : vector<2048x1xf32>
      %div3A_49 = vector.broadcast %sqrt3A : vector<2048x1xf32> to vector<2048x768xf32>
      %div3A_50 = arith.divf %sub3A_45, %div3A_49 : vector<2048x768xf32>
      %get3A_51 = arith.constant 0 : index
      %get3A_52 = arith.constant 0 : index
      %get3A_53 = vector.load %arg5[%get3A_51, %get3A_52] : memref<1x768xf32, #tpu.memory_space<vmem>>, vector<1x768xf32>
      %mul3A = vector.broadcast %get3A_53 : vector<1x768xf32> to vector<2048x768xf32>
      %mul3A_54 = arith.mulf %div3A_50, %mul3A : vector<2048x768xf32>
      %get3A_55 = arith.constant 0 : index
      %get3A_56 = arith.constant 0 : index
      %get3A_57 = vector.load %arg6[%get3A_55, %get3A_56] : memref<1x768xf32, #tpu.memory_space<vmem>>, vector<1x768xf32>
      %add3A_58 = vector.broadcast %get3A_57 : vector<1x768xf32> to vector<2048x768xf32>
      %add3A_59 = arith.addf %mul3A_54, %add3A_58 : vector<2048x768xf32>
      %swap3A_60 = arith.constant 0 : index
      %swap3A_61 = arith.constant 0 : index
      %swap3A_62 = vector.load %arg7[%swap3A_60, %swap3A_61] : memref<2048x768xf32, #tpu.memory_space<vmem>>, vector<2048x768xf32>
      tpu.vector_store %arg7[%swap3A_60, %swap3A_61], %add3A_59 {strides = array<i32>} : memref<2048x768xf32, #tpu.memory_space<vmem>>, vector<2048x768xf32>,
    } else {
    }
    return
  }
  func.func @transform_0(%arg0: i32) -> (i32, i32, i32) {
    %c0_i32 = arith.constant 0 : i32
    %c0_i32_0 = arith.constant 0 : i32
    %c0_i32_1 = arith.constant 0 : i32
    return %arg0, %c0_i32, %c0_i32_0 : i32, i32, i32
  }
  func.func @transform_1(%arg0: i32) -> (i32, i32, i32) {
    %c0_i32 = arith.constant 0 : i32
    %c0_i32_0 = arith.constant 0 : i32
    %c0_i32_1 = arith.constant 0 : i32
    return %arg0, %c0_i32, %c0_i32_0 : i32, i32, i32
  }
  func.func @transform_2(%arg0: i32) -> (i32, i32) {
    %c0_i32 = arith.constant 0 : i32
    %c0_i32_0 = arith.constant 0 : i32
    %c0_i32_1 = arith.constant 0 : i32
    return %c0_i32, %c0_i32_0 : i32, i32
  }
  func.func @transform_3(%arg0: i32) -> (i32, i32) {
    %c0_i32 = arith.constant 0 : i32
    %c0_i32_0 = arith.constant 0 : i32
    %c0_i32_1 = arith.constant 0 : i32
    return %c0_i32, %c0_i32_0 : i32, i32
  }
  func.func @transform_4(%arg0: i32) -> (i32, i32) {
    %c0_i32 = arith.constant 0 : i32
    %c0_i32_0 = arith.constant 0 : i32
    %c0_i32_1 = arith.constant 0 : i32
    return %c0_i32, %c0_i32_0 : i32, i32
  }
  func.func @transform_5(%arg0: i32) -> (i32, i32) {
    %c0_i32 = arith.constant 0 : i32
    %c0_i32_0 = arith.constant 0 : i32
    %c0_i32_1 = arith.constant 0 : i32
    return %c0_i32, %c0_i32_0 : i32, i32
  }
  func.func @transform_6(%arg0: i32) -> (i32, i32) {
    %c0_i32 = arith.constant 0 : i32
    %c0_i32_0 = arith.constant 0 : i32
    %c0_i32_1 = arith.constant 0 : i32
    return %c0_i32, %c0_i32_0 : i32, i32
  }
}

module attributes {stable_mosaic.version = 14 : i64} {
  func.func @kern(%arg0: memref<2048x768xf32, #tpu.memory_space<vmem>>, %arg1: memref<768x8xf32, #tpu.memory_space<vmem>>, %arg2: memref<2048x1xf32, #tpu.memory_space<vmem>>, %arg3: memref<2048x1xf32, #tpu.memory_space<vmem>>, %arg4: memref<2048x1xf32, #tpu.memory_space<vmem>>, %arg5: memref<2048x1xf32, #tpu.memory_space<vmem>>, %arg6: memref<2048x1xf32, #tpu.memory_space<vmem>>, %arg7: memref<2048x1xf32, #tpu.memory_space<vmem>>, %arg8: memref<2048x1xi32, #tpu.memory_space<vmem>>, %arg9: memref<2048x1xi32, #tpu.memory_space<vmem>>, %arg10: memref<2048x1xi32, #tpu.memory_space<vmem>>, %arg11: memref<2048x1xi32, #tpu.memory_space<vmem>>, %arg12: memref<1x1xf32, #tpu.memory_space<vmem>>, %arg13: memref<2048x16xf32, #tpu.memory_space<vmem>>) attributes {dimension_semantics = [], scalar_prefetch = 0 : i64, scratch_operands = 1 : i64, tpu.core_type = #tpu.core_type<tc>} {
    %get3A = arith.constant 0 : index
    %get3A_0 = arith.constant 0 : index
    %get3A_1 = vector.load %arg0[%get3A, %get3A_0] : memref<2048x768xf32, #tpu.memory_space<vmem>>, vector<2048x768xf32>
    %get3A_2 = arith.constant 0 : index
    %get3A_3 = arith.constant 0 : index
    %get3A_4 = vector.load %arg1[%get3A_2, %get3A_3] : memref<768x8xf32, #tpu.memory_space<vmem>>, vector<768x8xf32>
    %dot_general3A = arith.constant dense<0.000000e+00> : vector<2048x8xf32>
    %dot_general3A_5 = tpu.matmul %get3A_1, %get3A_4, %dot_general3A {dimension_numbers = #tpu.dot_dimension_numbers<[1], [0], [0], [1], [0, 0, 1, 1], [], []>, transpose_lhs_hint = false} : vector<2048x768xf32>, vector<768x8xf32>, vector<2048x8xf32> -> vector<2048x8xf32>
    %reduce_max3A = arith.constant dense<0xFF800000> : vector<2048xf32>
    %reduce_max3A_6 = vector.multi_reduction <maximumf>, %dot_general3A_5, %reduce_max3A [1] : vector<2048x8xf32> to vector<2048xf32>
    %broadcast_in_dim3A = vector.shape_cast %reduce_max3A_6 : vector<2048xf32> to vector<2048x1xf32>
    %sub3A = vector.broadcast %broadcast_in_dim3A : vector<2048x1xf32> to vector<2048x8xf32>
    %sub3A_7 = arith.subf %dot_general3A_5, %sub3A : vector<2048x8xf32>
    %exp3A = math.exp %sub3A_7 : vector<2048x8xf32>
    %reduce_sum3A = arith.constant dense<0.000000e+00> : vector<2048xf32>
    %reduce_sum3A_8 = vector.multi_reduction <add>, %exp3A, %reduce_sum3A [1] : vector<2048x8xf32> to vector<2048xf32>
    %broadcast_in_dim3A_9 = vector.shape_cast %reduce_sum3A_8 : vector<2048xf32> to vector<2048x1xf32>
    %div3A = vector.broadcast %broadcast_in_dim3A_9 : vector<2048x1xf32> to vector<2048x8xf32>
    %div3A_10 = arith.divf %exp3A, %div3A : vector<2048x8xf32>
    %iota3A = tpu.iota {dimensions = array<i32: 1>} : vector<2048x8xi32>
    %reduce_max3A_11 = arith.constant dense<0xFF800000> : vector<2048xf32>
    %reduce_max3A_12 = vector.multi_reduction <maximumf>, %div3A_10, %reduce_max3A_11 [1] : vector<2048x8xf32> to vector<2048xf32>
    %broadcast_in_dim3A_13 = vector.shape_cast %reduce_max3A_12 : vector<2048xf32> to vector<2048x1xf32>
    %eq3A = vector.broadcast %broadcast_in_dim3A_13 : vector<2048x1xf32> to vector<2048x8xf32>
    %eq3A_14 = arith.cmpf oeq, %div3A_10, %eq3A : vector<2048x8xf32>
    %jit3A = arith.constant 8 : i32
    %broadcast_in_dim3A_15 = vector.broadcast %jit3A : i32 to vector<2048x8xi32>
    %select_n3A = arith.select %eq3A_14, %iota3A, %broadcast_in_dim3A_15 : vector<2048x8xi1>, vector<2048x8xi32>
    %reduce_min3A = arith.constant dense<2147483647> : vector<2048xi32>
    %reduce_min3A_16 = vector.multi_reduction <minsi>, %select_n3A, %reduce_min3A [1] : vector<2048x8xi32> to vector<2048xi32>
    %broadcast_in_dim3A_17 = vector.shape_cast %reduce_min3A_16 : vector<2048xi32> to vector<2048x1xi32>
    %eq3A_18 = vector.broadcast %broadcast_in_dim3A_17 : vector<2048x1xi32> to vector<2048x8xi32>
    %eq3A_19 = arith.cmpi eq, %iota3A, %eq3A_18 : vector<2048x8xi32>
    %jit3A_20 = arith.constant -1.000000e+00 : f32
    %broadcast_in_dim3A_21 = vector.broadcast %jit3A_20 : f32 to vector<2048x8xf32>
    %select_n3A_22 = arith.select %eq3A_19, %broadcast_in_dim3A_21, %div3A_10 : vector<2048x8xi1>, vector<2048x8xf32>
    %reduce_max3A_23 = arith.constant dense<0xFF800000> : vector<2048xf32>
    %reduce_max3A_24 = vector.multi_reduction <maximumf>, %select_n3A_22, %reduce_max3A_23 [1] : vector<2048x8xf32> to vector<2048xf32>
    %broadcast_in_dim3A_25 = vector.shape_cast %reduce_max3A_24 : vector<2048xf32> to vector<2048x1xf32>
    %eq3A_26 = vector.broadcast %broadcast_in_dim3A_25 : vector<2048x1xf32> to vector<2048x8xf32>
    %eq3A_27 = arith.cmpf oeq, %select_n3A_22, %eq3A_26 : vector<2048x8xf32>
    %jit3A_28 = arith.constant 8 : i32
    %broadcast_in_dim3A_29 = vector.broadcast %jit3A_28 : i32 to vector<2048x8xi32>
    %select_n3A_30 = arith.select %eq3A_27, %iota3A, %broadcast_in_dim3A_29 : vector<2048x8xi1>, vector<2048x8xi32>
    %reduce_min3A_31 = arith.constant dense<2147483647> : vector<2048xi32>
    %reduce_min3A_32 = vector.multi_reduction <minsi>, %select_n3A_30, %reduce_min3A_31 [1] : vector<2048x8xi32> to vector<2048xi32>
    %broadcast_in_dim3A_33 = vector.shape_cast %reduce_min3A_32 : vector<2048xi32> to vector<2048x1xi32>
    %add3A = arith.addf %broadcast_in_dim3A_13, %broadcast_in_dim3A_25 : vector<2048x1xf32>
    %eq3A_34 = vector.broadcast %broadcast_in_dim3A_17 : vector<2048x1xi32> to vector<2048x8xi32>
    %eq3A_35 = arith.cmpi eq, %iota3A, %eq3A_34 : vector<2048x8xi32>
    %convert_element_type3A = arith.extui %eq3A_35 : vector<2048x8xi1> to vector<2048x8xi32>
    %convert_element_type3A_36 = arith.sitofp %convert_element_type3A : vector<2048x8xi32> to vector<2048x8xf32>
    %eq3A_37 = vector.broadcast %broadcast_in_dim3A_33 : vector<2048x1xi32> to vector<2048x8xi32>
    %eq3A_38 = arith.cmpi eq, %iota3A, %eq3A_37 : vector<2048x8xi32>
    %convert_element_type3A_39 = arith.extui %eq3A_38 : vector<2048x8xi1> to vector<2048x8xi32>
    %convert_element_type3A_40 = arith.sitofp %convert_element_type3A_39 : vector<2048x8xi32> to vector<2048x8xf32>
    %concatenate3A = tpu.concatenate %convert_element_type3A_36, %convert_element_type3A_40 in 1 : vector<2048x8xf32>, vector<2048x8xf32> -> vector<2048x16xf32>
    %scan3A = arith.constant 0 : i32
    %scan3A_41 = arith.constant 4 : i32
    %scan3A_42 = arith.addi %scan3A, %scan3A_41 : i32
    %scan3A_43 = arith.constant 1 : i32
    scf.for %scan3A_164 = %scan3A to %scan3A_42 step %scan3A_43  : i32 {
      %mul3A_165 = arith.constant 512 : i32
      %mul3A_166 = arith.muli %scan3A_164, %mul3A_165 : i32
      %iota3A_167 = tpu.iota {dimensions = array<i32: 0>} : vector<512x2048xi32>
      %add3A_168 = vector.broadcast %mul3A_166 : i32 to vector<512x2048xi32>
      %add3A_169 = arith.addi %add3A_168, %iota3A_167 : vector<512x2048xi32>
      %iota3A_170 = tpu.iota {dimensions = array<i32: 1>} : vector<512x2048xi32>
      %lt3A_171 = arith.cmpi slt, %iota3A_170, %add3A_169 : vector<512x2048xi32>
      %convert_element_type3A_172 = arith.extui %lt3A_171 : vector<512x2048xi1> to vector<512x2048xi32>
      %convert_element_type3A_173 = arith.sitofp %convert_element_type3A_172 : vector<512x2048xi32> to vector<512x2048xf32>
      %dot_general3A_174 = arith.constant dense<0.000000e+00> : vector<512x16xf32>
      %dot_general3A_175 = tpu.matmul %convert_element_type3A_173, %concatenate3A, %dot_general3A_174 {dimension_numbers = #tpu.dot_dimension_numbers<[1], [0], [0], [1], [0, 0, 1, 1], [], []>, transpose_lhs_hint = false} : vector<512x2048xf32>, vector<2048x16xf32>, vector<512x16xf32> -> vector<512x16xf32>
      %mul3A_176 = arith.constant 512 : i32
      %mul3A_177 = arith.muli %scan3A_164, %mul3A_176 : i32
      %swap3A_178 = arith.index_cast %mul3A_177 : i32 to index
      %swap3A_179 = arith.constant 0 : index
      %swap3A_180 = vector.load %arg13[%swap3A_178, %swap3A_179] : memref<2048x16xf32, #tpu.memory_space<vmem>>, vector<512x16xf32>
      tpu.vector_store %arg13[%swap3A_178, %swap3A_179], %dot_general3A_175 {strides = array<i32>} : memref<2048x16xf32, #tpu.memory_space<vmem>>, vector<512x16xf32>,
    }
    %scan3A_44 = arith.constant 4 : i32
    %get3A_45 = arith.constant 0 : index
    %get3A_46 = arith.constant 0 : index
    %get3A_47 = vector.load %arg13[%get3A_45, %get3A_46] : memref<2048x16xf32, #tpu.memory_space<vmem>>, vector<2048x16xf32>
    %slice3A = vector.extract_strided_slice %get3A_47 {offsets = [0, 0], sizes = [2048, 8], strides = [1, 1]} : vector<2048x16xf32> to vector<2048x8xf32>
    %reduce_sum3A_48 = arith.constant dense<0.000000e+00> : vector<8xf32>
    %reduce_sum3A_49 = vector.multi_reduction <add>, %convert_element_type3A_36, %reduce_sum3A_48 [0] : vector<2048x8xf32> to vector<8xf32>
    %broadcast_in_dim3A_50 = vector.shape_cast %reduce_sum3A_49 : vector<8xf32> to vector<1x8xf32>
    %slice3A_51 = vector.extract_strided_slice %get3A_47 {offsets = [0, 8], sizes = [2048, 8], strides = [1, 1]} : vector<2048x16xf32> to vector<2048x8xf32>
    %add3A_52 = vector.broadcast %broadcast_in_dim3A_50 : vector<1x8xf32> to vector<2048x8xf32>
    %add3A_53 = arith.addf %slice3A_51, %add3A_52 : vector<2048x8xf32>
    %mul3A = arith.mulf %slice3A, %convert_element_type3A_36 : vector<2048x8xf32>
    %reduce_sum3A_54 = arith.constant dense<0.000000e+00> : vector<2048xf32>
    %reduce_sum3A_55 = vector.multi_reduction <add>, %mul3A, %reduce_sum3A_54 [1] : vector<2048x8xf32> to vector<2048xf32>
    %broadcast_in_dim3A_56 = vector.shape_cast %reduce_sum3A_55 : vector<2048xf32> to vector<2048x1xf32>
    %mul3A_57 = arith.mulf %add3A_53, %convert_element_type3A_40 : vector<2048x8xf32>
    %reduce_sum3A_58 = arith.constant dense<0.000000e+00> : vector<2048xf32>
    %reduce_sum3A_59 = vector.multi_reduction <add>, %mul3A_57, %reduce_sum3A_58 [1] : vector<2048x8xf32> to vector<2048xf32>
    %broadcast_in_dim3A_60 = vector.shape_cast %reduce_sum3A_59 : vector<2048xf32> to vector<2048x1xf32>
    %convert_element_type3A_61 = arith.sitofp %broadcast_in_dim3A_17 : vector<2048x1xi32> to vector<2048x1xf32>
    %swap3A = arith.constant 0 : index
    %swap3A_62 = arith.constant 0 : index
    %swap3A_63 = vector.load %arg2[%swap3A, %swap3A_62] : memref<2048x1xf32, #tpu.memory_space<vmem>>, vector<2048x1xf32>
    tpu.vector_store %arg2[%swap3A, %swap3A_62], %convert_element_type3A_61 {strides = array<i32>} : memref<2048x1xf32, #tpu.memory_space<vmem>>, vector<2048x1xf32>,
    %convert_element_type3A_64 = arith.sitofp %broadcast_in_dim3A_33 : vector<2048x1xi32> to vector<2048x1xf32>
    %swap3A_65 = arith.constant 0 : index
    %swap3A_66 = arith.constant 0 : index
    %swap3A_67 = vector.load %arg3[%swap3A_65, %swap3A_66] : memref<2048x1xf32, #tpu.memory_space<vmem>>, vector<2048x1xf32>
    tpu.vector_store %arg3[%swap3A_65, %swap3A_66], %convert_element_type3A_64 {strides = array<i32>} : memref<2048x1xf32, #tpu.memory_space<vmem>>, vector<2048x1xf32>,
    %swap3A_68 = arith.constant 0 : index
    %swap3A_69 = arith.constant 0 : index
    %swap3A_70 = vector.load %arg4[%swap3A_68, %swap3A_69] : memref<2048x1xf32, #tpu.memory_space<vmem>>, vector<2048x1xf32>
    tpu.vector_store %arg4[%swap3A_68, %swap3A_69], %broadcast_in_dim3A_56 {strides = array<i32>} : memref<2048x1xf32, #tpu.memory_space<vmem>>, vector<2048x1xf32>,
    %swap3A_71 = arith.constant 0 : index
    %swap3A_72 = arith.constant 0 : index
    %swap3A_73 = vector.load %arg5[%swap3A_71, %swap3A_72] : memref<2048x1xf32, #tpu.memory_space<vmem>>, vector<2048x1xf32>
    tpu.vector_store %arg5[%swap3A_71, %swap3A_72], %broadcast_in_dim3A_60 {strides = array<i32>} : memref<2048x1xf32, #tpu.memory_space<vmem>>, vector<2048x1xf32>,
    %div3A_74 = arith.divf %broadcast_in_dim3A_13, %add3A : vector<2048x1xf32>
    %swap3A_75 = arith.constant 0 : index
    %swap3A_76 = arith.constant 0 : index
    %swap3A_77 = vector.load %arg6[%swap3A_75, %swap3A_76] : memref<2048x1xf32, #tpu.memory_space<vmem>>, vector<2048x1xf32>
    tpu.vector_store %arg6[%swap3A_75, %swap3A_76], %div3A_74 {strides = array<i32>} : memref<2048x1xf32, #tpu.memory_space<vmem>>, vector<2048x1xf32>,
    %div3A_78 = arith.divf %broadcast_in_dim3A_25, %add3A : vector<2048x1xf32>
    %swap3A_79 = arith.constant 0 : index
    %swap3A_80 = arith.constant 0 : index
    %swap3A_81 = vector.load %arg7[%swap3A_79, %swap3A_80] : memref<2048x1xf32, #tpu.memory_space<vmem>>, vector<2048x1xf32>
    tpu.vector_store %arg7[%swap3A_79, %swap3A_80], %div3A_78 {strides = array<i32>} : memref<2048x1xf32, #tpu.memory_space<vmem>>, vector<2048x1xf32>,
    %convert_element_type3A_82 = arith.fptosi %broadcast_in_dim3A_56 : vector<2048x1xf32> to vector<2048x1xi32>
    %convert_element_type3A_83 = arith.fptosi %broadcast_in_dim3A_60 : vector<2048x1xf32> to vector<2048x1xi32>
    %mul3A_84 = arith.constant 640 : i32
    %mul3A_85 = vector.broadcast %mul3A_84 : i32 to vector<2048x1xi32>
    %mul3A_86 = arith.muli %broadcast_in_dim3A_17, %mul3A_85 : vector<2048x1xi32>
    %add3A_87 = arith.addi %mul3A_86, %convert_element_type3A_82 : vector<2048x1xi32>
    %mul3A_88 = arith.constant 640 : i32
    %mul3A_89 = vector.broadcast %mul3A_88 : i32 to vector<2048x1xi32>
    %mul3A_90 = arith.muli %broadcast_in_dim3A_33, %mul3A_89 : vector<2048x1xi32>
    %add3A_91 = arith.addi %mul3A_90, %convert_element_type3A_83 : vector<2048x1xi32>
    %lt3A = arith.constant 640 : i32
    %lt3A_92 = vector.broadcast %lt3A : i32 to vector<2048x1xi32>
    %lt3A_93 = arith.cmpi slt, %convert_element_type3A_82, %lt3A_92 : vector<2048x1xi32>
    %jit3A_94 = arith.constant 5120 : i32
    %broadcast_in_dim3A_95 = vector.broadcast %jit3A_94 : i32 to vector<2048x1xi32>
    %select_n3A_96 = arith.select %lt3A_93, %add3A_87, %broadcast_in_dim3A_95 : vector<2048x1xi1>, vector<2048x1xi32>
    %swap3A_97 = arith.constant 0 : index
    %swap3A_98 = arith.constant 0 : index
    %swap3A_99 = vector.load %arg8[%swap3A_97, %swap3A_98] : memref<2048x1xi32, #tpu.memory_space<vmem>>, vector<2048x1xi32>
    tpu.vector_store %arg8[%swap3A_97, %swap3A_98], %select_n3A_96 {strides = array<i32>} : memref<2048x1xi32, #tpu.memory_space<vmem>>, vector<2048x1xi32>,
    %lt3A_100 = arith.constant 640 : i32
    %lt3A_101 = vector.broadcast %lt3A_100 : i32 to vector<2048x1xi32>
    %lt3A_102 = arith.cmpi slt, %convert_element_type3A_83, %lt3A_101 : vector<2048x1xi32>
    %jit3A_103 = arith.constant 5120 : i32
    %broadcast_in_dim3A_104 = vector.broadcast %jit3A_103 : i32 to vector<2048x1xi32>
    %select_n3A_105 = arith.select %lt3A_102, %add3A_91, %broadcast_in_dim3A_104 : vector<2048x1xi1>, vector<2048x1xi32>
    %swap3A_106 = arith.constant 0 : index
    %swap3A_107 = arith.constant 0 : index
    %swap3A_108 = vector.load %arg9[%swap3A_106, %swap3A_107] : memref<2048x1xi32, #tpu.memory_space<vmem>>, vector<2048x1xi32>
    tpu.vector_store %arg9[%swap3A_106, %swap3A_107], %select_n3A_105 {strides = array<i32>} : memref<2048x1xi32, #tpu.memory_space<vmem>>, vector<2048x1xi32>,
    %lt3A_109 = arith.constant 640 : i32
    %lt3A_110 = vector.broadcast %lt3A_109 : i32 to vector<2048x1xi32>
    %lt3A_111 = arith.cmpi slt, %convert_element_type3A_82, %lt3A_110 : vector<2048x1xi32>
    %jit3A_112 = arith.constant 0 : i32
    %broadcast_in_dim3A_113 = vector.broadcast %jit3A_112 : i32 to vector<2048x1xi32>
    %select_n3A_114 = arith.select %lt3A_111, %add3A_87, %broadcast_in_dim3A_113 : vector<2048x1xi1>, vector<2048x1xi32>
    %swap3A_115 = arith.constant 0 : index
    %swap3A_116 = arith.constant 0 : index
    %swap3A_117 = vector.load %arg10[%swap3A_115, %swap3A_116] : memref<2048x1xi32, #tpu.memory_space<vmem>>, vector<2048x1xi32>
    tpu.vector_store %arg10[%swap3A_115, %swap3A_116], %select_n3A_114 {strides = array<i32>} : memref<2048x1xi32, #tpu.memory_space<vmem>>, vector<2048x1xi32>,
    %lt3A_118 = arith.constant 640 : i32
    %lt3A_119 = vector.broadcast %lt3A_118 : i32 to vector<2048x1xi32>
    %lt3A_120 = arith.cmpi slt, %convert_element_type3A_83, %lt3A_119 : vector<2048x1xi32>
    %jit3A_121 = arith.constant 0 : i32
    %broadcast_in_dim3A_122 = vector.broadcast %jit3A_121 : i32 to vector<2048x1xi32>
    %select_n3A_123 = arith.select %lt3A_120, %add3A_91, %broadcast_in_dim3A_122 : vector<2048x1xi1>, vector<2048x1xi32>
    %swap3A_124 = arith.constant 0 : index
    %swap3A_125 = arith.constant 0 : index
    %swap3A_126 = vector.load %arg11[%swap3A_124, %swap3A_125] : memref<2048x1xi32, #tpu.memory_space<vmem>>, vector<2048x1xi32>
    tpu.vector_store %arg11[%swap3A_124, %swap3A_125], %select_n3A_123 {strides = array<i32>} : memref<2048x1xi32, #tpu.memory_space<vmem>>, vector<2048x1xi32>,
    %reduce_sum3A_127 = arith.constant dense<0.000000e+00> : vector<8xf32>
    %reduce_sum3A_128 = vector.multi_reduction <add>, %div3A_10, %reduce_sum3A_127 [0] : vector<2048x8xf32> to vector<8xf32>
    %broadcast_in_dim3A_129 = vector.shape_cast %reduce_sum3A_128 : vector<8xf32> to vector<1x8xf32>
    %div3A_130 = arith.constant 2.048000e+03 : f32
    %div3A_131 = vector.broadcast %div3A_130 : f32 to vector<1x8xf32>
    %div3A_132 = arith.divf %broadcast_in_dim3A_129, %div3A_131 : vector<1x8xf32>
    %reduce_sum3A_133 = arith.constant dense<0.000000e+00> : vector<8xf32>
    %reduce_sum3A_134 = vector.multi_reduction <add>, %convert_element_type3A_36, %reduce_sum3A_133 [0] : vector<2048x8xf32> to vector<8xf32>
    %broadcast_in_dim3A_135 = vector.shape_cast %reduce_sum3A_134 : vector<8xf32> to vector<1x8xf32>
    %div3A_136 = arith.constant 2.048000e+03 : f32
    %div3A_137 = vector.broadcast %div3A_136 : f32 to vector<1x8xf32>
    %div3A_138 = arith.divf %broadcast_in_dim3A_135, %div3A_137 : vector<1x8xf32>
    %mul3A_139 = arith.mulf %div3A_132, %div3A_138 : vector<1x8xf32>
    %reduce_sum3A_140 = vector.shape_cast %mul3A_139 : vector<1x8xf32> to vector<1x1x8xf32>
    %reduce_sum3A_141 = arith.constant dense<0.000000e+00> : vector<1xf32>
    %reduce_sum3A_142 = vector.multi_reduction <add>, %reduce_sum3A_140, %reduce_sum3A_141 [1, 2] : vector<1x1x8xf32> to vector<1xf32>
    %reduce_sum3A_143 = vector.shape_cast %reduce_sum3A_142 : vector<1xf32> to vector<1x1x1xf32>
    %reduce_sum3A_144 = vector.extract %reduce_sum3A_143[0, 0, 0] : f32 from vector<1x1x1xf32>
    %mul3A_145 = arith.constant 8.000000e+00 : f32
    %mul3A_146 = arith.mulf %mul3A_145, %reduce_sum3A_144 : f32
    %log3A = math.log %broadcast_in_dim3A_9 : vector<2048x1xf32>
    %add3A_147 = arith.addf %broadcast_in_dim3A, %log3A : vector<2048x1xf32>
    %mul3A_148 = arith.mulf %add3A_147, %add3A_147 : vector<2048x1xf32>
    %reduce_sum3A_149 = vector.shape_cast %mul3A_148 : vector<2048x1xf32> to vector<1x2048x1xf32>
    %reduce_sum3A_150 = arith.constant dense<0.000000e+00> : vector<1xf32>
    %reduce_sum3A_151 = vector.multi_reduction <add>, %reduce_sum3A_149, %reduce_sum3A_150 [1, 2] : vector<1x2048x1xf32> to vector<1xf32>
    %reduce_sum3A_152 = vector.shape_cast %reduce_sum3A_151 : vector<1xf32> to vector<1x1x1xf32>
    %reduce_sum3A_153 = vector.extract %reduce_sum3A_152[0, 0, 0] : f32 from vector<1x1x1xf32>
    %div3A_154 = arith.constant 2.048000e+03 : f32
    %div3A_155 = arith.divf %reduce_sum3A_153, %div3A_154 : f32
    %mul3A_156 = arith.constant 0.00999999977 : f32
    %mul3A_157 = arith.mulf %mul3A_156, %mul3A_146 : f32
    %mul3A_158 = arith.constant 1.000000e-03 : f32
    %mul3A_159 = arith.mulf %mul3A_158, %div3A_155 : f32
    %add3A_160 = arith.addf %mul3A_157, %mul3A_159 : f32
    %reshape3A = vector.broadcast %add3A_160 : f32 to vector<1x1xf32>
    %swap3A_161 = arith.constant 0 : index
    %swap3A_162 = arith.constant 0 : index
    %swap3A_163 = vector.load %arg12[%swap3A_161, %swap3A_162] : memref<1x1xf32, #tpu.memory_space<vmem>>, vector<1x1xf32>
    tpu.vector_store %arg12[%swap3A_161, %swap3A_162], %reshape3A {strides = array<i32>} : memref<1x1xf32, #tpu.memory_space<vmem>>, vector<1x1xf32>,
    return
  }
}

module attributes {stable_mosaic.version = 14 : i64} {
  func.func @kern(%arg0: i32, %arg1: i32, %arg2: memref<640x768xf32, #tpu.memory_space<vmem>>, %arg3: memref<1x768x1024xf32, #tpu.memory_space<vmem>>, %arg4: memref<1x1x1024xf32, #tpu.memory_space<vmem>>, %arg5: memref<1x1024x768xf32, #tpu.memory_space<vmem>>, %arg6: memref<1x1x768xf32, #tpu.memory_space<vmem>>, %arg7: memref<640x768xf32, #tpu.memory_space<vmem>>, %arg8: memref<640x768xf32, #tpu.memory_space<vmem>>) attributes {dimension_semantics = [#tpu.dimension_semantics<arbitrary>, #tpu.dimension_semantics<arbitrary>], iteration_bounds = array<i64: 8, 3>, scalar_prefetch = 0 : i64, scratch_operands = 1 : i64, tpu.core_type = #tpu.core_type<tc>, window_params = [{transform_indices = @transform_0, window_bounds = array<i64: 640, 768>}, {transform_indices = @transform_1, window_bounds = array<i64: 1, 768, 1024>}, {transform_indices = @transform_2, window_bounds = array<i64: 1, 1, 1024>}, {transform_indices = @transform_3, window_bounds = array<i64: 1, 1024, 768>}, {transform_indices = @transform_4, window_bounds = array<i64: 1, 1, 768>}, {transform_indices = @transform_5, window_bounds = array<i64: 640, 768>}]} {
    %eq3A = arith.constant 0 : i32
    %eq3A_0 = arith.cmpi eq, %arg1, %eq3A : i32
    %convert_element_type3A = arith.extui %eq3A_0 : i1 to i32
    %cond3A = arith.constant 0 : i32
    %cond3A_1 = arith.cmpi ne, %convert_element_type3A, %cond3A : i32
    scf.if %cond3A_1 {
      %broadcast_in_dim3A = arith.constant 0.000000e+00 : f32
      %broadcast_in_dim3A_48 = vector.broadcast %broadcast_in_dim3A : f32 to vector<640x768xf32>
      %swap3A_49 = arith.constant 0 : index
      %swap3A_50 = arith.constant 0 : index
      %swap3A_51 = vector.load %arg8[%swap3A_49, %swap3A_50] : memref<640x768xf32, #tpu.memory_space<vmem>>, vector<640x768xf32>
      tpu.vector_store %arg8[%swap3A_49, %swap3A_50], %broadcast_in_dim3A_48 {strides = array<i32>} : memref<640x768xf32, #tpu.memory_space<vmem>>, vector<640x768xf32>,
    } else {
    }
    %get3A = arith.constant 0 : index
    %get3A_2 = arith.constant 0 : index
    %get3A_3 = vector.load %arg2[%get3A, %get3A_2] : memref<640x768xf32, #tpu.memory_space<vmem>>, vector<640x768xf32>
    %get3A_4 = arith.constant 0 : index
    %get3A_5 = arith.constant 0 : index
    %get3A_6 = arith.constant 0 : index
    %get3A_7 = vector.load %arg3[%get3A_4, %get3A_5, %get3A_6] : memref<1x768x1024xf32, #tpu.memory_space<vmem>>, vector<1x768x1024xf32>
    %get3A_8 = vector.shape_cast %get3A_7 : vector<1x768x1024xf32> to vector<768x1024xf32>
    %dot_general3A = arith.constant dense<0.000000e+00> : vector<640x1024xf32>
    %dot_general3A_9 = tpu.matmul %get3A_3, %get3A_8, %dot_general3A {dimension_numbers = #tpu.dot_dimension_numbers<[1], [0], [0], [1], [0, 0, 1, 1], [], []>, transpose_lhs_hint = false} : vector<640x768xf32>, vector<768x1024xf32>, vector<640x1024xf32> -> vector<640x1024xf32>
    %get3A_10 = arith.constant 0 : index
    %get3A_11 = arith.constant 0 : index
    %get3A_12 = arith.constant 0 : index
    %get3A_13 = vector.load %arg4[%get3A_10, %get3A_11, %get3A_12] : memref<1x1x1024xf32, #tpu.memory_space<vmem>>, vector<1x1x1024xf32>
    %get3A_14 = vector.shape_cast %get3A_13 : vector<1x1x1024xf32> to vector<1x1024xf32>
    %add3A = vector.broadcast %get3A_14 : vector<1x1024xf32> to vector<640x1024xf32>
    %add3A_15 = arith.addf %dot_general3A_9, %add3A : vector<640x1024xf32>
    %integer_pow3A = arith.mulf %add3A_15, %add3A_15 : vector<640x1024xf32>
    %integer_pow3A_16 = arith.mulf %add3A_15, %integer_pow3A : vector<640x1024xf32>
    %mul3A = arith.constant 4.471500e-02 : f32
    %mul3A_17 = vector.broadcast %mul3A : f32 to vector<640x1024xf32>
    %mul3A_18 = arith.mulf %mul3A_17, %integer_pow3A_16 : vector<640x1024xf32>
    %add3A_19 = arith.addf %add3A_15, %mul3A_18 : vector<640x1024xf32>
    %mul3A_20 = arith.constant 0.797884583 : f32
    %mul3A_21 = vector.broadcast %mul3A_20 : f32 to vector<640x1024xf32>
    %mul3A_22 = arith.mulf %mul3A_21, %add3A_19 : vector<640x1024xf32>
    %tanh3A = math.tanh %mul3A_22 : vector<640x1024xf32>
    %add3A_23 = arith.constant 1.000000e+00 : f32
    %add3A_24 = vector.broadcast %add3A_23 : f32 to vector<640x1024xf32>
    %add3A_25 = arith.addf %add3A_24, %tanh3A : vector<640x1024xf32>
    %mul3A_26 = arith.constant 5.000000e-01 : f32
    %mul3A_27 = vector.broadcast %mul3A_26 : f32 to vector<640x1024xf32>
    %mul3A_28 = arith.mulf %mul3A_27, %add3A_25 : vector<640x1024xf32>
    %mul3A_29 = arith.mulf %add3A_15, %mul3A_28 : vector<640x1024xf32>
    %get3A_30 = arith.constant 0 : index
    %get3A_31 = arith.constant 0 : index
    %get3A_32 = vector.load %arg8[%get3A_30, %get3A_31] : memref<640x768xf32, #tpu.memory_space<vmem>>, vector<640x768xf32>
    %get3A_33 = arith.constant 0 : index
    %get3A_34 = arith.constant 0 : index
    %get3A_35 = arith.constant 0 : index
    %get3A_36 = vector.load %arg5[%get3A_33, %get3A_34, %get3A_35] : memref<1x1024x768xf32, #tpu.memory_space<vmem>>, vector<1x1024x768xf32>
    %get3A_37 = vector.shape_cast %get3A_36 : vector<1x1024x768xf32> to vector<1024x768xf32>
    %dot_general3A_38 = arith.constant dense<0.000000e+00> : vector<640x768xf32>
    %dot_general3A_39 = tpu.matmul %mul3A_29, %get3A_37, %dot_general3A_38 {dimension_numbers = #tpu.dot_dimension_numbers<[1], [0], [0], [1], [0, 0, 1, 1], [], []>, transpose_lhs_hint = false} : vector<640x1024xf32>, vector<1024x768xf32>, vector<640x768xf32> -> vector<640x768xf32>
    %add3A_40 = arith.addf %get3A_32, %dot_general3A_39 : vector<640x768xf32>
    %swap3A = arith.constant 0 : index
    %swap3A_41 = arith.constant 0 : index
    %swap3A_42 = vector.load %arg8[%swap3A, %swap3A_41] : memref<640x768xf32, #tpu.memory_space<vmem>>, vector<640x768xf32>
    tpu.vector_store %arg8[%swap3A, %swap3A_41], %add3A_40 {strides = array<i32>} : memref<640x768xf32, #tpu.memory_space<vmem>>, vector<640x768xf32>,
    %eq3A_43 = arith.constant 2 : i32
    %eq3A_44 = arith.cmpi eq, %arg1, %eq3A_43 : i32
    %convert_element_type3A_45 = arith.extui %eq3A_44 : i1 to i32
    %cond3A_46 = arith.constant 0 : i32
    %cond3A_47 = arith.cmpi ne, %convert_element_type3A_45, %cond3A_46 : i32
    scf.if %cond3A_47 {
      %get3A_48 = arith.constant 0 : index
      %get3A_49 = arith.constant 0 : index
      %get3A_50 = vector.load %arg8[%get3A_48, %get3A_49] : memref<640x768xf32, #tpu.memory_space<vmem>>, vector<640x768xf32>
      %get3A_51 = arith.constant 0 : index
      %get3A_52 = arith.constant 0 : index
      %get3A_53 = arith.constant 0 : index
      %get3A_54 = vector.load %arg6[%get3A_51, %get3A_52, %get3A_53] : memref<1x1x768xf32, #tpu.memory_space<vmem>>, vector<1x1x768xf32>
      %get3A_55 = vector.shape_cast %get3A_54 : vector<1x1x768xf32> to vector<1x768xf32>
      %add3A_56 = vector.broadcast %get3A_55 : vector<1x768xf32> to vector<640x768xf32>
      %add3A_57 = arith.addf %get3A_50, %add3A_56 : vector<640x768xf32>
      %swap3A_58 = arith.constant 0 : index
      %swap3A_59 = arith.constant 0 : index
      %swap3A_60 = vector.load %arg7[%swap3A_58, %swap3A_59] : memref<640x768xf32, #tpu.memory_space<vmem>>, vector<640x768xf32>
      tpu.vector_store %arg7[%swap3A_58, %swap3A_59], %add3A_57 {strides = array<i32>} : memref<640x768xf32, #tpu.memory_space<vmem>>, vector<640x768xf32>,
    } else {
    }
    return
  }
  func.func @transform_0(%arg0: i32, %arg1: i32) -> (i32, i32) {
    %c0_i32 = arith.constant 0 : i32
    %c0_i32_0 = arith.constant 0 : i32
    return %arg0, %c0_i32 : i32, i32
  }
  func.func @transform_1(%arg0: i32, %arg1: i32) -> (i32, i32, i32) {
    %c0_i32 = arith.constant 0 : i32
    %c0_i32_0 = arith.constant 0 : i32
    return %arg0, %c0_i32, %arg1 : i32, i32, i32
  }
  func.func @transform_2(%arg0: i32, %arg1: i32) -> (i32, i32, i32) {
    %c0_i32 = arith.constant 0 : i32
    %c0_i32_0 = arith.constant 0 : i32
    return %arg0, %c0_i32, %arg1 : i32, i32, i32
  }
  func.func @transform_3(%arg0: i32, %arg1: i32) -> (i32, i32, i32) {
    %c0_i32 = arith.constant 0 : i32
    %c0_i32_0 = arith.constant 0 : i32
    return %arg0, %arg1, %c0_i32 : i32, i32, i32
  }
  func.func @transform_4(%arg0: i32, %arg1: i32) -> (i32, i32, i32) {
    %c0_i32 = arith.constant 0 : i32
    %c0_i32_0 = arith.constant 0 : i32
    %c0_i32_1 = arith.constant 0 : i32
    return %arg0, %c0_i32, %c0_i32_0 : i32, i32, i32
  }
  func.func @transform_5(%arg0: i32, %arg1: i32) -> (i32, i32) {
    %c0_i32 = arith.constant 0 : i32
    %c0_i32_0 = arith.constant 0 : i32
    return %arg0, %c0_i32 : i32, i32
  }
}

module attributes {stable_mosaic.version = 14 : i64} {
  func.func @kern(%arg0: i32, %arg1: memref<2048x768xf32, #tpu.memory_space<vmem>>, %arg2: memref<2048x768xf32, #tpu.memory_space<vmem>>, %arg3: memref<2048x768xf32, #tpu.memory_space<vmem>>, %arg4: memref<2048x1xf32, #tpu.memory_space<vmem>>, %arg5: memref<2048x1xf32, #tpu.memory_space<vmem>>, %arg6: memref<2048x1xf32, #tpu.memory_space<vmem>>, %arg7: memref<2048x1xf32, #tpu.memory_space<vmem>>, %arg8: memref<1x768xf32, #tpu.memory_space<vmem>>, %arg9: memref<1x768xf32, #tpu.memory_space<vmem>>, %arg10: memref<2048x768xf32, #tpu.memory_space<vmem>>) attributes {dimension_semantics = [#tpu.dimension_semantics<arbitrary>], iteration_bounds = array<i64: 1>, scalar_prefetch = 0 : i64, scratch_operands = 0 : i64, tpu.core_type = #tpu.core_type<tc>, window_params = [{pipeline_mode = #tpu.pipeline_mode<synchronous>, transform_indices = @transform_0, window_bounds = array<i64: 2048, 768>}, {transform_indices = @transform_1, window_bounds = array<i64: 2048, 768>}, {transform_indices = @transform_2, window_bounds = array<i64: 2048, 768>}, {pipeline_mode = #tpu.pipeline_mode<synchronous>, transform_indices = @transform_3, window_bounds = array<i64: 2048, 1>}, {pipeline_mode = #tpu.pipeline_mode<synchronous>, transform_indices = @transform_4, window_bounds = array<i64: 2048, 1>}, {pipeline_mode = #tpu.pipeline_mode<synchronous>, transform_indices = @transform_5, window_bounds = array<i64: 2048, 1>}, {pipeline_mode = #tpu.pipeline_mode<synchronous>, transform_indices = @transform_6, window_bounds = array<i64: 2048, 1>}, {pipeline_mode = #tpu.pipeline_mode<synchronous>, transform_indices = @transform_7, window_bounds = array<i64: 1, 768>}, {pipeline_mode = #tpu.pipeline_mode<synchronous>, transform_indices = @transform_8, window_bounds = array<i64: 1, 768>}, {pipeline_mode = #tpu.pipeline_mode<synchronous>, transform_indices = @transform_9, window_bounds = array<i64: 2048, 768>}]} {
    %get3A = arith.constant 0 : index
    %get3A_0 = arith.constant 0 : index
    %get3A_1 = vector.load %arg6[%get3A, %get3A_0] : memref<2048x1xf32, #tpu.memory_space<vmem>>, vector<2048x1xf32>
    %lt3A = arith.constant 6.400000e+02 : f32
    %lt3A_2 = vector.broadcast %lt3A : f32 to vector<2048x1xf32>
    %lt3A_3 = arith.cmpf olt, %get3A_1, %lt3A_2 : vector<2048x1xf32>
    %get3A_4 = arith.constant 0 : index
    %get3A_5 = arith.constant 0 : index
    %get3A_6 = vector.load %arg4[%get3A_4, %get3A_5] : memref<2048x1xf32, #tpu.memory_space<vmem>>, vector<2048x1xf32>
    %get3A_7 = arith.constant 0 : index
    %get3A_8 = arith.constant 0 : index
    %get3A_9 = vector.load %arg2[%get3A_7, %get3A_8] : memref<2048x768xf32, #tpu.memory_space<vmem>>, vector<2048x768xf32>
    %mul3A = vector.broadcast %get3A_6 : vector<2048x1xf32> to vector<2048x768xf32>
    %mul3A_10 = arith.mulf %mul3A, %get3A_9 : vector<2048x768xf32>
    %jit3A = arith.constant 0.000000e+00 : f32
    %broadcast_in_dim3A = vector.shape_cast %lt3A_3 : vector<2048x1xi1> to vector<2048x1xi1>
    %broadcast_in_dim3A_11 = vector.broadcast %broadcast_in_dim3A : vector<2048x1xi1> to vector<2048x768xi1>
    %broadcast_in_dim3A_12 = vector.broadcast %jit3A : f32 to vector<2048x768xf32>
    %select_n3A = arith.select %broadcast_in_dim3A_11, %mul3A_10, %broadcast_in_dim3A_12 : vector<2048x768xi1>, vector<2048x768xf32>
    %get3A_13 = arith.constant 0 : index
    %get3A_14 = arith.constant 0 : index
    %get3A_15 = vector.load %arg7[%get3A_13, %get3A_14] : memref<2048x1xf32, #tpu.memory_space<vmem>>, vector<2048x1xf32>
    %lt3A_16 = arith.constant 6.400000e+02 : f32
    %lt3A_17 = vector.broadcast %lt3A_16 : f32 to vector<2048x1xf32>
    %lt3A_18 = arith.cmpf olt, %get3A_15, %lt3A_17 : vector<2048x1xf32>
    %get3A_19 = arith.constant 0 : index
    %get3A_20 = arith.constant 0 : index
    %get3A_21 = vector.load %arg5[%get3A_19, %get3A_20] : memref<2048x1xf32, #tpu.memory_space<vmem>>, vector<2048x1xf32>
    %get3A_22 = arith.constant 0 : index
    %get3A_23 = arith.constant 0 : index
    %get3A_24 = vector.load %arg3[%get3A_22, %get3A_23] : memref<2048x768xf32, #tpu.memory_space<vmem>>, vector<2048x768xf32>
    %mul3A_25 = vector.broadcast %get3A_21 : vector<2048x1xf32> to vector<2048x768xf32>
    %mul3A_26 = arith.mulf %mul3A_25, %get3A_24 : vector<2048x768xf32>
    %jit3A_27 = arith.constant 0.000000e+00 : f32
    %broadcast_in_dim3A_28 = vector.shape_cast %lt3A_18 : vector<2048x1xi1> to vector<2048x1xi1>
    %broadcast_in_dim3A_29 = vector.broadcast %broadcast_in_dim3A_28 : vector<2048x1xi1> to vector<2048x768xi1>
    %broadcast_in_dim3A_30 = vector.broadcast %jit3A_27 : f32 to vector<2048x768xf32>
    %select_n3A_31 = arith.select %broadcast_in_dim3A_29, %mul3A_26, %broadcast_in_dim3A_30 : vector<2048x768xi1>, vector<2048x768xf32>
    %get3A_32 = arith.constant 0 : index
    %get3A_33 = arith.constant 0 : index
    %get3A_34 = vector.load %arg1[%get3A_32, %get3A_33] : memref<2048x768xf32, #tpu.memory_space<vmem>>, vector<2048x768xf32>
    %add3A = arith.addf %get3A_34, %select_n3A : vector<2048x768xf32>
    %add3A_35 = arith.addf %add3A, %select_n3A_31 : vector<2048x768xf32>
    %reduce_sum3A = arith.constant dense<0.000000e+00> : vector<2048xf32>
    %reduce_sum3A_36 = vector.multi_reduction <add>, %add3A_35, %reduce_sum3A [1] : vector<2048x768xf32> to vector<2048xf32>
    %broadcast_in_dim3A_37 = vector.shape_cast %reduce_sum3A_36 : vector<2048xf32> to vector<2048x1xf32>
    %div3A = arith.constant 7.680000e+02 : f32
    %div3A_38 = vector.broadcast %div3A : f32 to vector<2048x1xf32>
    %div3A_39 = arith.divf %broadcast_in_dim3A_37, %div3A_38 : vector<2048x1xf32>
    %sub3A = vector.broadcast %div3A_39 : vector<2048x1xf32> to vector<2048x768xf32>
    %sub3A_40 = arith.subf %add3A_35, %sub3A : vector<2048x768xf32>
    %integer_pow3A = arith.mulf %sub3A_40, %sub3A_40 : vector<2048x768xf32>
    %reduce_sum3A_41 = arith.constant dense<0.000000e+00> : vector<2048xf32>
    %reduce_sum3A_42 = vector.multi_reduction <add>, %integer_pow3A, %reduce_sum3A_41 [1] : vector<2048x768xf32> to vector<2048xf32>
    %broadcast_in_dim3A_43 = vector.shape_cast %reduce_sum3A_42 : vector<2048xf32> to vector<2048x1xf32>
    %div3A_44 = arith.constant 7.680000e+02 : f32
    %div3A_45 = vector.broadcast %div3A_44 : f32 to vector<2048x1xf32>
    %div3A_46 = arith.divf %broadcast_in_dim3A_43, %div3A_45 : vector<2048x1xf32>
    %sub3A_47 = vector.broadcast %div3A_39 : vector<2048x1xf32> to vector<2048x768xf32>
    %sub3A_48 = arith.subf %add3A_35, %sub3A_47 : vector<2048x768xf32>
    %add3A_49 = arith.constant 9.99999974E-6 : f32
    %add3A_50 = vector.broadcast %add3A_49 : f32 to vector<2048x1xf32>
    %add3A_51 = arith.addf %div3A_46, %add3A_50 : vector<2048x1xf32>
    %sqrt3A = math.sqrt %add3A_51 : vector<2048x1xf32>
    %div3A_52 = vector.broadcast %sqrt3A : vector<2048x1xf32> to vector<2048x768xf32>
    %div3A_53 = arith.divf %sub3A_48, %div3A_52 : vector<2048x768xf32>
    %get3A_54 = arith.constant 0 : index
    %get3A_55 = arith.constant 0 : index
    %get3A_56 = vector.load %arg8[%get3A_54, %get3A_55] : memref<1x768xf32, #tpu.memory_space<vmem>>, vector<1x768xf32>
    %mul3A_57 = vector.broadcast %get3A_56 : vector<1x768xf32> to vector<2048x768xf32>
    %mul3A_58 = arith.mulf %div3A_53, %mul3A_57 : vector<2048x768xf32>
    %get3A_59 = arith.constant 0 : index
    %get3A_60 = arith.constant 0 : index
    %get3A_61 = vector.load %arg9[%get3A_59, %get3A_60] : memref<1x768xf32, #tpu.memory_space<vmem>>, vector<1x768xf32>
    %add3A_62 = vector.broadcast %get3A_61 : vector<1x768xf32> to vector<2048x768xf32>
    %add3A_63 = arith.addf %mul3A_58, %add3A_62 : vector<2048x768xf32>
    %swap3A = arith.constant 0 : index
    %swap3A_64 = arith.constant 0 : index
    %swap3A_65 = vector.load %arg10[%swap3A, %swap3A_64] : memref<2048x768xf32, #tpu.memory_space<vmem>>, vector<2048x768xf32>
    tpu.vector_store %arg10[%swap3A, %swap3A_64], %add3A_63 {strides = array<i32>} : memref<2048x768xf32, #tpu.memory_space<vmem>>, vector<2048x768xf32>,
    return
  }
  func.func @transform_0(%arg0: i32) -> (i32, i32) {
    %c0_i32 = arith.constant 0 : i32
    %c0_i32_0 = arith.constant 0 : i32
    %c0_i32_1 = arith.constant 0 : i32
    return %c0_i32, %c0_i32_0 : i32, i32
  }
  func.func @transform_1(%arg0: i32) -> (i32, i32) {
    %c0_i32 = arith.constant 0 : i32
    %c0_i32_0 = arith.constant 0 : i32
    %c0_i32_1 = arith.constant 0 : i32
    return %c0_i32, %c0_i32_0 : i32, i32
  }
  func.func @transform_2(%arg0: i32) -> (i32, i32) {
    %c1_i32 = arith.constant 1 : i32
    %c0_i32 = arith.constant 0 : i32
    %c0_i32_0 = arith.constant 0 : i32
    return %c1_i32, %c0_i32 : i32, i32
  }
  func.func @transform_3(%arg0: i32) -> (i32, i32) {
    %c0_i32 = arith.constant 0 : i32
    %c0_i32_0 = arith.constant 0 : i32
    %c0_i32_1 = arith.constant 0 : i32
    return %c0_i32, %c0_i32_0 : i32, i32
  }
  func.func @transform_4(%arg0: i32) -> (i32, i32) {
    %c0_i32 = arith.constant 0 : i32
    %c0_i32_0 = arith.constant 0 : i32
    %c0_i32_1 = arith.constant 0 : i32
    return %c0_i32, %c0_i32_0 : i32, i32
  }
  func.func @transform_5(%arg0: i32) -> (i32, i32) {
    %c0_i32 = arith.constant 0 : i32
    %c0_i32_0 = arith.constant 0 : i32
    %c0_i32_1 = arith.constant 0 : i32
    return %c0_i32, %c0_i32_0 : i32, i32
  }
  func.func @transform_6(%arg0: i32) -> (i32, i32) {
    %c0_i32 = arith.constant 0 : i32
    %c0_i32_0 = arith.constant 0 : i32
    %c0_i32_1 = arith.constant 0 : i32
    return %c0_i32, %c0_i32_0 : i32, i32
  }
  func.func @transform_7(%arg0: i32) -> (i32, i32) {
    %c0_i32 = arith.constant 0 : i32
    %c0_i32_0 = arith.constant 0 : i32
    %c0_i32_1 = arith.constant 0 : i32
    return %c0_i32, %c0_i32_0 : i32, i32
  }
  func.func @transform_8(%arg0: i32) -> (i32, i32) {
    %c0_i32 = arith.constant 0 : i32
    %c0_i32_0 = arith.constant 0 : i32
    %c0_i32_1 = arith.constant 0 : i32
    return %c0_i32, %c0_i32_0 : i32, i32
  }
  func.func @transform_9(%arg0: i32) -> (i32, i32) {
    %c0_i32 = arith.constant 0 : i32
    %c0_i32_0 = arith.constant 0 : i32
    %c0_i32_1 = arith.constant 0 : i32
    return %c0_i32, %c0_i32_0 : i32, i32
  }
}

module attributes {stable_mosaic.version = 14 : i64} {
  func.func @kern(%arg0: i32, %arg1: memref<2048x768xf32, #tpu.memory_space<vmem>>, %arg2: memref<1024x768xf32, #tpu.memory_space<vmem>>, %arg3: memref<1x1024xf32, #tpu.memory_space<vmem>>, %arg4: memref<2048x1024xf32, #tpu.memory_space<vmem>>) attributes {dimension_semantics = [#tpu.dimension_semantics<arbitrary>], iteration_bounds = array<i64: 16>, scalar_prefetch = 0 : i64, scratch_operands = 0 : i64, tpu.core_type = #tpu.core_type<tc>, window_params = [{pipeline_mode = #tpu.pipeline_mode<synchronous>, transform_indices = @transform_0, window_bounds = array<i64: 2048, 768>}, {transform_indices = @transform_1, window_bounds = array<i64: 1024, 768>}, {transform_indices = @transform_2, window_bounds = array<i64: 1, 1024>}, {transform_indices = @transform_3, window_bounds = array<i64: 2048, 1024>}]} {
    %get3A = arith.constant 0 : index
    %get3A_0 = arith.constant 0 : index
    %get3A_1 = vector.load %arg1[%get3A, %get3A_0] : memref<2048x768xf32, #tpu.memory_space<vmem>>, vector<2048x768xf32>
    %get3A_2 = arith.constant 0 : index
    %get3A_3 = arith.constant 0 : index
    %get3A_4 = vector.load %arg2[%get3A_2, %get3A_3] : memref<1024x768xf32, #tpu.memory_space<vmem>>, vector<1024x768xf32>
    %dot_general3A = arith.constant dense<0.000000e+00> : vector<2048x1024xf32>
    %dot_general3A_5 = tpu.matmul %get3A_1, %get3A_4, %dot_general3A {dimension_numbers = #tpu.dot_dimension_numbers<[1], [1], [0], [0], [0, 0, 1, 0], [], []>, transpose_lhs_hint = false} : vector<2048x768xf32>, vector<1024x768xf32>, vector<2048x1024xf32> -> vector<2048x1024xf32>
    %get3A_6 = arith.constant 0 : index
    %get3A_7 = arith.constant 0 : index
    %get3A_8 = vector.load %arg3[%get3A_6, %get3A_7] : memref<1x1024xf32, #tpu.memory_space<vmem>>, vector<1x1024xf32>
    %add3A = vector.broadcast %get3A_8 : vector<1x1024xf32> to vector<2048x1024xf32>
    %add3A_9 = arith.addf %dot_general3A_5, %add3A : vector<2048x1024xf32>
    %swap3A = arith.constant 0 : index
    %swap3A_10 = arith.constant 0 : index
    %swap3A_11 = vector.load %arg4[%swap3A, %swap3A_10] : memref<2048x1024xf32, #tpu.memory_space<vmem>>, vector<2048x1024xf32>
    tpu.vector_store %arg4[%swap3A, %swap3A_10], %add3A_9 {strides = array<i32>} : memref<2048x1024xf32, #tpu.memory_space<vmem>>, vector<2048x1024xf32>,
    return
  }
  func.func @transform_0(%arg0: i32) -> (i32, i32) {
    %c0_i32 = arith.constant 0 : i32
    %c0_i32_0 = arith.constant 0 : i32
    %c0_i32_1 = arith.constant 0 : i32
    return %c0_i32, %c0_i32_0 : i32, i32
  }
  func.func @transform_1(%arg0: i32) -> (i32, i32) {
    %c0_i32 = arith.constant 0 : i32
    %c0_i32_0 = arith.constant 0 : i32
    return %arg0, %c0_i32 : i32, i32
  }
  func.func @transform_2(%arg0: i32) -> (i32, i32) {
    %c0_i32 = arith.constant 0 : i32
    %c0_i32_0 = arith.constant 0 : i32
    return %c0_i32, %arg0 : i32, i32
  }
  func.func @transform_3(%arg0: i32) -> (i32, i32) {
    %c0_i32 = arith.constant 0 : i32
    %c0_i32_0 = arith.constant 0 : i32
    return %c0_i32, %arg0 : i32, i32
  }
}

</mosaic_0001>

<sc_bundles>
// kernel: kernel.21.cloned.1.call-start
scs
__scs_entry_jumppad:
0x0: {  	(pc) =	sbr.rel $0x88, $3  }
0x1: {  	(tag) =	ssettag $0x0;
	lr =	simm.s32 $0x1  }
0x2: {  	[smem:$0x3F8F] =	sst lr;
	_ =	strace $0xD0000000  }
0x3: {  	_ = 	snop  }
0x4: {  	_ = 	snop  }
0x5: {  	_ = 	snop  }
0x6: {  	_ = 	snop  }
0x7: {  	_ = 	snop  }
__scs_overlays_trampoline_lowered:
0x8: {  	[smem:$0x3F9E] =	sst s0  }
0x9: {  	[smem:$0x3F9F] =	sst s1  }
0xa: {  	[smem:$0x3FA0] =	sst s2  }
0xb: {  	[smem:$0x3FA1] =	sst s3  }
0xc: {  	[smem:$0x3FA2] =	sst s4  }
0xd: {  	[smem:$0x3FA3] =	sst s5  }
0xe: {  	[smem:$0x3FA4] =	sst s6  }
0xf: {  	[smem:$0x3FA5] =	sst s7  }
0x10: {  	[smem:$0x3FA6] =	sst s8  }
0x11: {  	[smem:$0x3FA7] =	sst s9;
	s0 =	simm.s32 @!p0 $0x0  }
0x12: {  	s1 =	sld [smem:$0x3F8D];
	s0 =	simm.s32 @p0 $0x1  }
0x13: {  	[smem:$0x3FA8] =	sst s0;
	s0 =	simm.s32 @!p1 $0x0  }
0x14: {  	s2 =	sld [smem:$0x3F8C];
	s0 =	simm.s32 @p1 $0x1  }
0x15: {  	[smem:$0x3FA9] =	sst s0;
	s0 =	simm.s32 @!p2 $0x0  }
0x16: {  	s3 =	sld [smem:$0x3FDB];
	s0 =	simm.s32 @p2 $0x1  }
0x17: {  	s4 =	simm.s32 $0x1BF5;
	[smem:$0x3FAB] =	sst s0  }
0x18: {  	s0 =	sld [smem:$0x3F8E];
	_ =	swait.ge [sflag:s4], $0x0  }
0x19: {  	s7 =	sld [smem:$0x3F8F]  }
0x1a: {  	s8 =	sadd.s32 $0xFFFFE003, lr  }
0x1b: {  	s9 =	sadd.s32 $0xFFFFFEF7, lr;
	s5 =	simm.s32 $0xFFFFFFFF;
	p2 =	slt.u32 s8, $0xFFFFF086  }
0x1c: {  	p1 =	slt.u32 s9, $0xF7A;
	s5 =	simm.s32 @!p2 $0x0  }
0x1d: {  	s5 =	simm.s32 @p1 $0x1;
	p0 =	seq.s32 s7, s2  }
0x1e: {  	s7 =	smul.u32 @!p0 $0xF7A, s2;
	p2 =	seq.s32 @!p0 s5, $0x0  }
0x1f: {  	s9 =	smul.u32 $0xF7A, s1;
	s8 =	simm.s32 @!p0 $0x1BF5;
	p2 =	por !p2, p0  }
0x20: {  	[sflag:s8] =	ssyncset.s32 @!p0 $0xFFFFF086;
	s6 =	sadd.s32 @!p0 s3, s7;
	s7 =	simm.s32 @!p0 $0x108  }
0x21: {  	s3 =	sadd.s32 s3, s9;
	s6 =	sadd.s32 @!p0 $0x88, s6;
	s7 =	simm.s32 @p2 $0x1082  }
0x22: {  	[simem:s7], [sflag:s8] =	dma.local @!p0 [hbm:s6], $0xF7A  }
0x23: {  	s9 =	sor.u32 $0xD0000000, s2;
	s6 =	simm.s32 $0x108;
	_ =	swait.ge @!p0 [sflag:s8], $0x0  }
0x24: {  	s3 =	sadd.s32 $0x88, s3;
	s6 =	simm.s32 @!p1 $0x1082;
	[sflag:s4] =	ssyncset.s32 $0xFFFFF086  }
0x25: {  	[simem:s6], [sflag:s4] =	dma.local [hbm:s3], $0xF7A  }
0x26: {  	[smem:$0x3F8F] =	sst s1;
	(tag) =	ssettag s2;
	_ =	strace s9  }
0x27: {  	s1 =	sld [smem:$0x3F9F]  }
0x28: {  	s2 =	sld [smem:$0x3FA0]  }
0x29: {  	s4 =	sld [smem:$0x3FA2]  }
0x2a: {  	p0 =	seq.s32 s5, $0x0;
	s5 =	sld [smem:$0x3FA3]  }
0x2b: {  	s6 =	sld [smem:$0x3FA4]  }
0x2c: {  	s7 =	sld [smem:$0x3FA5]  }
0x2d: {  	s3 =	simm.s32 $0x108;
	s8 =	sld [smem:$0x3FA6]  }
0x2e: {  	s3 =	simm.s32 @!p0 $0x1082;
	s9 =	sld [smem:$0x3FA7]  }
0x2f: {  	lr =	sadd.s32 s0, s3;
	s0 =	sld [smem:$0x3F9E]  }
0x30: {  	s3 =	sld [smem:$0x3FA1]  }
0x31: {  	[smem:$0x3FAA] =	sst s10  }
0x32: {  	s10 =	sld [smem:$0x3FA8];
	_ =	sdelay $0x3  }
0x33: {  	p0 =	seq.s32 s10, $0x1;
	s10 =	sld [smem:$0x3FAA];
	_ =	sdelay $0x3  }
0x34: {  	[smem:$0x3FAA] =	sst s10  }
0x35: {  	s10 =	sld [smem:$0x3FA9];
	_ =	sdelay $0x3  }
0x36: {  	p1 =	seq.s32 s10, $0x1;
	s10 =	sld [smem:$0x3FAA];
	_ =	sdelay $0x3  }
0x37: {  	[smem:$0x3FAA] =	sst s10  }
0x38: {  	s10 =	sld [smem:$0x3FAB]  }
0x39: {  	_ = 	snop;
	(pc) =	sbr.ind lr, $3  }
0x3a: {  	_ = 	snop  }
0x3b: {  	_ = 	snop  }
0x3c: {  	p2 =	seq.s32 s10, $0x1;
	s10 =	sld [smem:$0x3FAA]  }
0x3d: {  	_ =	shalt  }
0x3e: {  	_ =	shalt  }
0x3f: {  	_ =	shalt  }
0x40: {  	_ =	shalt  }
0x41: {  	_ =	shalt  }
0x42: {  	_ =	shalt  }
0x43: {  	_ =	shalt  }
0x44: {  	_ =	shalt  }
0x45: {  	_ =	shalt  }
0x46: {  	_ =	shalt  }
0x47: {  	_ =	shalt  }
0x48: {  	_ =	shalt  }
0x49: {  	_ =	shalt  }
0x4a: {  	_ =	shalt  }
0x4b: {  	_ =	shalt  }
0x4c: {  	_ =	shalt  }
0x4d: {  	_ =	shalt  }
0x4e: {  	_ =	shalt  }
0x4f: {  	_ =	shalt  }
0x50: {  	_ =	shalt  }
0x51: {  	_ =	shalt  }
0x52: {  	_ =	shalt  }
0x53: {  	_ =	shalt  }
0x54: {  	_ =	shalt  }
0x55: {  	_ =	shalt  }
0x56: {  	_ =	shalt  }
0x57: {  	_ =	shalt  }
0x58: {  	_ =	shalt  }
0x59: {  	_ =	shalt  }
0x5a: {  	_ =	shalt  }
0x5b: {  	_ =	shalt  }
0x5c: {  	_ =	shalt  }
0x5d: {  	_ =	shalt  }
0x5e: {  	_ =	shalt  }
0x5f: {  	_ =	shalt  }
0x60: {  	_ =	shalt  }
0x61: {  	_ =	shalt  }
0x62: {  	_ =	shalt  }
0x63: {  	_ =	shalt  }
0x64: {  	_ =	shalt  }
0x65: {  	_ =	shalt  }
0x66: {  	_ =	shalt  }
0x67: {  	_ =	shalt  }
0x68: {  	_ =	shalt  }
0x69: {  	_ =	shalt  }
0x6a: {  	_ =	shalt  }
0x6b: {  	_ =	shalt  }
0x6c: {  	_ =	shalt  }
0x6d: {  	_ =	shalt  }
0x6e: {  	_ =	shalt  }
0x6f: {  	_ =	shalt  }
0x70: {  	_ =	shalt  }
0x71: {  	_ =	shalt  }
0x72: {  	_ =	shalt  }
0x73: {  	_ =	shalt  }
0x74: {  	_ =	shalt  }
0x75: {  	_ =	shalt  }
0x76: {  	_ =	shalt  }
0x77: {  	_ =	shalt  }
0x78: {  	_ =	shalt  }
0x79: {  	_ =	shalt  }
0x7a: {  	_ =	shalt  }
0x7b: {  	_ =	shalt  }
0x7c: {  	_ =	shalt  }
0x7d: {  	_ =	shalt  }
0x7e: {  	_ =	shalt  }
0x7f: {  	_ =	shalt  }
0x80: {  	_ =	shalt  }
0x81: {  	_ =	shalt  }
0x82: {  	_ =	shalt  }
0x83: {  	_ =	shalt  }
0x84: {  	_ =	shalt  }
0x85: {  	_ =	shalt  }
0x86: {  	_ =	shalt  }
0x87: {  	_ =	shalt  }
.Lfunc_end0:
.L_simem_size_0:
called_computation_lowered:
.L_overlay_start_0:
0x88: {  	s2 =	sld [smem:$0x3FD9]  }
0x89: {  	s3 =	sld [smem:$0x3FFE];
	_ =	sdelay $0x1  }
0x8a: {  	s1 =	srdreg.scid  }
0x8b: {  	s0 =	sand.u32 $0x1, s1  }
0x8c: {  	s15 =	sshll.u32 s0, $0xA;
	s2 =	sadd.s32 s3, s2  }
0x8d: {  	s2 =	sadd.s32 s2, s15  }
0x8e: {  	[smem:$0x3FB6] =	sst s2  }
0x8f: {  	_ = 	snop  }
0x90: {  	s2 =	sld [smem:$0x3FD0];
	_ =	sdelay $0x1  }
0x91: {  	s16 =	sld [smem:$0x3FC9]  }
0x92: {  	s5 =	simm.s32 $0xA;
	s6 =	simm.s32 $0x10;
	s4 =	sld [smem:$0x3FC8]  }
0x93: {  	[smem:s6], [sflag:s5] =	dma.local [hbm:s2], $0x1  }
0x94: {  	_ =	swait.eq [sflag:s5], $0x1  }
0x95: {  	[sflag:s5] =	ssyncset.done $0x0  }
0x96: {  	[sflag:s5] =	ssyncadd.s32 $0xFFFFFFFF  }
0x97: {  	s17 =	sld [smem:$0x10];
	(tm) =	ssettm $0x1  }
0x98: {  	s18 =	sld [smem:$0x3FFB];
	_ =	sdelay $0x3  }
0x99: {  	_ =	strace s18  }
0x9a: {  	s5 =	sld [smem:$0x3FFC];
	_ =	sdelay $0x3  }
0x9b: {  	_ =	strace s5  }
0x9c: {  	s5 =	sld [smem:$0x3FFD];
	_ =	sdelay $0x3  }
0x9d: {  	_ =	strace s5  }
0x9e: {  	_ =	strace $0x8FFFFFFF  }
0x9f: {  	s19 =	sld [smem:$0x3FDB];
	_ =	sdelay $0x1  }
0xa0: {  	s20 =	simm.s32 $_scs_section_size  }
0xa1: {  	s7 =	simm.s32 $_size__tile_overlayer_lowered;
	s8 =	simm.s32 $_tile_overlayer_lowered  }
0xa2: {  	s23 =	simm.s32 $0x1BFF;
	s22 =	sshll.u32 s8, $0x1;
	s5 =	sadd.s32 s20, s19  }
0xa3: {  	s9 =	simm.s32 $0x0;
	s21 =	sshll.u32 s7, $0x1;
	s7 =	sadd.s32 s22, s5  }
0xa4: {  	[timem:s9], [sflag:s23] =	dma.local [hbm:s7], s21  }
0xa5: {  	_ =	swait.ge [sflag:s23], s21  }
0xa6: {  	s6 =	ssub.s32 $0x0, s21;
	[sflag:s23] =	ssyncset.done $0x0  }
0xa7: {  	[sflag:s23] =	ssyncadd.s32 s6;
	_ =	sdelay $0x1  }
0xa8: {  	s24 =	simm.s32 $0x1B8B  }
0xa9: {  	_ =	swait.ge [sflag:s24], $0x1  }
0xaa: {  	[sflag:s24] =	ssyncset.done $0x0  }
0xab: {  	s25 =	simm.s32 $0x1B8E;
	[sflag:s24] =	ssyncadd.s32 $0xFFFFFFFF  }
0xac: {  	s26 =	simm.s32 $execute0_lowered;
	[smem:$0x3FD2] =	sst s25  }
0xad: {  	s6 =	sshll.u32 s26, $0x1;
	_ =	strace $0x80000046;
	[dreg:$0x1] =	wrdreg $0xFFFFFFFF  }
0xae: {  	s28 =	simm.s32 $_size_execute0_lowered;
	s5 =	sadd.s32 s5, s6;
	[dreg:$0x0] =	wrdreg $0x0  }
0xaf: {  	s6 =	sshll.u32 s28, $0x1;
	[dreg:$0x2] =	wrdreg s5  }
0xb0: {  	[dreg:$0x3] =	wrdreg s6  }
0xb1: {  	[dreg:$0x4] =	wrdreg $0xC0  }
0xb2: {  	_ =	task [dreg:s9], $0x5FFFF  }
0xb3: {  	[dreg:$0x1] =	wrdreg $0xFFFFFFFF  }
0xb4: {  	[dreg:$0x0] =	wrdreg $0x60  }
0xb5: {  	[dreg:$0x2] =	wrdreg s16  }
0xb6: {  	[dreg:$0x3] =	wrdreg s4  }
0xb7: {  	[dreg:$0x4] =	wrdreg s17  }
0xb8: {  	[dreg:$0x5] =	wrdreg $0x9  }
0xb9: {  	_ =	task.clear_ibuf [dreg:s9], $0x6FFFF;
	_ =	strace $0x90000046  }
0xba: {  	s29 =	simm.s32 $0x9;
	_ =	strace $0x80000048  }
0xbb: {  	_ =	swait.ge [sflag:s29], $0x1  }
0xbc: {  	[sflag:s29] =	ssyncadd.s32 $0xFFFFFFFF  }
0xbd: {  	_ =	strace $0x90000048  }
0xbe: {  	_ =	sfence  }
0xbf: {  	s30 =	sld [smem:$0x0];
	_ =	sdelay $0x2  }
0xc0: {  	s31 =	sshll.u32 s1, $0xD;
	s1 =	sshrl.u32 s1, $0x2  }
0xc1: {  	s3 =	sand.u32 $0x4000, s31;
	s1 =	sadd.s32 s1, s30  }
0xc2: {  	s0 =	sor.u32 s3, s0;
	s1 =	sshll.u32 s1, $0x11  }
0xc3: {  	s0 =	sor.u32 s1, s0  }
0xc4: {  	s0 =	sadd.s32 $0x8F2B, s0  }
0xc5: {  	[sflag:s0] =	ssyncadd.remote.s32 $0x1  }
0xc6: {  	_ =	sfence.sel $0xFFFF  }
0xc7: {  	[dreg:$0x0] =	wrdreg $0xFFFFFFFF;
	(pc) =	sbr.abs _section_cstart, $3  }
0xc8: {  	[dreg:$0x1] =	wrdreg $0xFFFFFFFF  }
0xc9: {  	_ =	task.clear_ibuf [dreg:s9], $0x2FFFF;
	_ =	strace $0x9FFFFFFF  }
0xca: {  	(tm) =	ssettm $0x7FFFFFFF  }
0xcb: {  	_ =	shalt  }
tec
execute0_lowered:
.L_overlay_start_1:
0x0: {  	(tag) =	ssettag $0x1  }
0x1: {  	s0 =	rddreg [dreg:$0x0]  }
0x2: {  	s2 =	rddreg [dreg:$0x1];
	s3 =	srdreg.scid  }
0x3: {  	s5 =	rddreg [dreg:$0x2];
	s1 =	stileid.u32  }
0x4: {  	s26 =	simm.s32 $0x880;
	s9 =	simm.s32 $0x1080;
	s10 =	simm.s32 $0x1880  }
0x5: {  	s11 =	simm.s32 $0x2080;
	s12 =	simm.s32 $0x2880;
	s13 =	simm.s32 $0x3080  }
0x6: {  	s14 =	simm.s32 $0x3880;
	s15 =	simm.s32 $0x4080;
	s16 =	simm.s32 $0x4880  }
0x7: {  	s17 =	simm.s32 $0x5080;
	s18 =	simm.s32 $0x5880;
	s19 =	simm.s32 $0x6080  }
0x8: {  	s20 =	simm.s32 $0x6880;
	s21 =	simm.s32 $0x7080;
	s22 =	simm.s32 $0x7880  }
0x9: {  	s23 =	simm.s32 $0x8080;
	s28 =	simm.s32 $0xA080;
	s29 =	simm.s32 $0xA880  }
0xa: {  	s30 =	simm.s32 $0xB080;
	s31 =	simm.s32 $0xB880;
	s4 =	sand.u32 $0x1, s3  }
0xb: {  	s6 =	sshll.u32 s1, $0x4;
	s3 =	simm.s32 $0x0;
	s7 =	sshll.u32 s4, $0x3  }
0xc: {  	s4 =	ssub.s32 $0x2, s4;
	[smem:$0x7FF] =	sst s3;
	s6 =	sor.u32 s7, s6  }
0xd: {  	s24 =	sshrl.u32 s4, $0x1;
	_ =	strace $0x80000047;
	[dreg:$0x6] =	wrdreg s26  }
0xe: {  	s26 =	simm.s32 $0x9880;
	s8 =	smul.u32 $0x300, s6;
	s7 =	ssub.s32 s4, s24  }
0xf: {  	s0 =	sadd.s32 s0, s6;
	s4 =	sadd.s32 $0x100, s2;
	s24 =	simm.s32 $0x8880  }
0x10: {  	v2 =	vlaneseq.u32;
	[dreg:$0x4] =	wrdreg s0;
	s6 =	smax.u32 s7, $0x1;
	s7 =	simm.s32 $0x2  }
0x11: {  	vm0 =	vmmov $0xffff;
	v1 =	vshrl.u32 v2, $0x3;
	s0 =	simm.s32 $0x1;
	s25 =	sadd.s32 s5, s8;
	s5 =	sadd.s32 $0x200, s2  }
0x12: {  	v0 =	vand.u32 $0x7, v2;
	v2 =	vor.u32 $0x8, v2;
	v1 =	vmul.u32 $0x8, v1;
	s8 =	simm.s32 $0x80;
	[dreg:$0x5] =	wrdreg s25;
	s25 =	simm.s32 $0x9080  }
.LBB2_1:
0x13: {  	s1 =	rddreg [dreg:$0x4]  }
0x14: {  	[tilespmem:s3], [sflag:$0x2] =	stream.linear.gather [hbm4b:s1+s3], $0x40, $0x38;
	[tilespmem:$0xC080] =	vst v63  }
0x15: {  	_ =	swait.ge [sflag:s7], $0x40  }
0x16: {  	[sflag:s7] =	ssyncset.done $0x0  }
0x17: {  	[sflag:s7] =	ssyncadd.s32 $0xFFFFFFC0  }
0x18: {  	v3 =	vld [tilespmem:$0x0];
	_ =	sdelay $0x4  }
0x19: {  	v4 =	vshrl.u32 v3, $0x3  }
0x1a: {  	v4 =	vmul.u32 $0x30, v4  }
0x1b: {  	v3 =	vand.u32 $0x7, v3  }
0x1c: {  	v3 =	vor.u32 v3, v4  }
0x1d: {  	v4 =	vperm.xlane v3, v0;
	_ =	sdelay $0x1  }
0x1e: {  	v4 =	vadd.s32 v1, v4;
	_ =	sdelay $0x3  }
0x1f: {  	v3 =	vperm.xlane v3, v2  }
0x20: {  	[tilespmem:s8], [sflag:$0x1] =	stream.indirect_vreg.gather [hbm4b:s2+s3], $0x80, v4, vm0, $0xb8;
	[tilespmem:$0xC080] =	vst v63  }
0x21: {  	s1 =	rddreg [dreg:$0x6];
	v3 =	vadd.s32 v1, v3  }
0x22: {  	[tilespmem:s1], [sflag:$0x1] =	stream.indirect_vreg.gather [hbm4b:s4+s3], $0x80, v4, vm0, $0xb8;
	[tilespmem:$0xC080] =	vst v63  }
0x23: {  	_ = 	snop  }
0x24: {  	[tilespmem:s9], [sflag:$0x1] =	stream.indirect_vreg.gather [hbm4b:s5+s3], $0x80, v4, vm0, $0xb8;
	[tilespmem:$0xC080] =	vst v63  }
0x25: {  	_ = 	snop  }
0x26: {  	[tilespmem:s10], [sflag:$0x1] =	stream.indirect_vreg.gather [hbm4b:s2+s3], $0x80, v3, vm0, $0xb8;
	[tilespmem:$0xC080] =	vst v63  }
0x27: {  	_ = 	snop  }
0x28: {  	[tilespmem:s11], [sflag:$0x1] =	stream.indirect_vreg.gather [hbm4b:s4+s3], $0x80, v3, vm0, $0xb8;
	[tilespmem:$0xC080] =	vst v63  }
0x29: {  	_ = 	snop  }
0x2a: {  	[tilespmem:s12], [sflag:$0x1] =	stream.indirect_vreg.gather [hbm4b:s5+s3], $0x80, v3, vm0, $0xb8;
	[tilespmem:$0xC080] =	vst v63  }
0x2b: {  	v3 =	vld [tilespmem:$0x10];
	_ =	sdelay $0x4  }
0x2c: {  	v61 =	vshrl.u32 v3, $0x3  }
0x2d: {  	v4 =	vmul.u32 $0x30, v61  }
0x2e: {  	v3 =	vand.u32 $0x7, v3  }
0x2f: {  	v3 =	vor.u32 v3, v4  }
0x30: {  	v4 =	vperm.xlane v3, v0;
	_ =	sdelay $0x1  }
0x31: {  	v4 =	vadd.s32 v1, v4;
	_ =	sdelay $0x3  }
0x32: {  	v3 =	vperm.xlane v3, v2  }
0x33: {  	[tilespmem:s13], [sflag:$0x1] =	stream.indirect_vreg.gather [hbm4b:s2+s3], $0x80, v4, vm0, $0xb8;
	[tilespmem:$0xC080] =	vst v63  }
0x34: {  	v3 =	vadd.s32 v1, v3  }
0x35: {  	[tilespmem:s14], [sflag:$0x1] =	stream.indirect_vreg.gather [hbm4b:s4+s3], $0x80, v4, vm0, $0xb8;
	[tilespmem:$0xC080] =	vst v63  }
0x36: {  	_ = 	snop  }
0x37: {  	[tilespmem:s15], [sflag:$0x1] =	stream.indirect_vreg.gather [hbm4b:s5+s3], $0x80, v4, vm0, $0xb8;
	[tilespmem:$0xC080] =	vst v63  }
0x38: {  	_ = 	snop  }
0x39: {  	[tilespmem:s16], [sflag:$0x1] =	stream.indirect_vreg.gather [hbm4b:s2+s3], $0x80, v3, vm0, $0xb8;
	[tilespmem:$0xC080] =	vst v63  }
0x3a: {  	_ = 	snop  }
0x3b: {  	[tilespmem:s17], [sflag:$0x1] =	stream.indirect_vreg.gather [hbm4b:s4+s3], $0x80, v3, vm0, $0xb8;
	[tilespmem:$0xC080] =	vst v63  }
0x3c: {  	_ = 	snop  }
0x3d: {  	[tilespmem:s18], [sflag:$0x1] =	stream.indirect_vreg.gather [hbm4b:s5+s3], $0x80, v3, vm0, $0xb8;
	[tilespmem:$0xC080] =	vst v63  }
0x3e: {  	v3 =	vld [tilespmem:$0x20];
	_ =	sdelay $0x4  }
0x3f: {  	v62 =	vshrl.u32 v3, $0x3  }
0x40: {  	v4 =	vmul.u32 $0x30, v62  }
0x41: {  	v3 =	vand.u32 $0x7, v3  }
0x42: {  	v3 =	vor.u32 v3, v4  }
0x43: {  	v4 =	vperm.xlane v3, v0;
	_ =	sdelay $0x1  }
0x44: {  	v4 =	vadd.s32 v1, v4;
	_ =	sdelay $0x3  }
0x45: {  	v3 =	vperm.xlane v3, v2  }
0x46: {  	[tilespmem:s19], [sflag:$0x1] =	stream.indirect_vreg.gather [hbm4b:s2+s3], $0x80, v4, vm0, $0xb8;
	[tilespmem:$0xC080] =	vst v63  }
0x47: {  	v3 =	vadd.s32 v1, v3  }
0x48: {  	[tilespmem:s20], [sflag:$0x1] =	stream.indirect_vreg.gather [hbm4b:s4+s3], $0x80, v4, vm0, $0xb8;
	[tilespmem:$0xC080] =	vst v63  }
0x49: {  	_ = 	snop  }
0x4a: {  	[tilespmem:s21], [sflag:$0x1] =	stream.indirect_vreg.gather [hbm4b:s5+s3], $0x80, v4, vm0, $0xb8;
	[tilespmem:$0xC080] =	vst v63  }
0x4b: {  	_ = 	snop  }
0x4c: {  	[tilespmem:s22], [sflag:$0x1] =	stream.indirect_vreg.gather [hbm4b:s2+s3], $0x80, v3, vm0, $0xb8;
	[tilespmem:$0xC080] =	vst v63  }
0x4d: {  	_ = 	snop  }
0x4e: {  	[tilespmem:s23], [sflag:$0x1] =	stream.indirect_vreg.gather [hbm4b:s4+s3], $0x80, v3, vm0, $0xb8;
	[tilespmem:$0xC080] =	vst v63  }
0x4f: {  	_ = 	snop  }
0x50: {  	[tilespmem:s24], [sflag:$0x1] =	stream.indirect_vreg.gather [hbm4b:s5+s3], $0x80, v3, vm0, $0xb8;
	[tilespmem:$0xC080] =	vst v63  }
0x51: {  	v3 =	vld [tilespmem:$0x30];
	_ =	sdelay $0x4  }
0x52: {  	v63 =	vshrl.u32 v3, $0x3  }
0x53: {  	v4 =	vmul.u32 $0x30, v63  }
0x54: {  	v3 =	vand.u32 $0x7, v3  }
0x55: {  	v3 =	vor.u32 v3, v4  }
0x56: {  	v4 =	vperm.xlane v3, v0;
	_ =	sdelay $0x1  }
0x57: {  	v4 =	vadd.s32 v1, v4;
	_ =	sdelay $0x3  }
0x58: {  	v3 =	vperm.xlane v3, v2  }
0x59: {  	[tilespmem:s25], [sflag:$0x1] =	stream.indirect_vreg.gather [hbm4b:s2+s3], $0x80, v4, vm0, $0xb8;
	[tilespmem:$0xC080] =	vst v63  }
0x5a: {  	v3 =	vadd.s32 v1, v3  }
0x5b: {  	[tilespmem:s26], [sflag:$0x1] =	stream.indirect_vreg.gather [hbm4b:s4+s3], $0x80, v4, vm0, $0xb8;
	[tilespmem:$0xC080] =	vst v63  }
0x5c: {  	_ = 	snop  }
0x5d: {  	[tilespmem:s28], [sflag:$0x1] =	stream.indirect_vreg.gather [hbm4b:s5+s3], $0x80, v4, vm0, $0xb8;
	[tilespmem:$0xC080] =	vst v63  }
0x5e: {  	_ = 	snop  }
0x5f: {  	[tilespmem:s29], [sflag:$0x1] =	stream.indirect_vreg.gather [hbm4b:s2+s3], $0x80, v3, vm0, $0xb8;
	[tilespmem:$0xC080] =	vst v63  }
0x60: {  	_ = 	snop  }
0x61: {  	[tilespmem:s30], [sflag:$0x1] =	stream.indirect_vreg.gather [hbm4b:s4+s3], $0x80, v3, vm0, $0xb8;
	[tilespmem:$0xC080] =	vst v63  }
0x62: {  	_ = 	snop  }
0x63: {  	[tilespmem:s31], [sflag:$0x1] =	stream.indirect_vreg.gather [hbm4b:s5+s3], $0x80, v3, vm0, $0xb8;
	[tilespmem:$0xC080] =	vst v63  }
0x64: {  	_ =	swait.ge [sflag:s0], $0xC000  }
0x65: {  	p0 =	sne.s32 s6, $0x1;
	[sflag:s0] =	ssyncset.done $0x0  }
.Ltmp0:
0x66: {  	s1 =	rddreg [dreg:$0x5];
	[sflag:s0] =	ssyncadd.s32 $0xFFFF4000;
	(pc) =	sbr.rel @p0 .LBB2_1-.Ltmp0, $4  }
0x67: {  	[hbm4b:s1+s3] =	stream.linear.scatter [tilespmem:s8], [sflag:$0x2], $0xC000, $0x38;
	[tilespmem:$0xC080] =	vst v63  }
0x68: {  	_ =	swait.ge [sflag:s7], $0xC000  }
0x69: {  	[sflag:s7] =	ssyncset.done $0x0  }
0x6a: {  	s6 =	sadd.s32 $0xFFFFFFFF, s6;
	[sflag:s7] =	ssyncadd.s32 $0xFFFF4000  }
0x6b: {  	_ =	sfence.sel $0x180000  }
0x6c: {  	[bflag:$0x0] =	sbarrier.arrive $0xFFFF  }
0x6d: {  	_ =	strace $0x90000047  }
0x6e: {  	s0 =	stileid.u32;
	[bflag:$0x2] =	sbarrier.arrive $0xFFFF  }
0x6f: {  	p0 =	sne.s32 s0, $0x0;
	s0 =	rddreg [dreg:$0x3]  }
0x70: {  	s0 =	sadd.s32 @!p0 $0x100000, s0  }
0x71: {  	[sflag:s0] =	ssyncadd.tile.s32 @!p0 $0x1;
	_ =	shalt  }
.Lfunc_end2:
_tile_overlayer_lowered:
.L_overlay_start_2:
0x72: {  	(tag) =	ssettag $0x2  }
0x73: {  	s0 =	rddreg [dreg:$0x0];
	s2 =	stileid.u32  }
0x74: {  	s1 =	rddreg [dreg:$0x1];
	p0 =	sne.s32 s2, $0x0  }
0x75: {  	s3 =	rddreg [dreg:$0x2];
	[bflag:$0x3] =	sbarrier.arrive $0xFFFF;
	s2 =	simm.s32 @!p0 $0x1C02  }
0x76: {  	[timem:s3], [sflag:s2] =	dma.local @!p0 [hbm:s0], s1  }
0x77: {  	s0 =	simm.s32 @!p0 $0x2  }
0x78: {  	_ =	swait.ge @!p0 [sflag:s0], s1  }
0x79: {  	s1 =	ssub.s32 @!p0 $0x0, s1;
	[sflag:s0] =	ssyncset.done @!p0 $0x0  }
0x7a: {  	[sflag:s0] =	ssyncadd.s32 @!p0 s1  }
0x7b: {  	[bflag:$0x3] =	sbarrier.arrive $0xFFFF  }
0x7c: {  	_ =	shalt  }

// kernel: kernel.24.cloned.1.call-start
scs
__scs_entry_jumppad:
0x0: {  	(pc) =	sbr.rel $0x88, $3  }
0x1: {  	(tag) =	ssettag $0x0;
	lr =	simm.s32 $0x1  }
0x2: {  	[smem:$0x3F8F] =	sst lr;
	_ =	strace $0xD0000000  }
0x3: {  	_ = 	snop  }
0x4: {  	_ = 	snop  }
0x5: {  	_ = 	snop  }
0x6: {  	_ = 	snop  }
0x7: {  	_ = 	snop  }
__scs_overlays_trampoline_lowered:
0x8: {  	[smem:$0x3F9E] =	sst s0  }
0x9: {  	[smem:$0x3F9F] =	sst s1  }
0xa: {  	[smem:$0x3FA0] =	sst s2  }
0xb: {  	[smem:$0x3FA1] =	sst s3  }
0xc: {  	[smem:$0x3FA2] =	sst s4  }
0xd: {  	[smem:$0x3FA3] =	sst s5  }
0xe: {  	[smem:$0x3FA4] =	sst s6  }
0xf: {  	[smem:$0x3FA5] =	sst s7  }
0x10: {  	[smem:$0x3FA6] =	sst s8  }
0x11: {  	[smem:$0x3FA7] =	sst s9;
	s0 =	simm.s32 @!p0 $0x0  }
0x12: {  	s1 =	sld [smem:$0x3F8D];
	s0 =	simm.s32 @p0 $0x1  }
0x13: {  	[smem:$0x3FA8] =	sst s0;
	s0 =	simm.s32 @!p1 $0x0  }
0x14: {  	s2 =	sld [smem:$0x3F8C];
	s0 =	simm.s32 @p1 $0x1  }
0x15: {  	[smem:$0x3FA9] =	sst s0;
	s0 =	simm.s32 @!p2 $0x0  }
0x16: {  	s3 =	sld [smem:$0x3FDB];
	s0 =	simm.s32 @p2 $0x1  }
0x17: {  	s4 =	simm.s32 $0x1BF5;
	[smem:$0x3FAB] =	sst s0  }
0x18: {  	s0 =	sld [smem:$0x3F8E];
	_ =	swait.ge [sflag:s4], $0x0  }
0x19: {  	s7 =	sld [smem:$0x3F8F]  }
0x1a: {  	s8 =	sadd.s32 $0xFFFFE003, lr  }
0x1b: {  	s9 =	sadd.s32 $0xFFFFFEF7, lr;
	s5 =	simm.s32 $0xFFFFFFFF;
	p2 =	slt.u32 s8, $0xFFFFF086  }
0x1c: {  	p1 =	slt.u32 s9, $0xF7A;
	s5 =	simm.s32 @!p2 $0x0  }
0x1d: {  	s5 =	simm.s32 @p1 $0x1;
	p0 =	seq.s32 s7, s2  }
0x1e: {  	s7 =	smul.u32 @!p0 $0xF7A, s2;
	p2 =	seq.s32 @!p0 s5, $0x0  }
0x1f: {  	s9 =	smul.u32 $0xF7A, s1;
	s8 =	simm.s32 @!p0 $0x1BF5;
	p2 =	por !p2, p0  }
0x20: {  	[sflag:s8] =	ssyncset.s32 @!p0 $0xFFFFF086;
	s6 =	sadd.s32 @!p0 s3, s7;
	s7 =	simm.s32 @!p0 $0x108  }
0x21: {  	s3 =	sadd.s32 s3, s9;
	s6 =	sadd.s32 @!p0 $0x88, s6;
	s7 =	simm.s32 @p2 $0x1082  }
0x22: {  	[simem:s7], [sflag:s8] =	dma.local @!p0 [hbm:s6], $0xF7A  }
0x23: {  	s9 =	sor.u32 $0xD0000000, s2;
	s6 =	simm.s32 $0x108;
	_ =	swait.ge @!p0 [sflag:s8], $0x0  }
0x24: {  	s3 =	sadd.s32 $0x88, s3;
	s6 =	simm.s32 @!p1 $0x1082;
	[sflag:s4] =	ssyncset.s32 $0xFFFFF086  }
0x25: {  	[simem:s6], [sflag:s4] =	dma.local [hbm:s3], $0xF7A  }
0x26: {  	[smem:$0x3F8F] =	sst s1;
	(tag) =	ssettag s2;
	_ =	strace s9  }
0x27: {  	s1 =	sld [smem:$0x3F9F]  }
0x28: {  	s2 =	sld [smem:$0x3FA0]  }
0x29: {  	s4 =	sld [smem:$0x3FA2]  }
0x2a: {  	p0 =	seq.s32 s5, $0x0;
	s5 =	sld [smem:$0x3FA3]  }
0x2b: {  	s6 =	sld [smem:$0x3FA4]  }
0x2c: {  	s7 =	sld [smem:$0x3FA5]  }
0x2d: {  	s3 =	simm.s32 $0x108;
	s8 =	sld [smem:$0x3FA6]  }
0x2e: {  	s3 =	simm.s32 @!p0 $0x1082;
	s9 =	sld [smem:$0x3FA7]  }
0x2f: {  	lr =	sadd.s32 s0, s3;
	s0 =	sld [smem:$0x3F9E]  }
0x30: {  	s3 =	sld [smem:$0x3FA1]  }
0x31: {  	[smem:$0x3FAA] =	sst s10  }
0x32: {  	s10 =	sld [smem:$0x3FA8];
	_ =	sdelay $0x3  }
0x33: {  	p0 =	seq.s32 s10, $0x1;
	s10 =	sld [smem:$0x3FAA];
	_ =	sdelay $0x3  }
0x34: {  	[smem:$0x3FAA] =	sst s10  }
0x35: {  	s10 =	sld [smem:$0x3FA9];
	_ =	sdelay $0x3  }
0x36: {  	p1 =	seq.s32 s10, $0x1;
	s10 =	sld [smem:$0x3FAA];
	_ =	sdelay $0x3  }
0x37: {  	[smem:$0x3FAA] =	sst s10  }
0x38: {  	s10 =	sld [smem:$0x3FAB]  }
0x39: {  	_ = 	snop;
	(pc) =	sbr.ind lr, $3  }
0x3a: {  	_ = 	snop  }
0x3b: {  	_ = 	snop  }
0x3c: {  	p2 =	seq.s32 s10, $0x1;
	s10 =	sld [smem:$0x3FAA]  }
0x3d: {  	_ =	shalt  }
0x3e: {  	_ =	shalt  }
0x3f: {  	_ =	shalt  }
0x40: {  	_ =	shalt  }
0x41: {  	_ =	shalt  }
0x42: {  	_ =	shalt  }
0x43: {  	_ =	shalt  }
0x44: {  	_ =	shalt  }
0x45: {  	_ =	shalt  }
0x46: {  	_ =	shalt  }
0x47: {  	_ =	shalt  }
0x48: {  	_ =	shalt  }
0x49: {  	_ =	shalt  }
0x4a: {  	_ =	shalt  }
0x4b: {  	_ =	shalt  }
0x4c: {  	_ =	shalt  }
0x4d: {  	_ =	shalt  }
0x4e: {  	_ =	shalt  }
0x4f: {  	_ =	shalt  }
0x50: {  	_ =	shalt  }
0x51: {  	_ =	shalt  }
0x52: {  	_ =	shalt  }
0x53: {  	_ =	shalt  }
0x54: {  	_ =	shalt  }
0x55: {  	_ =	shalt  }
0x56: {  	_ =	shalt  }
0x57: {  	_ =	shalt  }
0x58: {  	_ =	shalt  }
0x59: {  	_ =	shalt  }
0x5a: {  	_ =	shalt  }
0x5b: {  	_ =	shalt  }
0x5c: {  	_ =	shalt  }
0x5d: {  	_ =	shalt  }
0x5e: {  	_ =	shalt  }
0x5f: {  	_ =	shalt  }
0x60: {  	_ =	shalt  }
0x61: {  	_ =	shalt  }
0x62: {  	_ =	shalt  }
0x63: {  	_ =	shalt  }
0x64: {  	_ =	shalt  }
0x65: {  	_ =	shalt  }
0x66: {  	_ =	shalt  }
0x67: {  	_ =	shalt  }
0x68: {  	_ =	shalt  }
0x69: {  	_ =	shalt  }
0x6a: {  	_ =	shalt  }
0x6b: {  	_ =	shalt  }
0x6c: {  	_ =	shalt  }
0x6d: {  	_ =	shalt  }
0x6e: {  	_ =	shalt  }
0x6f: {  	_ =	shalt  }
0x70: {  	_ =	shalt  }
0x71: {  	_ =	shalt  }
0x72: {  	_ =	shalt  }
0x73: {  	_ =	shalt  }
0x74: {  	_ =	shalt  }
0x75: {  	_ =	shalt  }
0x76: {  	_ =	shalt  }
0x77: {  	_ =	shalt  }
0x78: {  	_ =	shalt  }
0x79: {  	_ =	shalt  }
0x7a: {  	_ =	shalt  }
0x7b: {  	_ =	shalt  }
0x7c: {  	_ =	shalt  }
0x7d: {  	_ =	shalt  }
0x7e: {  	_ =	shalt  }
0x7f: {  	_ =	shalt  }
0x80: {  	_ =	shalt  }
0x81: {  	_ =	shalt  }
0x82: {  	_ =	shalt  }
0x83: {  	_ =	shalt  }
0x84: {  	_ =	shalt  }
0x85: {  	_ =	shalt  }
0x86: {  	_ =	shalt  }
0x87: {  	_ =	shalt  }
.Lfunc_end0:
.L_simem_size_0:
called_computation.1_lowered:
.L_overlay_start_0:
0x88: {  	s2 =	sld [smem:$0x3FD9]  }
0x89: {  	s3 =	sld [smem:$0x3FFE];
	_ =	sdelay $0x1  }
0x8a: {  	s1 =	srdreg.scid  }
0x8b: {  	s0 =	sand.u32 $0x1, s1  }
0x8c: {  	s16 =	sshll.u32 s0, $0xA;
	s2 =	sadd.s32 s3, s2  }
0x8d: {  	s2 =	sadd.s32 s2, s16  }
0x8e: {  	[smem:$0x3FB6] =	sst s2  }
0x8f: {  	_ = 	snop  }
0x90: {  	(tm) =	ssettm $0x1  }
0x91: {  	s17 =	sld [smem:$0x3FFB];
	_ =	sdelay $0x3  }
0x92: {  	_ =	strace s17  }
0x93: {  	s2 =	sld [smem:$0x3FFC];
	_ =	sdelay $0x3  }
0x94: {  	_ =	strace s2  }
0x95: {  	s2 =	sld [smem:$0x3FFD];
	_ =	sdelay $0x3  }
0x96: {  	_ =	strace s2  }
0x97: {  	_ =	strace $0x8FFFFFFF  }
0x98: {  	s18 =	sld [smem:$0x3FDB];
	_ =	sdelay $0x1  }
0x99: {  	s19 =	simm.s32 $_scs_section_size  }
0x9a: {  	s4 =	simm.s32 $_size__tile_overlayer_lowered;
	s5 =	simm.s32 $_tile_overlayer_lowered  }
0x9b: {  	s22 =	simm.s32 $0x1BFF;
	s21 =	sshll.u32 s5, $0x1;
	s2 =	sadd.s32 s19, s18  }
0x9c: {  	s6 =	simm.s32 $0x0;
	s20 =	sshll.u32 s4, $0x1;
	s4 =	sadd.s32 s21, s2  }
0x9d: {  	[timem:s6], [sflag:s22] =	dma.local [hbm:s4], s20  }
0x9e: {  	_ =	swait.ge [sflag:s22], s20  }
0x9f: {  	s3 =	ssub.s32 $0x0, s20;
	[sflag:s22] =	ssyncset.done $0x0  }
0xa0: {  	[sflag:s22] =	ssyncadd.s32 s3;
	_ =	sdelay $0x1  }
0xa1: {  	s23 =	simm.s32 $0x1B8B  }
0xa2: {  	_ =	swait.ge [sflag:s23], $0x1  }
0xa3: {  	[sflag:s23] =	ssyncset.done $0x0  }
0xa4: {  	s25 =	simm.s32 $0x1B8E;
	s24 =	sld [smem:$0x3FFE];
	[sflag:s23] =	ssyncadd.s32 $0xFFFFFFFF  }
0xa5: {  	s26 =	simm.s32 $execute0_lowered;
	[smem:$0x3FD2] =	sst s25  }
0xa6: {  	s4 =	sshll.u32 s26, $0x1;
	_ =	strace $0x80000049;
	[dreg:$0x1] =	wrdreg $0xFFFFFFFF  }
0xa7: {  	s28 =	simm.s32 $_size_execute0_lowered;
	s2 =	sadd.s32 s2, s4;
	[dreg:$0x0] =	wrdreg $0x0  }
0xa8: {  	s4 =	sshll.u32 s28, $0x1;
	[dreg:$0x2] =	wrdreg s2  }
0xa9: {  	[dreg:$0x3] =	wrdreg s4  }
0xaa: {  	[dreg:$0x4] =	wrdreg $0xC0  }
0xab: {  	_ =	task [dreg:s6], $0x5FFFF  }
0xac: {  	[dreg:$0x1] =	wrdreg $0xFFFFFFFF  }
0xad: {  	[dreg:$0x0] =	wrdreg $0x60  }
0xae: {  	[dreg:$0x2] =	wrdreg s24  }
0xaf: {  	[dreg:$0x3] =	wrdreg $0x9  }
0xb0: {  	_ =	task.clear_ibuf [dreg:s6], $0x4FFFF;
	_ =	strace $0x90000049  }
0xb1: {  	s29 =	simm.s32 $0x9;
	_ =	strace $0x8000004B  }
0xb2: {  	_ =	swait.ge [sflag:s29], $0x1  }
0xb3: {  	[sflag:s29] =	ssyncadd.s32 $0xFFFFFFFF  }
0xb4: {  	_ =	strace $0x9000004B  }
0xb5: {  	_ =	sfence  }
0xb6: {  	s30 =	sld [smem:$0x0];
	_ =	sdelay $0x2  }
0xb7: {  	s31 =	sshll.u32 s1, $0xD;
	s1 =	sshrl.u32 s1, $0x2  }
0xb8: {  	s3 =	sand.u32 $0x4000, s31;
	s1 =	sadd.s32 s1, s30  }
0xb9: {  	s0 =	sor.u32 s3, s0;
	s1 =	sshll.u32 s1, $0x11  }
0xba: {  	s0 =	sor.u32 s1, s0  }
0xbb: {  	s0 =	sadd.s32 $0x8F2B, s0  }
0xbc: {  	[sflag:s0] =	ssyncadd.remote.s32 $0x1  }
0xbd: {  	_ =	sfence.sel $0xFFFF  }
0xbe: {  	[dreg:$0x0] =	wrdreg $0xFFFFFFFF;
	(pc) =	sbr.abs _section_cstart, $3  }
0xbf: {  	[dreg:$0x1] =	wrdreg $0xFFFFFFFF  }
0xc0: {  	_ =	task.clear_ibuf [dreg:s6], $0x2FFFF;
	_ =	strace $0x9FFFFFFF  }
0xc1: {  	(tm) =	ssettm $0x7FFFFFFF  }
tec
execute0_lowered:
.L_overlay_start_1:
0x0: {  	(tag) =	ssettag $0x1  }
0x1: {  	s1 =	srdreg.scid  }
0x2: {  	s0 =	stileid.u32;
	s1 =	sand.u32 $0x1, s1  }
0x3: {  	s2 =	sshll.u32 s0, $0x5;
	s3 =	sshll.u32 s1, $0x4  }
0x4: {  	s5 =	rddreg [dreg:$0x0];
	s3 =	sor.u32 s3, s2;
	s2 =	simm.s32 $0x0  }
0x5: {  	s26 =	simm.s32 $0x880;
	[smem:$0x7FF] =	sst s2  }
0x6: {  	s0 =	simm.s32 $0x1080;
	_ =	strace $0x8000004A;
	[dreg:$0x4] =	wrdreg s26  }
0x7: {  	s6 =	simm.s32 $0x2080;
	[dreg:$0x5] =	wrdreg s0  }
0x8: {  	s7 =	simm.s32 $0x2880;
	[dreg:$0x7] =	wrdreg s6  }
0x9: {  	s8 =	simm.s32 $0x3080;
	[dreg:$0x8] =	wrdreg s7  }
0xa: {  	s9 =	simm.s32 $0x3880;
	[dreg:$0x9] =	wrdreg s8  }
0xb: {  	s10 =	simm.s32 $0x4080;
	[dreg:$0xa] =	wrdreg s9  }
0xc: {  	s11 =	simm.s32 $0x4880;
	[dreg:$0xb] =	wrdreg s10  }
0xd: {  	s12 =	simm.s32 $0x5080;
	[dreg:$0xc] =	wrdreg s11  }
0xe: {  	s13 =	simm.s32 $0x5880;
	[dreg:$0xd] =	wrdreg s12  }
0xf: {  	s14 =	simm.s32 $0x6080;
	[dreg:$0xe] =	wrdreg s13  }
0x10: {  	s15 =	simm.s32 $0x6880;
	[dreg:$0xf] =	wrdreg s14  }
0x11: {  	s16 =	simm.s32 $0x7080;
	s17 =	simm.s32 $0x7880;
	[dreg:$0x10] =	wrdreg s15  }
0x12: {  	s18 =	simm.s32 $0x8080;
	s19 =	simm.s32 $0x8880;
	[dreg:$0x11] =	wrdreg s16  }
0x13: {  	s20 =	simm.s32 $0x9080;
	s21 =	simm.s32 $0x9880;
	[dreg:$0x12] =	wrdreg s17  }
0x14: {  	s22 =	simm.s32 $0xA080;
	s23 =	simm.s32 $0xA880;
	[dreg:$0x13] =	wrdreg s18  }
0x15: {  	s24 =	simm.s32 $0xB880;
	s28 =	simm.s32 $0x16080;
	[dreg:$0x14] =	wrdreg s19  }
0x16: {  	s29 =	simm.s32 $0x16880;
	s30 =	simm.s32 $0x17080;
	[dreg:$0x15] =	wrdreg s20  }
0x17: {  	s31 =	simm.s32 $0x17880;
	s1 =	ssub.s32 $0x2, s1;
	[dreg:$0x16] =	wrdreg s21  }
0x18: {  	s4 =	sand.u32 $0xF0, s3;
	s3 =	sadd.s32 s3, s5;
	[dreg:$0x17] =	wrdreg s22  }
0x19: {  	s4 =	smul.u32 $0x300, s4;
	s3 =	sadd.s32 $0xAF200, s3;
	[dreg:$0x18] =	wrdreg s23  }
0x1a: {  	s6 =	sshrl.u32 s1, $0x1;
	s7 =	simm.s32 $0xB080;
	[dreg:$0x1a] =	wrdreg s24  }
0x1b: {  	s8 =	simm.s32 $0x80;
	s26 =	simm.s32 $0xC880;
	s10 =	simm.s32 $0xD880  }
0x1c: {  	s11 =	simm.s32 $0xE080;
	s12 =	simm.s32 $0xE880;
	s13 =	simm.s32 $0xF080  }
0x1d: {  	s14 =	simm.s32 $0xF880;
	s15 =	simm.s32 $0x10080;
	s16 =	simm.s32 $0x10880  }
0x1e: {  	s17 =	simm.s32 $0x11080;
	s18 =	simm.s32 $0x11880;
	s19 =	simm.s32 $0x12080  }
0x1f: {  	s20 =	simm.s32 $0x12880;
	s21 =	simm.s32 $0x13080;
	s22 =	simm.s32 $0x13880  }
0x20: {  	s23 =	simm.s32 $0x14080;
	s24 =	simm.s32 $0x14880;
	[dreg:$0x2] =	wrdreg s3  }
0x21: {  	s3 =	sadd.s32 $0xAF400, s5;
	s1 =	ssub.s32 s1, s6;
	[dreg:$0x19] =	wrdreg s7  }
0x22: {  	s7 =	simm.s32 $0x2;
	[dreg:$0x1c] =	wrdreg s26;
	s4 =	sadd.s32 s4, s5  }
0x23: {  	s26 =	simm.s32 $0x15880;
	s6 =	smax.u32 s1, $0x1;
	s25 =	sadd.s32 $0x4F200, s4  }
0x24: {  	v2 =	vlaneseq.u32;
	s1 =	simm.s32 $0x1;
	s4 =	simm.s32 $0x1880;
	[dreg:$0x3] =	wrdreg s25  }
0x25: {  	vm0 =	vmmov $0xffff;
	v1 =	vshrl.u32 v2, $0x3;
	[dreg:$0x6] =	wrdreg s4;
	s4 =	sadd.s32 $0xAF500, s5;
	s25 =	simm.s32 $0xC080  }
0x26: {  	v0 =	vand.u32 $0x7, v2;
	v2 =	vor.u32 $0x8, v2;
	v1 =	vmul.u32 $0x8, v1;
	s5 =	sadd.s32 $0xAF600, s5;
	[dreg:$0x1b] =	wrdreg s25;
	s25 =	simm.s32 $0x15080  }
.LBB2_1:
0x27: {  	s0 =	rddreg [dreg:$0x2]  }
0x28: {  	[tilespmem:s2], [sflag:$0x2] =	stream.linear.gather [hbm4b:s0+s2], $0x80, $0x38;
	[tilespmem:$0x18080] =	vst v63  }
0x29: {  	_ =	swait.ge [sflag:s7], $0x80  }
0x2a: {  	[sflag:s7] =	ssyncset.done $0x0  }
0x2b: {  	s9 =	rddreg [dreg:$0x3];
	[sflag:s7] =	ssyncadd.s32 $0xFFFFFF80  }
0x2c: {  	[tilespmem:s8], [sflag:$0x2] =	stream.linear.gather [hbm4b:s9+s2], $0x18000, $0x38;
	[tilespmem:$0x18080] =	vst v63  }
0x2d: {  	_ =	swait.ge [sflag:s7], $0x18000  }
0x2e: {  	[sflag:s7] =	ssyncset.done $0x0  }
0x2f: {  	[sflag:s7] =	ssyncadd.s32 $0xFFFE8000  }
0x30: {  	v3 =	vld [tilespmem:$0x0];
	_ =	sdelay $0x4  }
0x31: {  	v4 =	vshrl.u32 v3, $0x3  }
0x32: {  	v4 =	vmul.u32 $0x30, v4  }
0x33: {  	v3 =	vand.u32 $0x7, v3  }
0x34: {  	v3 =	vor.u32 v3, v4  }
0x35: {  	v4 =	vperm.xlane v3, v0;
	_ =	sdelay $0x1  }
0x36: {  	v4 =	vadd.s32 v1, v4;
	_ =	sdelay $0x3  }
0x37: {  	v3 =	vperm.xlane v3, v2  }
0x38: {  	[hbm4b:s3+s2] =	stream.indirect_vreg.scatter [tilespmem:s8], [sflag:$0x1], $0x80, v4, vm0, $0xb8;
	[tilespmem:$0x18080] =	vst v63  }
0x39: {  	s0 =	rddreg [dreg:$0x4];
	v3 =	vadd.s32 v1, v3  }
0x3a: {  	[hbm4b:s4+s2] =	stream.indirect_vreg.scatter [tilespmem:s0], [sflag:$0x1], $0x80, v4, vm0, $0xb8;
	[tilespmem:$0x18080] =	vst v63  }
0x3b: {  	s9 =	rddreg [dreg:$0x5]  }
0x3c: {  	[hbm4b:s5+s2] =	stream.indirect_vreg.scatter [tilespmem:s9], [sflag:$0x1], $0x80, v4, vm0, $0xb8;
	[tilespmem:$0x18080] =	vst v63  }
0x3d: {  	s0 =	rddreg [dreg:$0x6]  }
0x3e: {  	[hbm4b:s3+s2] =	stream.indirect_vreg.scatter [tilespmem:s0], [sflag:$0x1], $0x80, v3, vm0, $0xb8;
	[tilespmem:$0x18080] =	vst v63  }
0x3f: {  	s9 =	rddreg [dreg:$0x7]  }
0x40: {  	[hbm4b:s4+s2] =	stream.indirect_vreg.scatter [tilespmem:s9], [sflag:$0x1], $0x80, v3, vm0, $0xb8;
	[tilespmem:$0x18080] =	vst v63  }
0x41: {  	s0 =	rddreg [dreg:$0x8]  }
0x42: {  	[hbm4b:s5+s2] =	stream.indirect_vreg.scatter [tilespmem:s0], [sflag:$0x1], $0x80, v3, vm0, $0xb8;
	[tilespmem:$0x18080] =	vst v63  }
0x43: {  	v3 =	vld [tilespmem:$0x10];
	_ =	sdelay $0x4  }
0x44: {  	v57 =	vshrl.u32 v3, $0x3  }
0x45: {  	v4 =	vmul.u32 $0x30, v57  }
0x46: {  	v3 =	vand.u32 $0x7, v3  }
0x47: {  	v3 =	vor.u32 v3, v4  }
0x48: {  	v4 =	vperm.xlane v3, v0;
	_ =	sdelay $0x1  }
0x49: {  	v4 =	vadd.s32 v1, v4;
	_ =	sdelay $0x3  }
0x4a: {  	s0 =	rddreg [dreg:$0x9];
	v3 =	vperm.xlane v3, v2  }
0x4b: {  	[hbm4b:s3+s2] =	stream.indirect_vreg.scatter [tilespmem:s0], [sflag:$0x1], $0x80, v4, vm0, $0xb8;
	[tilespmem:$0x18080] =	vst v63  }
0x4c: {  	s9 =	rddreg [dreg:$0xa];
	v3 =	vadd.s32 v1, v3  }
0x4d: {  	[hbm4b:s4+s2] =	stream.indirect_vreg.scatter [tilespmem:s9], [sflag:$0x1], $0x80, v4, vm0, $0xb8;
	[tilespmem:$0x18080] =	vst v63  }
0x4e: {  	s0 =	rddreg [dreg:$0xb]  }
0x4f: {  	[hbm4b:s5+s2] =	stream.indirect_vreg.scatter [tilespmem:s0], [sflag:$0x1], $0x80, v4, vm0, $0xb8;
	[tilespmem:$0x18080] =	vst v63  }
0x50: {  	s9 =	rddreg [dreg:$0xc]  }
0x51: {  	[hbm4b:s3+s2] =	stream.indirect_vreg.scatter [tilespmem:s9], [sflag:$0x1], $0x80, v3, vm0, $0xb8;
	[tilespmem:$0x18080] =	vst v63  }
0x52: {  	s0 =	rddreg [dreg:$0xd]  }
0x53: {  	[hbm4b:s4+s2] =	stream.indirect_vreg.scatter [tilespmem:s0], [sflag:$0x1], $0x80, v3, vm0, $0xb8;
	[tilespmem:$0x18080] =	vst v63  }
0x54: {  	s9 =	rddreg [dreg:$0xe]  }
0x55: {  	[hbm4b:s5+s2] =	stream.indirect_vreg.scatter [tilespmem:s9], [sflag:$0x1], $0x80, v3, vm0, $0xb8;
	[tilespmem:$0x18080] =	vst v63  }
0x56: {  	v3 =	vld [tilespmem:$0x20];
	_ =	sdelay $0x4  }
0x57: {  	v58 =	vshrl.u32 v3, $0x3  }
0x58: {  	v4 =	vmul.u32 $0x30, v58  }
0x59: {  	v3 =	vand.u32 $0x7, v3  }
0x5a: {  	v3 =	vor.u32 v3, v4  }
0x5b: {  	v4 =	vperm.xlane v3, v0;
	_ =	sdelay $0x1  }
0x5c: {  	v4 =	vadd.s32 v1, v4;
	_ =	sdelay $0x3  }
0x5d: {  	s0 =	rddreg [dreg:$0xf];
	v3 =	vperm.xlane v3, v2  }
0x5e: {  	[hbm4b:s3+s2] =	stream.indirect_vreg.scatter [tilespmem:s0], [sflag:$0x1], $0x80, v4, vm0, $0xb8;
	[tilespmem:$0x18080] =	vst v63  }
0x5f: {  	s9 =	rddreg [dreg:$0x10];
	v3 =	vadd.s32 v1, v3  }
0x60: {  	[hbm4b:s4+s2] =	stream.indirect_vreg.scatter [tilespmem:s9], [sflag:$0x1], $0x80, v4, vm0, $0xb8;
	[tilespmem:$0x18080] =	vst v63  }
0x61: {  	s0 =	rddreg [dreg:$0x11]  }
0x62: {  	[hbm4b:s5+s2] =	stream.indirect_vreg.scatter [tilespmem:s0], [sflag:$0x1], $0x80, v4, vm0, $0xb8;
	[tilespmem:$0x18080] =	vst v63  }
0x63: {  	s9 =	rddreg [dreg:$0x12]  }
0x64: {  	[hbm4b:s3+s2] =	stream.indirect_vreg.scatter [tilespmem:s9], [sflag:$0x1], $0x80, v3, vm0, $0xb8;
	[tilespmem:$0x18080] =	vst v63  }
0x65: {  	s0 =	rddreg [dreg:$0x13]  }
0x66: {  	[hbm4b:s4+s2] =	stream.indirect_vreg.scatter [tilespmem:s0], [sflag:$0x1], $0x80, v3, vm0, $0xb8;
	[tilespmem:$0x18080] =	vst v63  }
0x67: {  	s9 =	rddreg [dreg:$0x14]  }
0x68: {  	[hbm4b:s5+s2] =	stream.indirect_vreg.scatter [tilespmem:s9], [sflag:$0x1], $0x80, v3, vm0, $0xb8;
	[tilespmem:$0x18080] =	vst v63  }
0x69: {  	v3 =	vld [tilespmem:$0x30];
	_ =	sdelay $0x4  }
0x6a: {  	v59 =	vshrl.u32 v3, $0x3  }
0x6b: {  	v4 =	vmul.u32 $0x30, v59  }
0x6c: {  	v3 =	vand.u32 $0x7, v3  }
0x6d: {  	v3 =	vor.u32 v3, v4  }
0x6e: {  	v4 =	vperm.xlane v3, v0;
	_ =	sdelay $0x1  }
0x6f: {  	v4 =	vadd.s32 v1, v4;
	_ =	sdelay $0x3  }
0x70: {  	s0 =	rddreg [dreg:$0x15];
	v3 =	vperm.xlane v3, v2  }
0x71: {  	[hbm4b:s3+s2] =	stream.indirect_vreg.scatter [tilespmem:s0], [sflag:$0x1], $0x80, v4, vm0, $0xb8;
	[tilespmem:$0x18080] =	vst v63  }
0x72: {  	s9 =	rddreg [dreg:$0x16];
	v3 =	vadd.s32 v1, v3  }
0x73: {  	[hbm4b:s4+s2] =	stream.indirect_vreg.scatter [tilespmem:s9], [sflag:$0x1], $0x80, v4, vm0, $0xb8;
	[tilespmem:$0x18080] =	vst v63  }
0x74: {  	s0 =	rddreg [dreg:$0x17]  }
0x75: {  	[hbm4b:s5+s2] =	stream.indirect_vreg.scatter [tilespmem:s0], [sflag:$0x1], $0x80, v4, vm0, $0xb8;
	[tilespmem:$0x18080] =	vst v63  }
0x76: {  	s9 =	rddreg [dreg:$0x18]  }
0x77: {  	[hbm4b:s3+s2] =	stream.indirect_vreg.scatter [tilespmem:s9], [sflag:$0x1], $0x80, v3, vm0, $0xb8;
	[tilespmem:$0x18080] =	vst v63  }
0x78: {  	s0 =	rddreg [dreg:$0x19]  }
0x79: {  	[hbm4b:s4+s2] =	stream.indirect_vreg.scatter [tilespmem:s0], [sflag:$0x1], $0x80, v3, vm0, $0xb8;
	[tilespmem:$0x18080] =	vst v63  }
0x7a: {  	s9 =	rddreg [dreg:$0x1a]  }
0x7b: {  	[hbm4b:s5+s2] =	stream.indirect_vreg.scatter [tilespmem:s9], [sflag:$0x1], $0x80, v3, vm0, $0xb8;
	[tilespmem:$0x18080] =	vst v63  }
0x7c: {  	v3 =	vld [tilespmem:$0x40];
	_ =	sdelay $0x4  }
0x7d: {  	v60 =	vshrl.u32 v3, $0x3  }
0x7e: {  	v4 =	vmul.u32 $0x30, v60  }
0x7f: {  	v3 =	vand.u32 $0x7, v3  }
0x80: {  	v3 =	vor.u32 v3, v4  }
0x81: {  	v4 =	vperm.xlane v3, v0;
	_ =	sdelay $0x1  }
0x82: {  	v4 =	vadd.s32 v1, v4;
	_ =	sdelay $0x3  }
0x83: {  	s0 =	rddreg [dreg:$0x1b];
	v3 =	vperm.xlane v3, v2  }
0x84: {  	[hbm4b:s3+s2] =	stream.indirect_vreg.scatter [tilespmem:s0], [sflag:$0x1], $0x80, v4, vm0, $0xb8;
	[tilespmem:$0x18080] =	vst v63  }
0x85: {  	s9 =	rddreg [dreg:$0x1c];
	v3 =	vadd.s32 v1, v3  }
0x86: {  	[hbm4b:s4+s2] =	stream.indirect_vreg.scatter [tilespmem:s9], [sflag:$0x1], $0x80, v4, vm0, $0xb8;
	[tilespmem:$0x18080] =	vst v63  }
0x87: {  	s9 =	simm.s32 $0xD080  }
0x88: {  	[hbm4b:s5+s2] =	stream.indirect_vreg.scatter [tilespmem:s9], [sflag:$0x1], $0x80, v4, vm0, $0xb8;
	[tilespmem:$0x18080] =	vst v63  }
0x89: {  	_ = 	snop  }
0x8a: {  	[hbm4b:s3+s2] =	stream.indirect_vreg.scatter [tilespmem:s10], [sflag:$0x1], $0x80, v3, vm0, $0xb8;
	[tilespmem:$0x18080] =	vst v63  }
0x8b: {  	_ = 	snop  }
0x8c: {  	[hbm4b:s4+s2] =	stream.indirect_vreg.scatter [tilespmem:s11], [sflag:$0x1], $0x80, v3, vm0, $0xb8;
	[tilespmem:$0x18080] =	vst v63  }
0x8d: {  	_ = 	snop  }
0x8e: {  	[hbm4b:s5+s2] =	stream.indirect_vreg.scatter [tilespmem:s12], [sflag:$0x1], $0x80, v3, vm0, $0xb8;
	[tilespmem:$0x18080] =	vst v63  }
0x8f: {  	v3 =	vld [tilespmem:$0x50];
	_ =	sdelay $0x4  }
0x90: {  	v61 =	vshrl.u32 v3, $0x3  }
0x91: {  	v4 =	vmul.u32 $0x30, v61  }
0x92: {  	v3 =	vand.u32 $0x7, v3  }
0x93: {  	v3 =	vor.u32 v3, v4  }
0x94: {  	v4 =	vperm.xlane v3, v0;
	_ =	sdelay $0x1  }
0x95: {  	v4 =	vadd.s32 v1, v4;
	_ =	sdelay $0x3  }
0x96: {  	v3 =	vperm.xlane v3, v2  }
0x97: {  	[hbm4b:s3+s2] =	stream.indirect_vreg.scatter [tilespmem:s13], [sflag:$0x1], $0x80, v4, vm0, $0xb8;
	[tilespmem:$0x18080] =	vst v63  }
0x98: {  	v3 =	vadd.s32 v1, v3  }
0x99: {  	[hbm4b:s4+s2] =	stream.indirect_vreg.scatter [tilespmem:s14], [sflag:$0x1], $0x80, v4, vm0, $0xb8;
	[tilespmem:$0x18080] =	vst v63  }
0x9a: {  	_ = 	snop  }
0x9b: {  	[hbm4b:s5+s2] =	stream.indirect_vreg.scatter [tilespmem:s15], [sflag:$0x1], $0x80, v4, vm0, $0xb8;
	[tilespmem:$0x18080] =	vst v63  }
0x9c: {  	_ = 	snop  }
0x9d: {  	[hbm4b:s3+s2] =	stream.indirect_vreg.scatter [tilespmem:s16], [sflag:$0x1], $0x80, v3, vm0, $0xb8;
	[tilespmem:$0x18080] =	vst v63  }
0x9e: {  	_ = 	snop  }
0x9f: {  	[hbm4b:s4+s2] =	stream.indirect_vreg.scatter [tilespmem:s17], [sflag:$0x1], $0x80, v3, vm0, $0xb8;
	[tilespmem:$0x18080] =	vst v63  }
0xa0: {  	_ = 	snop  }
0xa1: {  	[hbm4b:s5+s2] =	stream.indirect_vreg.scatter [tilespmem:s18], [sflag:$0x1], $0x80, v3, vm0, $0xb8;
	[tilespmem:$0x18080] =	vst v63  }
0xa2: {  	v3 =	vld [tilespmem:$0x60];
	_ =	sdelay $0x4  }
0xa3: {  	v62 =	vshrl.u32 v3, $0x3  }
0xa4: {  	v4 =	vmul.u32 $0x30, v62  }
0xa5: {  	v3 =	vand.u32 $0x7, v3  }
0xa6: {  	v3 =	vor.u32 v3, v4  }
0xa7: {  	v4 =	vperm.xlane v3, v0;
	_ =	sdelay $0x1  }
0xa8: {  	v4 =	vadd.s32 v1, v4;
	_ =	sdelay $0x3  }
0xa9: {  	v3 =	vperm.xlane v3, v2  }
0xaa: {  	[hbm4b:s3+s2] =	stream.indirect_vreg.scatter [tilespmem:s19], [sflag:$0x1], $0x80, v4, vm0, $0xb8;
	[tilespmem:$0x18080] =	vst v63  }
0xab: {  	v3 =	vadd.s32 v1, v3  }
0xac: {  	[hbm4b:s4+s2] =	stream.indirect_vreg.scatter [tilespmem:s20], [sflag:$0x1], $0x80, v4, vm0, $0xb8;
	[tilespmem:$0x18080] =	vst v63  }
0xad: {  	_ = 	snop  }
0xae: {  	[hbm4b:s5+s2] =	stream.indirect_vreg.scatter [tilespmem:s21], [sflag:$0x1], $0x80, v4, vm0, $0xb8;
	[tilespmem:$0x18080] =	vst v63  }
0xaf: {  	_ = 	snop  }
0xb0: {  	[hbm4b:s3+s2] =	stream.indirect_vreg.scatter [tilespmem:s22], [sflag:$0x1], $0x80, v3, vm0, $0xb8;
	[tilespmem:$0x18080] =	vst v63  }
0xb1: {  	_ = 	snop  }
0xb2: {  	[hbm4b:s4+s2] =	stream.indirect_vreg.scatter [tilespmem:s23], [sflag:$0x1], $0x80, v3, vm0, $0xb8;
	[tilespmem:$0x18080] =	vst v63  }
0xb3: {  	_ = 	snop  }
0xb4: {  	[hbm4b:s5+s2] =	stream.indirect_vreg.scatter [tilespmem:s24], [sflag:$0x1], $0x80, v3, vm0, $0xb8;
	[tilespmem:$0x18080] =	vst v63  }
0xb5: {  	v3 =	vld [tilespmem:$0x70];
	_ =	sdelay $0x4  }
0xb6: {  	v63 =	vshrl.u32 v3, $0x3  }
0xb7: {  	v4 =	vmul.u32 $0x30, v63  }
0xb8: {  	v3 =	vand.u32 $0x7, v3  }
0xb9: {  	v3 =	vor.u32 v3, v4  }
0xba: {  	v4 =	vperm.xlane v3, v0;
	_ =	sdelay $0x1  }
0xbb: {  	v4 =	vadd.s32 v1, v4;
	_ =	sdelay $0x3  }
0xbc: {  	v3 =	vperm.xlane v3, v2  }
0xbd: {  	[hbm4b:s3+s2] =	stream.indirect_vreg.scatter [tilespmem:s25], [sflag:$0x1], $0x80, v4, vm0, $0xb8;
	[tilespmem:$0x18080] =	vst v63  }
0xbe: {  	v3 =	vadd.s32 v1, v3  }
0xbf: {  	[hbm4b:s4+s2] =	stream.indirect_vreg.scatter [tilespmem:s26], [sflag:$0x1], $0x80, v4, vm0, $0xb8;
	[tilespmem:$0x18080] =	vst v63  }
0xc0: {  	_ = 	snop  }
0xc1: {  	[hbm4b:s5+s2] =	stream.indirect_vreg.scatter [tilespmem:s28], [sflag:$0x1], $0x80, v4, vm0, $0xb8;
	[tilespmem:$0x18080] =	vst v63  }
0xc2: {  	_ = 	snop  }
0xc3: {  	[hbm4b:s3+s2] =	stream.indirect_vreg.scatter [tilespmem:s29], [sflag:$0x1], $0x80, v3, vm0, $0xb8;
	[tilespmem:$0x18080] =	vst v63  }
0xc4: {  	p0 =	sne.s32 s6, $0x1  }
0xc5: {  	[hbm4b:s4+s2] =	stream.indirect_vreg.scatter [tilespmem:s30], [sflag:$0x1], $0x80, v3, vm0, $0xb8;
	[tilespmem:$0x18080] =	vst v63  }
.Ltmp0:
0xc6: {  	_ = 	snop;
	(pc) =	sbr.rel @p0 .LBB2_1-.Ltmp0, $4  }
0xc7: {  	[hbm4b:s5+s2] =	stream.indirect_vreg.scatter [tilespmem:s31], [sflag:$0x1], $0x80, v3, vm0, $0xb8;
	[tilespmem:$0x18080] =	vst v63  }
0xc8: {  	_ =	swait.ge [sflag:s1], $0x18000  }
0xc9: {  	[sflag:s1] =	ssyncset.done $0x0  }
0xca: {  	s6 =	sadd.s32 $0xFFFFFFFF, s6;
	[sflag:s1] =	ssyncadd.s32 $0xFFFE8000  }
0xcb: {  	_ =	sfence.sel $0x180000  }
0xcc: {  	[bflag:$0x0] =	sbarrier.arrive $0xFFFF  }
0xcd: {  	_ =	strace $0x9000004A  }
0xce: {  	s0 =	stileid.u32;
	[bflag:$0x2] =	sbarrier.arrive $0xFFFF  }
0xcf: {  	p0 =	sne.s32 s0, $0x0;
	s0 =	rddreg [dreg:$0x1]  }
0xd0: {  	s0 =	sadd.s32 @!p0 $0x100000, s0  }
0xd1: {  	[sflag:s0] =	ssyncadd.tile.s32 @!p0 $0x1;
	_ =	shalt  }
.Lfunc_end2:
_tile_overlayer_lowered:
.L_overlay_start_2:
0xd2: {  	(tag) =	ssettag $0x2  }
0xd3: {  	s0 =	rddreg [dreg:$0x0];
	s2 =	stileid.u32  }
0xd4: {  	s1 =	rddreg [dreg:$0x1];
	p0 =	sne.s32 s2, $0x0  }
0xd5: {  	s3 =	rddreg [dreg:$0x2];
	[bflag:$0x3] =	sbarrier.arrive $0xFFFF;
	s2 =	simm.s32 @!p0 $0x1C02  }
0xd6: {  	[timem:s3], [sflag:s2] =	dma.local @!p0 [hbm:s0], s1  }
0xd7: {  	s0 =	simm.s32 @!p0 $0x2  }
0xd8: {  	_ =	swait.ge @!p0 [sflag:s0], s1  }
0xd9: {  	s1 =	ssub.s32 @!p0 $0x0, s1;
	[sflag:s0] =	ssyncset.done @!p0 $0x0  }
0xda: {  	[sflag:s0] =	ssyncadd.s32 @!p0 s1  }
0xdb: {  	[bflag:$0x3] =	sbarrier.arrive $0xFFFF  }
0xdc: {  	_ =	shalt  }

// kernel: kernel.27.cloned.1.call-start
scs
__scs_entry_jumppad:
0x0: {  	(pc) =	sbr.rel $0x88, $3  }
0x1: {  	(tag) =	ssettag $0x0;
	lr =	simm.s32 $0x1  }
0x2: {  	[smem:$0x3F8F] =	sst lr;
	_ =	strace $0xD0000000  }
0x3: {  	_ = 	snop  }
0x4: {  	_ = 	snop  }
0x5: {  	_ = 	snop  }
0x6: {  	_ = 	snop  }
0x7: {  	_ = 	snop  }
__scs_overlays_trampoline_lowered:
0x8: {  	[smem:$0x3F9E] =	sst s0  }
0x9: {  	[smem:$0x3F9F] =	sst s1  }
0xa: {  	[smem:$0x3FA0] =	sst s2  }
0xb: {  	[smem:$0x3FA1] =	sst s3  }
0xc: {  	[smem:$0x3FA2] =	sst s4  }
0xd: {  	[smem:$0x3FA3] =	sst s5  }
0xe: {  	[smem:$0x3FA4] =	sst s6  }
0xf: {  	[smem:$0x3FA5] =	sst s7  }
0x10: {  	[smem:$0x3FA6] =	sst s8  }
0x11: {  	[smem:$0x3FA7] =	sst s9;
	s0 =	simm.s32 @!p0 $0x0  }
0x12: {  	s1 =	sld [smem:$0x3F8D];
	s0 =	simm.s32 @p0 $0x1  }
0x13: {  	[smem:$0x3FA8] =	sst s0;
	s0 =	simm.s32 @!p1 $0x0  }
0x14: {  	s2 =	sld [smem:$0x3F8C];
	s0 =	simm.s32 @p1 $0x1  }
0x15: {  	[smem:$0x3FA9] =	sst s0;
	s0 =	simm.s32 @!p2 $0x0  }
0x16: {  	s3 =	sld [smem:$0x3FDB];
	s0 =	simm.s32 @p2 $0x1  }
0x17: {  	s4 =	simm.s32 $0x1BF5;
	[smem:$0x3FAB] =	sst s0  }
0x18: {  	s0 =	sld [smem:$0x3F8E];
	_ =	swait.ge [sflag:s4], $0x0  }
0x19: {  	s7 =	sld [smem:$0x3F8F]  }
0x1a: {  	s8 =	sadd.s32 $0xFFFFE003, lr  }
0x1b: {  	s9 =	sadd.s32 $0xFFFFFEF7, lr;
	s5 =	simm.s32 $0xFFFFFFFF;
	p2 =	slt.u32 s8, $0xFFFFF086  }
0x1c: {  	p1 =	slt.u32 s9, $0xF7A;
	s5 =	simm.s32 @!p2 $0x0  }
0x1d: {  	s5 =	simm.s32 @p1 $0x1;
	p0 =	seq.s32 s7, s2  }
0x1e: {  	s7 =	smul.u32 @!p0 $0xF7A, s2;
	p2 =	seq.s32 @!p0 s5, $0x0  }
0x1f: {  	s9 =	smul.u32 $0xF7A, s1;
	s8 =	simm.s32 @!p0 $0x1BF5;
	p2 =	por !p2, p0  }
0x20: {  	[sflag:s8] =	ssyncset.s32 @!p0 $0xFFFFF086;
	s6 =	sadd.s32 @!p0 s3, s7;
	s7 =	simm.s32 @!p0 $0x108  }
0x21: {  	s3 =	sadd.s32 s3, s9;
	s6 =	sadd.s32 @!p0 $0x88, s6;
	s7 =	simm.s32 @p2 $0x1082  }
0x22: {  	[simem:s7], [sflag:s8] =	dma.local @!p0 [hbm:s6], $0xF7A  }
0x23: {  	s9 =	sor.u32 $0xD0000000, s2;
	s6 =	simm.s32 $0x108;
	_ =	swait.ge @!p0 [sflag:s8], $0x0  }
0x24: {  	s3 =	sadd.s32 $0x88, s3;
	s6 =	simm.s32 @!p1 $0x1082;
	[sflag:s4] =	ssyncset.s32 $0xFFFFF086  }
0x25: {  	[simem:s6], [sflag:s4] =	dma.local [hbm:s3], $0xF7A  }
0x26: {  	[smem:$0x3F8F] =	sst s1;
	(tag) =	ssettag s2;
	_ =	strace s9  }
0x27: {  	s1 =	sld [smem:$0x3F9F]  }
0x28: {  	s2 =	sld [smem:$0x3FA0]  }
0x29: {  	s4 =	sld [smem:$0x3FA2]  }
0x2a: {  	p0 =	seq.s32 s5, $0x0;
	s5 =	sld [smem:$0x3FA3]  }
0x2b: {  	s6 =	sld [smem:$0x3FA4]  }
0x2c: {  	s7 =	sld [smem:$0x3FA5]  }
0x2d: {  	s3 =	simm.s32 $0x108;
	s8 =	sld [smem:$0x3FA6]  }
0x2e: {  	s3 =	simm.s32 @!p0 $0x1082;
	s9 =	sld [smem:$0x3FA7]  }
0x2f: {  	lr =	sadd.s32 s0, s3;
	s0 =	sld [smem:$0x3F9E]  }
0x30: {  	s3 =	sld [smem:$0x3FA1]  }
0x31: {  	[smem:$0x3FAA] =	sst s10  }
0x32: {  	s10 =	sld [smem:$0x3FA8];
	_ =	sdelay $0x3  }
0x33: {  	p0 =	seq.s32 s10, $0x1;
	s10 =	sld [smem:$0x3FAA];
	_ =	sdelay $0x3  }
0x34: {  	[smem:$0x3FAA] =	sst s10  }
0x35: {  	s10 =	sld [smem:$0x3FA9];
	_ =	sdelay $0x3  }
0x36: {  	p1 =	seq.s32 s10, $0x1;
	s10 =	sld [smem:$0x3FAA];
	_ =	sdelay $0x3  }
0x37: {  	[smem:$0x3FAA] =	sst s10  }
0x38: {  	s10 =	sld [smem:$0x3FAB]  }
0x39: {  	_ = 	snop;
	(pc) =	sbr.ind lr, $3  }
0x3a: {  	_ = 	snop  }
0x3b: {  	_ = 	snop  }
0x3c: {  	p2 =	seq.s32 s10, $0x1;
	s10 =	sld [smem:$0x3FAA]  }
0x3d: {  	_ =	shalt  }
0x3e: {  	_ =	shalt  }
0x3f: {  	_ =	shalt  }
0x40: {  	_ =	shalt  }
0x41: {  	_ =	shalt  }
0x42: {  	_ =	shalt  }
0x43: {  	_ =	shalt  }
0x44: {  	_ =	shalt  }
0x45: {  	_ =	shalt  }
0x46: {  	_ =	shalt  }
0x47: {  	_ =	shalt  }
0x48: {  	_ =	shalt  }
0x49: {  	_ =	shalt  }
0x4a: {  	_ =	shalt  }
0x4b: {  	_ =	shalt  }
0x4c: {  	_ =	shalt  }
0x4d: {  	_ =	shalt  }
0x4e: {  	_ =	shalt  }
0x4f: {  	_ =	shalt  }
0x50: {  	_ =	shalt  }
0x51: {  	_ =	shalt  }
0x52: {  	_ =	shalt  }
0x53: {  	_ =	shalt  }
0x54: {  	_ =	shalt  }
0x55: {  	_ =	shalt  }
0x56: {  	_ =	shalt  }
0x57: {  	_ =	shalt  }
0x58: {  	_ =	shalt  }
0x59: {  	_ =	shalt  }
0x5a: {  	_ =	shalt  }
0x5b: {  	_ =	shalt  }
0x5c: {  	_ =	shalt  }
0x5d: {  	_ =	shalt  }
0x5e: {  	_ =	shalt  }
0x5f: {  	_ =	shalt  }
0x60: {  	_ =	shalt  }
0x61: {  	_ =	shalt  }
0x62: {  	_ =	shalt  }
0x63: {  	_ =	shalt  }
0x64: {  	_ =	shalt  }
0x65: {  	_ =	shalt  }
0x66: {  	_ =	shalt  }
0x67: {  	_ =	shalt  }
0x68: {  	_ =	shalt  }
0x69: {  	_ =	shalt  }
0x6a: {  	_ =	shalt  }
0x6b: {  	_ =	shalt  }
0x6c: {  	_ =	shalt  }
0x6d: {  	_ =	shalt  }
0x6e: {  	_ =	shalt  }
0x6f: {  	_ =	shalt  }
0x70: {  	_ =	shalt  }
0x71: {  	_ =	shalt  }
0x72: {  	_ =	shalt  }
0x73: {  	_ =	shalt  }
0x74: {  	_ =	shalt  }
0x75: {  	_ =	shalt  }
0x76: {  	_ =	shalt  }
0x77: {  	_ =	shalt  }
0x78: {  	_ =	shalt  }
0x79: {  	_ =	shalt  }
0x7a: {  	_ =	shalt  }
0x7b: {  	_ =	shalt  }
0x7c: {  	_ =	shalt  }
0x7d: {  	_ =	shalt  }
0x7e: {  	_ =	shalt  }
0x7f: {  	_ =	shalt  }
0x80: {  	_ =	shalt  }
0x81: {  	_ =	shalt  }
0x82: {  	_ =	shalt  }
0x83: {  	_ =	shalt  }
0x84: {  	_ =	shalt  }
0x85: {  	_ =	shalt  }
0x86: {  	_ =	shalt  }
0x87: {  	_ =	shalt  }
.Lfunc_end0:
.L_simem_size_0:
called_computation.2_lowered:
.L_overlay_start_0:
0x88: {  	s2 =	sld [smem:$0x3FD9]  }
0x89: {  	s3 =	sld [smem:$0x3FFE];
	_ =	sdelay $0x1  }
0x8a: {  	s1 =	srdreg.scid  }
0x8b: {  	s0 =	sand.u32 $0x1, s1  }
0x8c: {  	s16 =	sshll.u32 s0, $0xA;
	s2 =	sadd.s32 s3, s2  }
0x8d: {  	s2 =	sadd.s32 s2, s16  }
0x8e: {  	[smem:$0x3FB6] =	sst s2  }
0x8f: {  	_ = 	snop  }
0x90: {  	(tm) =	ssettm $0x1  }
0x91: {  	s17 =	sld [smem:$0x3FFB];
	_ =	sdelay $0x3  }
0x92: {  	_ =	strace s17  }
0x93: {  	s2 =	sld [smem:$0x3FFC];
	_ =	sdelay $0x3  }
0x94: {  	_ =	strace s2  }
0x95: {  	s2 =	sld [smem:$0x3FFD];
	_ =	sdelay $0x3  }
0x96: {  	_ =	strace s2  }
0x97: {  	_ =	strace $0x8FFFFFFF  }
0x98: {  	s18 =	sld [smem:$0x3FDB];
	_ =	sdelay $0x1  }
0x99: {  	s19 =	simm.s32 $_scs_section_size  }
0x9a: {  	s4 =	simm.s32 $_size__tile_overlayer_lowered;
	s5 =	simm.s32 $_tile_overlayer_lowered  }
0x9b: {  	s22 =	simm.s32 $0x1BFF;
	s21 =	sshll.u32 s5, $0x1;
	s2 =	sadd.s32 s19, s18  }
0x9c: {  	s6 =	simm.s32 $0x0;
	s20 =	sshll.u32 s4, $0x1;
	s4 =	sadd.s32 s21, s2  }
0x9d: {  	[timem:s6], [sflag:s22] =	dma.local [hbm:s4], s20  }
0x9e: {  	_ =	swait.ge [sflag:s22], s20  }
0x9f: {  	s3 =	ssub.s32 $0x0, s20;
	[sflag:s22] =	ssyncset.done $0x0  }
0xa0: {  	[sflag:s22] =	ssyncadd.s32 s3;
	_ =	sdelay $0x1  }
0xa1: {  	s23 =	simm.s32 $0x1B8B  }
0xa2: {  	_ =	swait.ge [sflag:s23], $0x1  }
0xa3: {  	[sflag:s23] =	ssyncset.done $0x0  }
0xa4: {  	s25 =	simm.s32 $0x1B8E;
	s24 =	sld [smem:$0x3FFE];
	[sflag:s23] =	ssyncadd.s32 $0xFFFFFFFF  }
0xa5: {  	s26 =	simm.s32 $execute0_lowered;
	[smem:$0x3FD2] =	sst s25  }
0xa6: {  	s4 =	sshll.u32 s26, $0x1;
	_ =	strace $0x8000004C;
	[dreg:$0x1] =	wrdreg $0xFFFFFFFF  }
0xa7: {  	s28 =	simm.s32 $_size_execute0_lowered;
	s2 =	sadd.s32 s2, s4;
	[dreg:$0x0] =	wrdreg $0x0  }
0xa8: {  	s4 =	sshll.u32 s28, $0x1;
	[dreg:$0x2] =	wrdreg s2  }
0xa9: {  	[dreg:$0x3] =	wrdreg s4  }
0xaa: {  	[dreg:$0x4] =	wrdreg $0xC0  }
0xab: {  	_ =	task [dreg:s6], $0x5FFFF  }
0xac: {  	[dreg:$0x1] =	wrdreg $0xFFFFFFFF  }
0xad: {  	[dreg:$0x0] =	wrdreg $0x60  }
0xae: {  	[dreg:$0x2] =	wrdreg s24  }
0xaf: {  	[dreg:$0x3] =	wrdreg $0x9  }
0xb0: {  	_ =	task.clear_ibuf [dreg:s6], $0x4FFFF;
	_ =	strace $0x9000004C  }
0xb1: {  	s29 =	simm.s32 $0x9;
	_ =	strace $0x8000004E  }
0xb2: {  	_ =	swait.ge [sflag:s29], $0x1  }
0xb3: {  	[sflag:s29] =	ssyncadd.s32 $0xFFFFFFFF  }
0xb4: {  	_ =	strace $0x9000004E  }
0xb5: {  	_ =	sfence  }
0xb6: {  	s30 =	sld [smem:$0x0];
	_ =	sdelay $0x2  }
0xb7: {  	s31 =	sshll.u32 s1, $0xD;
	s1 =	sshrl.u32 s1, $0x2  }
0xb8: {  	s3 =	sand.u32 $0x4000, s31;
	s1 =	sadd.s32 s1, s30  }
0xb9: {  	s0 =	sor.u32 s3, s0;
	s1 =	sshll.u32 s1, $0x11  }
0xba: {  	s0 =	sor.u32 s1, s0  }
0xbb: {  	s0 =	sadd.s32 $0x8F2B, s0  }
0xbc: {  	[sflag:s0] =	ssyncadd.remote.s32 $0x1  }
0xbd: {  	_ =	sfence.sel $0xFFFF  }
0xbe: {  	[dreg:$0x0] =	wrdreg $0xFFFFFFFF;
	(pc) =	sbr.abs _section_cstart, $3  }
0xbf: {  	[dreg:$0x1] =	wrdreg $0xFFFFFFFF  }
0xc0: {  	_ =	task.clear_ibuf [dreg:s6], $0x2FFFF;
	_ =	strace $0x9FFFFFFF  }
0xc1: {  	(tm) =	ssettm $0x7FFFFFFF  }
tec
execute0_lowered:
.L_overlay_start_1:
0x0: {  	(tag) =	ssettag $0x1  }
0x1: {  	s1 =	srdreg.scid  }
0x2: {  	s0 =	stileid.u32;
	s1 =	sand.u32 $0x1, s1  }
0x3: {  	s2 =	sshll.u32 s0, $0x5;
	s3 =	sshll.u32 s1, $0x4  }
0x4: {  	s5 =	rddreg [dreg:$0x0];
	s3 =	sor.u32 s3, s2;
	s2 =	simm.s32 $0x0  }
0x5: {  	s26 =	simm.s32 $0x880;
	[smem:$0x7FF] =	sst s2  }
0x6: {  	s0 =	simm.s32 $0x1080;
	_ =	strace $0x8000004D;
	[dreg:$0x4] =	wrdreg s26  }
0x7: {  	s6 =	simm.s32 $0x2080;
	[dreg:$0x5] =	wrdreg s0  }
0x8: {  	s7 =	simm.s32 $0x2880;
	[dreg:$0x7] =	wrdreg s6  }
0x9: {  	s8 =	simm.s32 $0x3080;
	[dreg:$0x8] =	wrdreg s7  }
0xa: {  	s9 =	simm.s32 $0x3880;
	[dreg:$0x9] =	wrdreg s8  }
0xb: {  	s10 =	simm.s32 $0x4080;
	[dreg:$0xa] =	wrdreg s9  }
0xc: {  	s11 =	simm.s32 $0x4880;
	[dreg:$0xb] =	wrdreg s10  }
0xd: {  	s12 =	simm.s32 $0x5080;
	[dreg:$0xc] =	wrdreg s11  }
0xe: {  	s13 =	simm.s32 $0x5880;
	[dreg:$0xd] =	wrdreg s12  }
0xf: {  	s14 =	simm.s32 $0x6080;
	[dreg:$0xe] =	wrdreg s13  }
0x10: {  	s15 =	simm.s32 $0x6880;
	[dreg:$0xf] =	wrdreg s14  }
0x11: {  	s16 =	simm.s32 $0x7080;
	[dreg:$0x10] =	wrdreg s15  }
0x12: {  	s17 =	simm.s32 $0x7880;
	s18 =	simm.s32 $0x8080;
	[dreg:$0x11] =	wrdreg s16  }
0x13: {  	s19 =	simm.s32 $0x8880;
	s20 =	simm.s32 $0x9080;
	[dreg:$0x12] =	wrdreg s17  }
0x14: {  	s21 =	simm.s32 $0x9880;
	s22 =	simm.s32 $0xA080;
	[dreg:$0x13] =	wrdreg s18  }
0x15: {  	s23 =	simm.s32 $0xA880;
	s24 =	simm.s32 $0xB880;
	[dreg:$0x14] =	wrdreg s19  }
0x16: {  	s28 =	simm.s32 $0x16080;
	s29 =	simm.s32 $0x16880;
	[dreg:$0x15] =	wrdreg s20  }
0x17: {  	s30 =	simm.s32 $0x17080;
	s31 =	simm.s32 $0x17880;
	[dreg:$0x16] =	wrdreg s21  }
0x18: {  	s4 =	smul.u32 $0x300, s3;
	s3 =	sadd.s32 s3, s5;
	[dreg:$0x17] =	wrdreg s22  }
0x19: {  	s1 =	ssub.s32 $0x2, s1;
	s3 =	sadd.s32 $0x9F200, s3;
	[dreg:$0x18] =	wrdreg s23  }
0x1a: {  	s6 =	sshrl.u32 s1, $0x1;
	s7 =	simm.s32 $0xB080;
	[dreg:$0x1a] =	wrdreg s24  }
0x1b: {  	s8 =	simm.s32 $0x80;
	s26 =	simm.s32 $0xC880;
	s10 =	simm.s32 $0xD880  }
0x1c: {  	s11 =	simm.s32 $0xE080;
	s12 =	simm.s32 $0xE880;
	s13 =	simm.s32 $0xF080  }
0x1d: {  	s14 =	simm.s32 $0xF880;
	s15 =	simm.s32 $0x10080;
	s16 =	simm.s32 $0x10880  }
0x1e: {  	s17 =	simm.s32 $0x11080;
	s18 =	simm.s32 $0x11880;
	s19 =	simm.s32 $0x12080  }
0x1f: {  	s20 =	simm.s32 $0x12880;
	s21 =	simm.s32 $0x13080;
	s22 =	simm.s32 $0x13880  }
0x20: {  	s23 =	simm.s32 $0x14080;
	s24 =	simm.s32 $0x14880;
	[dreg:$0x2] =	wrdreg s3  }
0x21: {  	s4 =	sadd.s32 s4, s5;
	s3 =	sadd.s32 $0x9F400, s5;
	[dreg:$0x19] =	wrdreg s7  }
0x22: {  	s1 =	ssub.s32 s1, s6;
	s7 =	simm.s32 $0x2;
	[dreg:$0x1c] =	wrdreg s26  }
0x23: {  	s26 =	simm.s32 $0x15880;
	s25 =	sadd.s32 $0x129800, s4;
	s4 =	simm.s32 $0x1880  }
0x24: {  	v2 =	vlaneseq.u32;
	s6 =	smax.u32 s1, $0x1;
	s1 =	simm.s32 $0x1;
	[dreg:$0x3] =	wrdreg s25  }
0x25: {  	vm0 =	vmmov $0xffff;
	v1 =	vshrl.u32 v2, $0x3;
	[dreg:$0x6] =	wrdreg s4;
	s4 =	sadd.s32 $0x9F500, s5;
	s25 =	simm.s32 $0xC080  }
0x26: {  	v0 =	vand.u32 $0x7, v2;
	v2 =	vor.u32 $0x8, v2;
	v1 =	vmul.u32 $0x8, v1;
	s5 =	sadd.s32 $0x9F600, s5;
	[dreg:$0x1b] =	wrdreg s25;
	s25 =	simm.s32 $0x15080  }
.LBB2_1:
0x27: {  	s0 =	rddreg [dreg:$0x2]  }
0x28: {  	[tilespmem:s2], [sflag:$0x2] =	stream.linear.gather [hbm4b:s0+s2], $0x80, $0x38;
	[tilespmem:$0x18080] =	vst v63  }
0x29: {  	_ =	swait.ge [sflag:s7], $0x80  }
0x2a: {  	[sflag:s7] =	ssyncset.done $0x0  }
0x2b: {  	[sflag:s7] =	ssyncadd.s32 $0xFFFFFF80  }
0x2c: {  	v3 =	vld [tilespmem:$0x0];
	_ =	sdelay $0x4  }
0x2d: {  	v4 =	vshrl.u32 v3, $0x3  }
0x2e: {  	v4 =	vmul.u32 $0x30, v4  }
0x2f: {  	v3 =	vand.u32 $0x7, v3  }
0x30: {  	v3 =	vor.u32 v3, v4  }
0x31: {  	v4 =	vperm.xlane v3, v0;
	_ =	sdelay $0x1  }
0x32: {  	v4 =	vadd.s32 v1, v4;
	_ =	sdelay $0x3  }
0x33: {  	v3 =	vperm.xlane v3, v2  }
0x34: {  	[tilespmem:s8], [sflag:$0x1] =	stream.indirect_vreg.gather [hbm4b:s3+s2], $0x80, v4, vm0, $0xb8;
	[tilespmem:$0x18080] =	vst v63  }
0x35: {  	s0 =	rddreg [dreg:$0x4];
	v3 =	vadd.s32 v1, v3  }
0x36: {  	[tilespmem:s0], [sflag:$0x1] =	stream.indirect_vreg.gather [hbm4b:s4+s2], $0x80, v4, vm0, $0xb8;
	[tilespmem:$0x18080] =	vst v63  }
0x37: {  	s9 =	rddreg [dreg:$0x5]  }
0x38: {  	[tilespmem:s9], [sflag:$0x1] =	stream.indirect_vreg.gather [hbm4b:s5+s2], $0x80, v4, vm0, $0xb8;
	[tilespmem:$0x18080] =	vst v63  }
0x39: {  	s0 =	rddreg [dreg:$0x6]  }
0x3a: {  	[tilespmem:s0], [sflag:$0x1] =	stream.indirect_vreg.gather [hbm4b:s3+s2], $0x80, v3, vm0, $0xb8;
	[tilespmem:$0x18080] =	vst v63  }
0x3b: {  	s9 =	rddreg [dreg:$0x7]  }
0x3c: {  	[tilespmem:s9], [sflag:$0x1] =	stream.indirect_vreg.gather [hbm4b:s4+s2], $0x80, v3, vm0, $0xb8;
	[tilespmem:$0x18080] =	vst v63  }
0x3d: {  	s0 =	rddreg [dreg:$0x8]  }
0x3e: {  	[tilespmem:s0], [sflag:$0x1] =	stream.indirect_vreg.gather [hbm4b:s5+s2], $0x80, v3, vm0, $0xb8;
	[tilespmem:$0x18080] =	vst v63  }
0x3f: {  	v3 =	vld [tilespmem:$0x10];
	_ =	sdelay $0x4  }
0x40: {  	v57 =	vshrl.u32 v3, $0x3  }
0x41: {  	v4 =	vmul.u32 $0x30, v57  }
0x42: {  	v3 =	vand.u32 $0x7, v3  }
0x43: {  	v3 =	vor.u32 v3, v4  }
0x44: {  	v4 =	vperm.xlane v3, v0;
	_ =	sdelay $0x1  }
0x45: {  	v4 =	vadd.s32 v1, v4;
	_ =	sdelay $0x3  }
0x46: {  	s0 =	rddreg [dreg:$0x9];
	v3 =	vperm.xlane v3, v2  }
0x47: {  	[tilespmem:s0], [sflag:$0x1] =	stream.indirect_vreg.gather [hbm4b:s3+s2], $0x80, v4, vm0, $0xb8;
	[tilespmem:$0x18080] =	vst v63  }
0x48: {  	s9 =	rddreg [dreg:$0xa];
	v3 =	vadd.s32 v1, v3  }
0x49: {  	[tilespmem:s9], [sflag:$0x1] =	stream.indirect_vreg.gather [hbm4b:s4+s2], $0x80, v4, vm0, $0xb8;
	[tilespmem:$0x18080] =	vst v63  }
0x4a: {  	s0 =	rddreg [dreg:$0xb]  }
0x4b: {  	[tilespmem:s0], [sflag:$0x1] =	stream.indirect_vreg.gather [hbm4b:s5+s2], $0x80, v4, vm0, $0xb8;
	[tilespmem:$0x18080] =	vst v63  }
0x4c: {  	s9 =	rddreg [dreg:$0xc]  }
0x4d: {  	[tilespmem:s9], [sflag:$0x1] =	stream.indirect_vreg.gather [hbm4b:s3+s2], $0x80, v3, vm0, $0xb8;
	[tilespmem:$0x18080] =	vst v63  }
0x4e: {  	s0 =	rddreg [dreg:$0xd]  }
0x4f: {  	[tilespmem:s0], [sflag:$0x1] =	stream.indirect_vreg.gather [hbm4b:s4+s2], $0x80, v3, vm0, $0xb8;
	[tilespmem:$0x18080] =	vst v63  }
0x50: {  	s9 =	rddreg [dreg:$0xe]  }
0x51: {  	[tilespmem:s9], [sflag:$0x1] =	stream.indirect_vreg.gather [hbm4b:s5+s2], $0x80, v3, vm0, $0xb8;
	[tilespmem:$0x18080] =	vst v63  }
0x52: {  	v3 =	vld [tilespmem:$0x20];
	_ =	sdelay $0x4  }
0x53: {  	v58 =	vshrl.u32 v3, $0x3  }
0x54: {  	v4 =	vmul.u32 $0x30, v58  }
0x55: {  	v3 =	vand.u32 $0x7, v3  }
0x56: {  	v3 =	vor.u32 v3, v4  }
0x57: {  	v4 =	vperm.xlane v3, v0;
	_ =	sdelay $0x1  }
0x58: {  	v4 =	vadd.s32 v1, v4;
	_ =	sdelay $0x3  }
0x59: {  	s0 =	rddreg [dreg:$0xf];
	v3 =	vperm.xlane v3, v2  }
0x5a: {  	[tilespmem:s0], [sflag:$0x1] =	stream.indirect_vreg.gather [hbm4b:s3+s2], $0x80, v4, vm0, $0xb8;
	[tilespmem:$0x18080] =	vst v63  }
0x5b: {  	s9 =	rddreg [dreg:$0x10];
	v3 =	vadd.s32 v1, v3  }
0x5c: {  	[tilespmem:s9], [sflag:$0x1] =	stream.indirect_vreg.gather [hbm4b:s4+s2], $0x80, v4, vm0, $0xb8;
	[tilespmem:$0x18080] =	vst v63  }
0x5d: {  	s0 =	rddreg [dreg:$0x11]  }
0x5e: {  	[tilespmem:s0], [sflag:$0x1] =	stream.indirect_vreg.gather [hbm4b:s5+s2], $0x80, v4, vm0, $0xb8;
	[tilespmem:$0x18080] =	vst v63  }
0x5f: {  	s9 =	rddreg [dreg:$0x12]  }
0x60: {  	[tilespmem:s9], [sflag:$0x1] =	stream.indirect_vreg.gather [hbm4b:s3+s2], $0x80, v3, vm0, $0xb8;
	[tilespmem:$0x18080] =	vst v63  }
0x61: {  	s0 =	rddreg [dreg:$0x13]  }
0x62: {  	[tilespmem:s0], [sflag:$0x1] =	stream.indirect_vreg.gather [hbm4b:s4+s2], $0x80, v3, vm0, $0xb8;
	[tilespmem:$0x18080] =	vst v63  }
0x63: {  	s9 =	rddreg [dreg:$0x14]  }
0x64: {  	[tilespmem:s9], [sflag:$0x1] =	stream.indirect_vreg.gather [hbm4b:s5+s2], $0x80, v3, vm0, $0xb8;
	[tilespmem:$0x18080] =	vst v63  }
0x65: {  	v3 =	vld [tilespmem:$0x30];
	_ =	sdelay $0x4  }
0x66: {  	v59 =	vshrl.u32 v3, $0x3  }
0x67: {  	v4 =	vmul.u32 $0x30, v59  }
0x68: {  	v3 =	vand.u32 $0x7, v3  }
0x69: {  	v3 =	vor.u32 v3, v4  }
0x6a: {  	v4 =	vperm.xlane v3, v0;
	_ =	sdelay $0x1  }
0x6b: {  	v4 =	vadd.s32 v1, v4;
	_ =	sdelay $0x3  }
0x6c: {  	s0 =	rddreg [dreg:$0x15];
	v3 =	vperm.xlane v3, v2  }
0x6d: {  	[tilespmem:s0], [sflag:$0x1] =	stream.indirect_vreg.gather [hbm4b:s3+s2], $0x80, v4, vm0, $0xb8;
	[tilespmem:$0x18080] =	vst v63  }
0x6e: {  	s9 =	rddreg [dreg:$0x16];
	v3 =	vadd.s32 v1, v3  }
0x6f: {  	[tilespmem:s9], [sflag:$0x1] =	stream.indirect_vreg.gather [hbm4b:s4+s2], $0x80, v4, vm0, $0xb8;
	[tilespmem:$0x18080] =	vst v63  }
0x70: {  	s0 =	rddreg [dreg:$0x17]  }
0x71: {  	[tilespmem:s0], [sflag:$0x1] =	stream.indirect_vreg.gather [hbm4b:s5+s2], $0x80, v4, vm0, $0xb8;
	[tilespmem:$0x18080] =	vst v63  }
0x72: {  	s9 =	rddreg [dreg:$0x18]  }
0x73: {  	[tilespmem:s9], [sflag:$0x1] =	stream.indirect_vreg.gather [hbm4b:s3+s2], $0x80, v3, vm0, $0xb8;
	[tilespmem:$0x18080] =	vst v63  }
0x74: {  	s0 =	rddreg [dreg:$0x19]  }
0x75: {  	[tilespmem:s0], [sflag:$0x1] =	stream.indirect_vreg.gather [hbm4b:s4+s2], $0x80, v3, vm0, $0xb8;
	[tilespmem:$0x18080] =	vst v63  }
0x76: {  	s9 =	rddreg [dreg:$0x1a]  }
0x77: {  	[tilespmem:s9], [sflag:$0x1] =	stream.indirect_vreg.gather [hbm4b:s5+s2], $0x80, v3, vm0, $0xb8;
	[tilespmem:$0x18080] =	vst v63  }
0x78: {  	v3 =	vld [tilespmem:$0x40];
	_ =	sdelay $0x4  }
0x79: {  	v60 =	vshrl.u32 v3, $0x3  }
0x7a: {  	v4 =	vmul.u32 $0x30, v60  }
0x7b: {  	v3 =	vand.u32 $0x7, v3  }
0x7c: {  	v3 =	vor.u32 v3, v4  }
0x7d: {  	v4 =	vperm.xlane v3, v0;
	_ =	sdelay $0x1  }
0x7e: {  	v4 =	vadd.s32 v1, v4;
	_ =	sdelay $0x3  }
0x7f: {  	s0 =	rddreg [dreg:$0x1b];
	v3 =	vperm.xlane v3, v2  }
0x80: {  	[tilespmem:s0], [sflag:$0x1] =	stream.indirect_vreg.gather [hbm4b:s3+s2], $0x80, v4, vm0, $0xb8;
	[tilespmem:$0x18080] =	vst v63  }
0x81: {  	s9 =	rddreg [dreg:$0x1c];
	v3 =	vadd.s32 v1, v3  }
0x82: {  	[tilespmem:s9], [sflag:$0x1] =	stream.indirect_vreg.gather [hbm4b:s4+s2], $0x80, v4, vm0, $0xb8;
	[tilespmem:$0x18080] =	vst v63  }
0x83: {  	s9 =	simm.s32 $0xD080  }
0x84: {  	[tilespmem:s9], [sflag:$0x1] =	stream.indirect_vreg.gather [hbm4b:s5+s2], $0x80, v4, vm0, $0xb8;
	[tilespmem:$0x18080] =	vst v63  }
0x85: {  	_ = 	snop  }
0x86: {  	[tilespmem:s10], [sflag:$0x1] =	stream.indirect_vreg.gather [hbm4b:s3+s2], $0x80, v3, vm0, $0xb8;
	[tilespmem:$0x18080] =	vst v63  }
0x87: {  	_ = 	snop  }
0x88: {  	[tilespmem:s11], [sflag:$0x1] =	stream.indirect_vreg.gather [hbm4b:s4+s2], $0x80, v3, vm0, $0xb8;
	[tilespmem:$0x18080] =	vst v63  }
0x89: {  	_ = 	snop  }
0x8a: {  	[tilespmem:s12], [sflag:$0x1] =	stream.indirect_vreg.gather [hbm4b:s5+s2], $0x80, v3, vm0, $0xb8;
	[tilespmem:$0x18080] =	vst v63  }
0x8b: {  	v3 =	vld [tilespmem:$0x50];
	_ =	sdelay $0x4  }
0x8c: {  	v61 =	vshrl.u32 v3, $0x3  }
0x8d: {  	v4 =	vmul.u32 $0x30, v61  }
0x8e: {  	v3 =	vand.u32 $0x7, v3  }
0x8f: {  	v3 =	vor.u32 v3, v4  }
0x90: {  	v4 =	vperm.xlane v3, v0;
	_ =	sdelay $0x1  }
0x91: {  	v4 =	vadd.s32 v1, v4;
	_ =	sdelay $0x3  }
0x92: {  	v3 =	vperm.xlane v3, v2  }
0x93: {  	[tilespmem:s13], [sflag:$0x1] =	stream.indirect_vreg.gather [hbm4b:s3+s2], $0x80, v4, vm0, $0xb8;
	[tilespmem:$0x18080] =	vst v63  }
0x94: {  	v3 =	vadd.s32 v1, v3  }
0x95: {  	[tilespmem:s14], [sflag:$0x1] =	stream.indirect_vreg.gather [hbm4b:s4+s2], $0x80, v4, vm0, $0xb8;
	[tilespmem:$0x18080] =	vst v63  }
0x96: {  	_ = 	snop  }
0x97: {  	[tilespmem:s15], [sflag:$0x1] =	stream.indirect_vreg.gather [hbm4b:s5+s2], $0x80, v4, vm0, $0xb8;
	[tilespmem:$0x18080] =	vst v63  }
0x98: {  	_ = 	snop  }
0x99: {  	[tilespmem:s16], [sflag:$0x1] =	stream.indirect_vreg.gather [hbm4b:s3+s2], $0x80, v3, vm0, $0xb8;
	[tilespmem:$0x18080] =	vst v63  }
0x9a: {  	_ = 	snop  }
0x9b: {  	[tilespmem:s17], [sflag:$0x1] =	stream.indirect_vreg.gather [hbm4b:s4+s2], $0x80, v3, vm0, $0xb8;
	[tilespmem:$0x18080] =	vst v63  }
0x9c: {  	_ = 	snop  }
0x9d: {  	[tilespmem:s18], [sflag:$0x1] =	stream.indirect_vreg.gather [hbm4b:s5+s2], $0x80, v3, vm0, $0xb8;
	[tilespmem:$0x18080] =	vst v63  }
0x9e: {  	v3 =	vld [tilespmem:$0x60];
	_ =	sdelay $0x4  }
0x9f: {  	v62 =	vshrl.u32 v3, $0x3  }
0xa0: {  	v4 =	vmul.u32 $0x30, v62  }
0xa1: {  	v3 =	vand.u32 $0x7, v3  }
0xa2: {  	v3 =	vor.u32 v3, v4  }
0xa3: {  	v4 =	vperm.xlane v3, v0;
	_ =	sdelay $0x1  }
0xa4: {  	v4 =	vadd.s32 v1, v4;
	_ =	sdelay $0x3  }
0xa5: {  	v3 =	vperm.xlane v3, v2  }
0xa6: {  	[tilespmem:s19], [sflag:$0x1] =	stream.indirect_vreg.gather [hbm4b:s3+s2], $0x80, v4, vm0, $0xb8;
	[tilespmem:$0x18080] =	vst v63  }
0xa7: {  	v3 =	vadd.s32 v1, v3  }
0xa8: {  	[tilespmem:s20], [sflag:$0x1] =	stream.indirect_vreg.gather [hbm4b:s4+s2], $0x80, v4, vm0, $0xb8;
	[tilespmem:$0x18080] =	vst v63  }
0xa9: {  	_ = 	snop  }
0xaa: {  	[tilespmem:s21], [sflag:$0x1] =	stream.indirect_vreg.gather [hbm4b:s5+s2], $0x80, v4, vm0, $0xb8;
	[tilespmem:$0x18080] =	vst v63  }
0xab: {  	_ = 	snop  }
0xac: {  	[tilespmem:s22], [sflag:$0x1] =	stream.indirect_vreg.gather [hbm4b:s3+s2], $0x80, v3, vm0, $0xb8;
	[tilespmem:$0x18080] =	vst v63  }
0xad: {  	_ = 	snop  }
0xae: {  	[tilespmem:s23], [sflag:$0x1] =	stream.indirect_vreg.gather [hbm4b:s4+s2], $0x80, v3, vm0, $0xb8;
	[tilespmem:$0x18080] =	vst v63  }
0xaf: {  	_ = 	snop  }
0xb0: {  	[tilespmem:s24], [sflag:$0x1] =	stream.indirect_vreg.gather [hbm4b:s5+s2], $0x80, v3, vm0, $0xb8;
	[tilespmem:$0x18080] =	vst v63  }
0xb1: {  	v3 =	vld [tilespmem:$0x70];
	_ =	sdelay $0x4  }
0xb2: {  	v63 =	vshrl.u32 v3, $0x3  }
0xb3: {  	v4 =	vmul.u32 $0x30, v63  }
0xb4: {  	v3 =	vand.u32 $0x7, v3  }
0xb5: {  	v3 =	vor.u32 v3, v4  }
0xb6: {  	v4 =	vperm.xlane v3, v0;
	_ =	sdelay $0x1  }
0xb7: {  	v4 =	vadd.s32 v1, v4;
	_ =	sdelay $0x3  }
0xb8: {  	v3 =	vperm.xlane v3, v2  }
0xb9: {  	[tilespmem:s25], [sflag:$0x1] =	stream.indirect_vreg.gather [hbm4b:s3+s2], $0x80, v4, vm0, $0xb8;
	[tilespmem:$0x18080] =	vst v63  }
0xba: {  	v3 =	vadd.s32 v1, v3  }
0xbb: {  	[tilespmem:s26], [sflag:$0x1] =	stream.indirect_vreg.gather [hbm4b:s4+s2], $0x80, v4, vm0, $0xb8;
	[tilespmem:$0x18080] =	vst v63  }
0xbc: {  	_ = 	snop  }
0xbd: {  	[tilespmem:s28], [sflag:$0x1] =	stream.indirect_vreg.gather [hbm4b:s5+s2], $0x80, v4, vm0, $0xb8;
	[tilespmem:$0x18080] =	vst v63  }
0xbe: {  	_ = 	snop  }
0xbf: {  	[tilespmem:s29], [sflag:$0x1] =	stream.indirect_vreg.gather [hbm4b:s3+s2], $0x80, v3, vm0, $0xb8;
	[tilespmem:$0x18080] =	vst v63  }
0xc0: {  	_ = 	snop  }
0xc1: {  	[tilespmem:s30], [sflag:$0x1] =	stream.indirect_vreg.gather [hbm4b:s4+s2], $0x80, v3, vm0, $0xb8;
	[tilespmem:$0x18080] =	vst v63  }
0xc2: {  	_ = 	snop  }
0xc3: {  	[tilespmem:s31], [sflag:$0x1] =	stream.indirect_vreg.gather [hbm4b:s5+s2], $0x80, v3, vm0, $0xb8;
	[tilespmem:$0x18080] =	vst v63  }
0xc4: {  	_ =	swait.ge [sflag:s1], $0x18000  }
0xc5: {  	p0 =	sne.s32 s6, $0x1;
	[sflag:s1] =	ssyncset.done $0x0  }
.Ltmp0:
0xc6: {  	s9 =	rddreg [dreg:$0x3];
	[sflag:s1] =	ssyncadd.s32 $0xFFFE8000;
	(pc) =	sbr.rel @p0 .LBB2_1-.Ltmp0, $4  }
0xc7: {  	[hbm4b:s9+s2] =	stream.linear.scatter [tilespmem:s8], [sflag:$0x2], $0x18000, $0x38;
	[tilespmem:$0x18080] =	vst v63  }
0xc8: {  	_ =	swait.ge [sflag:s7], $0x18000  }
0xc9: {  	[sflag:s7] =	ssyncset.done $0x0  }
0xca: {  	s6 =	sadd.s32 $0xFFFFFFFF, s6;
	[sflag:s7] =	ssyncadd.s32 $0xFFFE8000  }
0xcb: {  	_ =	sfence.sel $0x180000  }
0xcc: {  	[bflag:$0x0] =	sbarrier.arrive $0xFFFF  }
0xcd: {  	_ =	strace $0x9000004D  }
0xce: {  	s0 =	stileid.u32;
	[bflag:$0x2] =	sbarrier.arrive $0xFFFF  }
0xcf: {  	p0 =	sne.s32 s0, $0x0;
	s0 =	rddreg [dreg:$0x1]  }
0xd0: {  	s0 =	sadd.s32 @!p0 $0x100000, s0  }
0xd1: {  	[sflag:s0] =	ssyncadd.tile.s32 @!p0 $0x1;
	_ =	shalt  }
.Lfunc_end2:
_tile_overlayer_lowered:
.L_overlay_start_2:
0xd2: {  	(tag) =	ssettag $0x2  }
0xd3: {  	s0 =	rddreg [dreg:$0x0];
	s2 =	stileid.u32  }
0xd4: {  	s1 =	rddreg [dreg:$0x1];
	p0 =	sne.s32 s2, $0x0  }
0xd5: {  	s3 =	rddreg [dreg:$0x2];
	[bflag:$0x3] =	sbarrier.arrive $0xFFFF;
	s2 =	simm.s32 @!p0 $0x1C02  }
0xd6: {  	[timem:s3], [sflag:s2] =	dma.local @!p0 [hbm:s0], s1  }
0xd7: {  	s0 =	simm.s32 @!p0 $0x2  }
0xd8: {  	_ =	swait.ge @!p0 [sflag:s0], s1  }
0xd9: {  	s1 =	ssub.s32 @!p0 $0x0, s1;
	[sflag:s0] =	ssyncset.done @!p0 $0x0  }
0xda: {  	[sflag:s0] =	ssyncadd.s32 @!p0 s1  }
0xdb: {  	[bflag:$0x3] =	sbarrier.arrive $0xFFFF  }
0xdc: {  	_ =	shalt  }

// kernel: kernel.30.cloned.1.call-start
scs
__scs_entry_jumppad:
0x0: {  	(pc) =	sbr.rel $0x88, $3  }
0x1: {  	(tag) =	ssettag $0x0;
	lr =	simm.s32 $0x1  }
0x2: {  	[smem:$0x3F8F] =	sst lr;
	_ =	strace $0xD0000000  }
0x3: {  	_ = 	snop  }
0x4: {  	_ = 	snop  }
0x5: {  	_ = 	snop  }
0x6: {  	_ = 	snop  }
0x7: {  	_ = 	snop  }
__scs_overlays_trampoline_lowered:
0x8: {  	[smem:$0x3F9E] =	sst s0  }
0x9: {  	[smem:$0x3F9F] =	sst s1  }
0xa: {  	[smem:$0x3FA0] =	sst s2  }
0xb: {  	[smem:$0x3FA1] =	sst s3  }
0xc: {  	[smem:$0x3FA2] =	sst s4  }
0xd: {  	[smem:$0x3FA3] =	sst s5  }
0xe: {  	[smem:$0x3FA4] =	sst s6  }
0xf: {  	[smem:$0x3FA5] =	sst s7  }
0x10: {  	[smem:$0x3FA6] =	sst s8  }
0x11: {  	[smem:$0x3FA7] =	sst s9;
	s0 =	simm.s32 @!p0 $0x0  }
0x12: {  	s1 =	sld [smem:$0x3F8D];
	s0 =	simm.s32 @p0 $0x1  }
0x13: {  	[smem:$0x3FA8] =	sst s0;
	s0 =	simm.s32 @!p1 $0x0  }
0x14: {  	s2 =	sld [smem:$0x3F8C];
	s0 =	simm.s32 @p1 $0x1  }
0x15: {  	[smem:$0x3FA9] =	sst s0;
	s0 =	simm.s32 @!p2 $0x0  }
0x16: {  	s3 =	sld [smem:$0x3FDB];
	s0 =	simm.s32 @p2 $0x1  }
0x17: {  	s4 =	simm.s32 $0x1BF5;
	[smem:$0x3FAB] =	sst s0  }
0x18: {  	s0 =	sld [smem:$0x3F8E];
	_ =	swait.ge [sflag:s4], $0x0  }
0x19: {  	s7 =	sld [smem:$0x3F8F]  }
0x1a: {  	s8 =	sadd.s32 $0xFFFFE003, lr  }
0x1b: {  	s9 =	sadd.s32 $0xFFFFFEF7, lr;
	s5 =	simm.s32 $0xFFFFFFFF;
	p2 =	slt.u32 s8, $0xFFFFF086  }
0x1c: {  	p1 =	slt.u32 s9, $0xF7A;
	s5 =	simm.s32 @!p2 $0x0  }
0x1d: {  	s5 =	simm.s32 @p1 $0x1;
	p0 =	seq.s32 s7, s2  }
0x1e: {  	s7 =	smul.u32 @!p0 $0xF7A, s2;
	p2 =	seq.s32 @!p0 s5, $0x0  }
0x1f: {  	s9 =	smul.u32 $0xF7A, s1;
	s8 =	simm.s32 @!p0 $0x1BF5;
	p2 =	por !p2, p0  }
0x20: {  	[sflag:s8] =	ssyncset.s32 @!p0 $0xFFFFF086;
	s6 =	sadd.s32 @!p0 s3, s7;
	s7 =	simm.s32 @!p0 $0x108  }
0x21: {  	s3 =	sadd.s32 s3, s9;
	s6 =	sadd.s32 @!p0 $0x88, s6;
	s7 =	simm.s32 @p2 $0x1082  }
0x22: {  	[simem:s7], [sflag:s8] =	dma.local @!p0 [hbm:s6], $0xF7A  }
0x23: {  	s9 =	sor.u32 $0xD0000000, s2;
	s6 =	simm.s32 $0x108;
	_ =	swait.ge @!p0 [sflag:s8], $0x0  }
0x24: {  	s3 =	sadd.s32 $0x88, s3;
	s6 =	simm.s32 @!p1 $0x1082;
	[sflag:s4] =	ssyncset.s32 $0xFFFFF086  }
0x25: {  	[simem:s6], [sflag:s4] =	dma.local [hbm:s3], $0xF7A  }
0x26: {  	[smem:$0x3F8F] =	sst s1;
	(tag) =	ssettag s2;
	_ =	strace s9  }
0x27: {  	s1 =	sld [smem:$0x3F9F]  }
0x28: {  	s2 =	sld [smem:$0x3FA0]  }
0x29: {  	s4 =	sld [smem:$0x3FA2]  }
0x2a: {  	p0 =	seq.s32 s5, $0x0;
	s5 =	sld [smem:$0x3FA3]  }
0x2b: {  	s6 =	sld [smem:$0x3FA4]  }
0x2c: {  	s7 =	sld [smem:$0x3FA5]  }
0x2d: {  	s3 =	simm.s32 $0x108;
	s8 =	sld [smem:$0x3FA6]  }
0x2e: {  	s3 =	simm.s32 @!p0 $0x1082;
	s9 =	sld [smem:$0x3FA7]  }
0x2f: {  	lr =	sadd.s32 s0, s3;
	s0 =	sld [smem:$0x3F9E]  }
0x30: {  	s3 =	sld [smem:$0x3FA1]  }
0x31: {  	[smem:$0x3FAA] =	sst s10  }
0x32: {  	s10 =	sld [smem:$0x3FA8];
	_ =	sdelay $0x3  }
0x33: {  	p0 =	seq.s32 s10, $0x1;
	s10 =	sld [smem:$0x3FAA];
	_ =	sdelay $0x3  }
0x34: {  	[smem:$0x3FAA] =	sst s10  }
0x35: {  	s10 =	sld [smem:$0x3FA9];
	_ =	sdelay $0x3  }
0x36: {  	p1 =	seq.s32 s10, $0x1;
	s10 =	sld [smem:$0x3FAA];
	_ =	sdelay $0x3  }
0x37: {  	[smem:$0x3FAA] =	sst s10  }
0x38: {  	s10 =	sld [smem:$0x3FAB]  }
0x39: {  	_ = 	snop;
	(pc) =	sbr.ind lr, $3  }
0x3a: {  	_ = 	snop  }
0x3b: {  	_ = 	snop  }
0x3c: {  	p2 =	seq.s32 s10, $0x1;
	s10 =	sld [smem:$0x3FAA]  }
0x3d: {  	_ =	shalt  }
0x3e: {  	_ =	shalt  }
0x3f: {  	_ =	shalt  }
0x40: {  	_ =	shalt  }
0x41: {  	_ =	shalt  }
0x42: {  	_ =	shalt  }
0x43: {  	_ =	shalt  }
0x44: {  	_ =	shalt  }
0x45: {  	_ =	shalt  }
0x46: {  	_ =	shalt  }
0x47: {  	_ =	shalt  }
0x48: {  	_ =	shalt  }
0x49: {  	_ =	shalt  }
0x4a: {  	_ =	shalt  }
0x4b: {  	_ =	shalt  }
0x4c: {  	_ =	shalt  }
0x4d: {  	_ =	shalt  }
0x4e: {  	_ =	shalt  }
0x4f: {  	_ =	shalt  }
0x50: {  	_ =	shalt  }
0x51: {  	_ =	shalt  }
0x52: {  	_ =	shalt  }
0x53: {  	_ =	shalt  }
0x54: {  	_ =	shalt  }
0x55: {  	_ =	shalt  }
0x56: {  	_ =	shalt  }
0x57: {  	_ =	shalt  }
0x58: {  	_ =	shalt  }
0x59: {  	_ =	shalt  }
0x5a: {  	_ =	shalt  }
0x5b: {  	_ =	shalt  }
0x5c: {  	_ =	shalt  }
0x5d: {  	_ =	shalt  }
0x5e: {  	_ =	shalt  }
0x5f: {  	_ =	shalt  }
0x60: {  	_ =	shalt  }
0x61: {  	_ =	shalt  }
0x62: {  	_ =	shalt  }
0x63: {  	_ =	shalt  }
0x64: {  	_ =	shalt  }
0x65: {  	_ =	shalt  }
0x66: {  	_ =	shalt  }
0x67: {  	_ =	shalt  }
0x68: {  	_ =	shalt  }
0x69: {  	_ =	shalt  }
0x6a: {  	_ =	shalt  }
0x6b: {  	_ =	shalt  }
0x6c: {  	_ =	shalt  }
0x6d: {  	_ =	shalt  }
0x6e: {  	_ =	shalt  }
0x6f: {  	_ =	shalt  }
0x70: {  	_ =	shalt  }
0x71: {  	_ =	shalt  }
0x72: {  	_ =	shalt  }
0x73: {  	_ =	shalt  }
0x74: {  	_ =	shalt  }
0x75: {  	_ =	shalt  }
0x76: {  	_ =	shalt  }
0x77: {  	_ =	shalt  }
0x78: {  	_ =	shalt  }
0x79: {  	_ =	shalt  }
0x7a: {  	_ =	shalt  }
0x7b: {  	_ =	shalt  }
0x7c: {  	_ =	shalt  }
0x7d: {  	_ =	shalt  }
0x7e: {  	_ =	shalt  }
0x7f: {  	_ =	shalt  }
0x80: {  	_ =	shalt  }
0x81: {  	_ =	shalt  }
0x82: {  	_ =	shalt  }
0x83: {  	_ =	shalt  }
0x84: {  	_ =	shalt  }
0x85: {  	_ =	shalt  }
0x86: {  	_ =	shalt  }
0x87: {  	_ =	shalt  }
.Lfunc_end0:
.L_simem_size_0:
called_computation.3_lowered:
.L_overlay_start_0:
0x88: {  	s2 =	sld [smem:$0x3FD9]  }
0x89: {  	s3 =	sld [smem:$0x3FFE];
	_ =	sdelay $0x1  }
0x8a: {  	s1 =	srdreg.scid  }
0x8b: {  	s0 =	sand.u32 $0x1, s1  }
0x8c: {  	s16 =	sshll.u32 s0, $0xA;
	s2 =	sadd.s32 s3, s2  }
0x8d: {  	s2 =	sadd.s32 s2, s16  }
0x8e: {  	[smem:$0x3FB6] =	sst s2  }
0x8f: {  	_ = 	snop  }
0x90: {  	(tm) =	ssettm $0x1  }
0x91: {  	s17 =	sld [smem:$0x3FFB];
	_ =	sdelay $0x3  }
0x92: {  	_ =	strace s17  }
0x93: {  	s2 =	sld [smem:$0x3FFC];
	_ =	sdelay $0x3  }
0x94: {  	_ =	strace s2  }
0x95: {  	s2 =	sld [smem:$0x3FFD];
	_ =	sdelay $0x3  }
0x96: {  	_ =	strace s2  }
0x97: {  	_ =	strace $0x8FFFFFFF  }
0x98: {  	s18 =	sld [smem:$0x3FDB];
	_ =	sdelay $0x1  }
0x99: {  	s19 =	simm.s32 $_scs_section_size  }
0x9a: {  	s4 =	simm.s32 $_size__tile_overlayer_lowered;
	s5 =	simm.s32 $_tile_overlayer_lowered  }
0x9b: {  	s22 =	simm.s32 $0x1BFF;
	s21 =	sshll.u32 s5, $0x1;
	s2 =	sadd.s32 s19, s18  }
0x9c: {  	s6 =	simm.s32 $0x0;
	s20 =	sshll.u32 s4, $0x1;
	s4 =	sadd.s32 s21, s2  }
0x9d: {  	[timem:s6], [sflag:s22] =	dma.local [hbm:s4], s20  }
0x9e: {  	_ =	swait.ge [sflag:s22], s20  }
0x9f: {  	s3 =	ssub.s32 $0x0, s20;
	[sflag:s22] =	ssyncset.done $0x0  }
0xa0: {  	[sflag:s22] =	ssyncadd.s32 s3;
	_ =	sdelay $0x1  }
0xa1: {  	s23 =	simm.s32 $0x1B8B  }
0xa2: {  	_ =	swait.ge [sflag:s23], $0x1  }
0xa3: {  	[sflag:s23] =	ssyncset.done $0x0  }
0xa4: {  	s25 =	simm.s32 $0x1B8E;
	s24 =	sld [smem:$0x3FFE];
	[sflag:s23] =	ssyncadd.s32 $0xFFFFFFFF  }
0xa5: {  	s26 =	simm.s32 $execute0_lowered;
	[smem:$0x3FD2] =	sst s25  }
0xa6: {  	s4 =	sshll.u32 s26, $0x1;
	_ =	strace $0x8000004F;
	[dreg:$0x1] =	wrdreg $0xFFFFFFFF  }
0xa7: {  	s28 =	simm.s32 $_size_execute0_lowered;
	s2 =	sadd.s32 s2, s4;
	[dreg:$0x0] =	wrdreg $0x0  }
0xa8: {  	s4 =	sshll.u32 s28, $0x1;
	[dreg:$0x2] =	wrdreg s2  }
0xa9: {  	[dreg:$0x3] =	wrdreg s4  }
0xaa: {  	[dreg:$0x4] =	wrdreg $0xC0  }
0xab: {  	_ =	task [dreg:s6], $0x5FFFF  }
0xac: {  	[dreg:$0x1] =	wrdreg $0xFFFFFFFF  }
0xad: {  	[dreg:$0x0] =	wrdreg $0x60  }
0xae: {  	[dreg:$0x2] =	wrdreg s24  }
0xaf: {  	[dreg:$0x3] =	wrdreg $0x9  }
0xb0: {  	_ =	task.clear_ibuf [dreg:s6], $0x4FFFF;
	_ =	strace $0x9000004F  }
0xb1: {  	s29 =	simm.s32 $0x9;
	_ =	strace $0x80000051  }
0xb2: {  	_ =	swait.ge [sflag:s29], $0x1  }
0xb3: {  	[sflag:s29] =	ssyncadd.s32 $0xFFFFFFFF  }
0xb4: {  	_ =	strace $0x90000051  }
0xb5: {  	_ =	sfence  }
0xb6: {  	s30 =	sld [smem:$0x0];
	_ =	sdelay $0x2  }
0xb7: {  	s31 =	sshll.u32 s1, $0xD;
	s1 =	sshrl.u32 s1, $0x2  }
0xb8: {  	s3 =	sand.u32 $0x4000, s31;
	s1 =	sadd.s32 s1, s30  }
0xb9: {  	s0 =	sor.u32 s3, s0;
	s1 =	sshll.u32 s1, $0x11  }
0xba: {  	s0 =	sor.u32 s1, s0  }
0xbb: {  	s0 =	sadd.s32 $0x8F2B, s0  }
0xbc: {  	[sflag:s0] =	ssyncadd.remote.s32 $0x1  }
0xbd: {  	_ =	sfence.sel $0xFFFF  }
0xbe: {  	[dreg:$0x0] =	wrdreg $0xFFFFFFFF;
	(pc) =	sbr.abs _section_cstart, $3  }
0xbf: {  	[dreg:$0x1] =	wrdreg $0xFFFFFFFF  }
0xc0: {  	_ =	task.clear_ibuf [dreg:s6], $0x2FFFF;
	_ =	strace $0x9FFFFFFF  }
0xc1: {  	(tm) =	ssettm $0x7FFFFFFF  }
tec
execute0_lowered:
.L_overlay_start_1:
0x0: {  	(tag) =	ssettag $0x1  }
0x1: {  	s1 =	srdreg.scid  }
0x2: {  	s0 =	stileid.u32;
	s1 =	sand.u32 $0x1, s1  }
0x3: {  	s2 =	sshll.u32 s0, $0x5;
	s3 =	sshll.u32 s1, $0x4  }
0x4: {  	s5 =	rddreg [dreg:$0x0];
	s3 =	sor.u32 s3, s2;
	s2 =	simm.s32 $0x0  }
0x5: {  	s26 =	simm.s32 $0x880;
	[smem:$0x7FF] =	sst s2  }
0x6: {  	s0 =	simm.s32 $0x1080;
	_ =	strace $0x80000050;
	[dreg:$0x4] =	wrdreg s26  }
0x7: {  	s6 =	simm.s32 $0x2080;
	[dreg:$0x5] =	wrdreg s0  }
0x8: {  	s7 =	simm.s32 $0x2880;
	[dreg:$0x7] =	wrdreg s6  }
0x9: {  	s8 =	simm.s32 $0x3080;
	[dreg:$0x8] =	wrdreg s7  }
0xa: {  	s9 =	simm.s32 $0x3880;
	[dreg:$0x9] =	wrdreg s8  }
0xb: {  	s10 =	simm.s32 $0x4080;
	[dreg:$0xa] =	wrdreg s9  }
0xc: {  	s11 =	simm.s32 $0x4880;
	[dreg:$0xb] =	wrdreg s10  }
0xd: {  	s12 =	simm.s32 $0x5080;
	[dreg:$0xc] =	wrdreg s11  }
0xe: {  	s13 =	simm.s32 $0x5880;
	[dreg:$0xd] =	wrdreg s12  }
0xf: {  	s14 =	simm.s32 $0x6080;
	[dreg:$0xe] =	wrdreg s13  }
0x10: {  	s15 =	simm.s32 $0x6880;
	[dreg:$0xf] =	wrdreg s14  }
0x11: {  	s16 =	simm.s32 $0x7080;
	s17 =	simm.s32 $0x7880;
	[dreg:$0x10] =	wrdreg s15  }
0x12: {  	s18 =	simm.s32 $0x8080;
	s19 =	simm.s32 $0x8880;
	[dreg:$0x11] =	wrdreg s16  }
0x13: {  	s20 =	simm.s32 $0x9080;
	s21 =	simm.s32 $0x9880;
	[dreg:$0x12] =	wrdreg s17  }
0x14: {  	s22 =	simm.s32 $0xA080;
	s23 =	simm.s32 $0xA880;
	[dreg:$0x13] =	wrdreg s18  }
0x15: {  	s24 =	simm.s32 $0xB880;
	s28 =	simm.s32 $0x16080;
	[dreg:$0x14] =	wrdreg s19  }
0x16: {  	s29 =	simm.s32 $0x16880;
	s30 =	simm.s32 $0x17080;
	[dreg:$0x15] =	wrdreg s20  }
0x17: {  	s31 =	simm.s32 $0x17880;
	s1 =	ssub.s32 $0x2, s1;
	[dreg:$0x16] =	wrdreg s21  }
0x18: {  	s4 =	sand.u32 $0xF0, s3;
	s3 =	sadd.s32 s3, s5;
	[dreg:$0x17] =	wrdreg s22  }
0x19: {  	s4 =	smul.u32 $0x300, s4;
	s3 =	sadd.s32 $0x128600, s3;
	[dreg:$0x18] =	wrdreg s23  }
0x1a: {  	s6 =	sshrl.u32 s1, $0x1;
	s7 =	simm.s32 $0xB080;
	[dreg:$0x1a] =	wrdreg s24  }
0x1b: {  	s8 =	simm.s32 $0x80;
	s26 =	simm.s32 $0xC880;
	s10 =	simm.s32 $0xD880  }
0x1c: {  	s11 =	simm.s32 $0xE080;
	s12 =	simm.s32 $0xE880;
	s13 =	simm.s32 $0xF080  }
0x1d: {  	s14 =	simm.s32 $0xF880;
	s15 =	simm.s32 $0x10080;
	s16 =	simm.s32 $0x10880  }
0x1e: {  	s17 =	simm.s32 $0x11080;
	s18 =	simm.s32 $0x11880;
	s19 =	simm.s32 $0x12080  }
0x1f: {  	s20 =	simm.s32 $0x12880;
	s21 =	simm.s32 $0x13080;
	s22 =	simm.s32 $0x13880  }
0x20: {  	s23 =	simm.s32 $0x14080;
	s24 =	simm.s32 $0x14880;
	[dreg:$0x2] =	wrdreg s3  }
0x21: {  	s3 =	sadd.s32 $0x36600, s5;
	s1 =	ssub.s32 s1, s6;
	[dreg:$0x19] =	wrdreg s7  }
0x22: {  	s7 =	simm.s32 $0x2;
	[dreg:$0x1c] =	wrdreg s26;
	s4 =	sadd.s32 s4, s5  }
0x23: {  	s26 =	simm.s32 $0x15880;
	s6 =	smax.u32 s1, $0x1;
	s25 =	sadd.s32 $0x6600, s4  }
0x24: {  	v2 =	vlaneseq.u32;
	s1 =	simm.s32 $0x1;
	s4 =	simm.s32 $0x1880;
	[dreg:$0x3] =	wrdreg s25  }
0x25: {  	vm0 =	vmmov $0xffff;
	v1 =	vshrl.u32 v2, $0x3;
	[dreg:$0x6] =	wrdreg s4;
	s4 =	sadd.s32 $0x36700, s5;
	s25 =	simm.s32 $0xC080  }
0x26: {  	v0 =	vand.u32 $0x7, v2;
	v2 =	vor.u32 $0x8, v2;
	v1 =	vmul.u32 $0x8, v1;
	s5 =	sadd.s32 $0x36800, s5;
	[dreg:$0x1b] =	wrdreg s25;
	s25 =	simm.s32 $0x15080  }
.LBB2_1:
0x27: {  	s0 =	rddreg [dreg:$0x2]  }
0x28: {  	[tilespmem:s2], [sflag:$0x2] =	stream.linear.gather [hbm4b:s0+s2], $0x80, $0x38;
	[tilespmem:$0x18080] =	vst v63  }
0x29: {  	_ =	swait.ge [sflag:s7], $0x80  }
0x2a: {  	[sflag:s7] =	ssyncset.done $0x0  }
0x2b: {  	s9 =	rddreg [dreg:$0x3];
	[sflag:s7] =	ssyncadd.s32 $0xFFFFFF80  }
0x2c: {  	[tilespmem:s8], [sflag:$0x2] =	stream.linear.gather [hbm4b:s9+s2], $0x18000, $0x38;
	[tilespmem:$0x18080] =	vst v63  }
0x2d: {  	_ =	swait.ge [sflag:s7], $0x18000  }
0x2e: {  	[sflag:s7] =	ssyncset.done $0x0  }
0x2f: {  	[sflag:s7] =	ssyncadd.s32 $0xFFFE8000  }
0x30: {  	v3 =	vld [tilespmem:$0x0];
	_ =	sdelay $0x4  }
0x31: {  	v4 =	vshrl.u32 v3, $0x3  }
0x32: {  	v4 =	vmul.u32 $0x30, v4  }
0x33: {  	v3 =	vand.u32 $0x7, v3  }
0x34: {  	v3 =	vor.u32 v3, v4  }
0x35: {  	v4 =	vperm.xlane v3, v0;
	_ =	sdelay $0x1  }
0x36: {  	v4 =	vadd.s32 v1, v4;
	_ =	sdelay $0x3  }
0x37: {  	v3 =	vperm.xlane v3, v2  }
0x38: {  	[hbm4b:s3+s2] =	stream.indirect_vreg.scatter [tilespmem:s8], [sflag:$0x1], $0x80, v4, vm0, $0xb8;
	[tilespmem:$0x18080] =	vst v63  }
0x39: {  	s0 =	rddreg [dreg:$0x4];
	v3 =	vadd.s32 v1, v3  }
0x3a: {  	[hbm4b:s4+s2] =	stream.indirect_vreg.scatter [tilespmem:s0], [sflag:$0x1], $0x80, v4, vm0, $0xb8;
	[tilespmem:$0x18080] =	vst v63  }
0x3b: {  	s9 =	rddreg [dreg:$0x5]  }
0x3c: {  	[hbm4b:s5+s2] =	stream.indirect_vreg.scatter [tilespmem:s9], [sflag:$0x1], $0x80, v4, vm0, $0xb8;
	[tilespmem:$0x18080] =	vst v63  }
0x3d: {  	s0 =	rddreg [dreg:$0x6]  }
0x3e: {  	[hbm4b:s3+s2] =	stream.indirect_vreg.scatter [tilespmem:s0], [sflag:$0x1], $0x80, v3, vm0, $0xb8;
	[tilespmem:$0x18080] =	vst v63  }
0x3f: {  	s9 =	rddreg [dreg:$0x7]  }
0x40: {  	[hbm4b:s4+s2] =	stream.indirect_vreg.scatter [tilespmem:s9], [sflag:$0x1], $0x80, v3, vm0, $0xb8;
	[tilespmem:$0x18080] =	vst v63  }
0x41: {  	s0 =	rddreg [dreg:$0x8]  }
0x42: {  	[hbm4b:s5+s2] =	stream.indirect_vreg.scatter [tilespmem:s0], [sflag:$0x1], $0x80, v3, vm0, $0xb8;
	[tilespmem:$0x18080] =	vst v63  }
0x43: {  	v3 =	vld [tilespmem:$0x10];
	_ =	sdelay $0x4  }
0x44: {  	v57 =	vshrl.u32 v3, $0x3  }
0x45: {  	v4 =	vmul.u32 $0x30, v57  }
0x46: {  	v3 =	vand.u32 $0x7, v3  }
0x47: {  	v3 =	vor.u32 v3, v4  }
0x48: {  	v4 =	vperm.xlane v3, v0;
	_ =	sdelay $0x1  }
0x49: {  	v4 =	vadd.s32 v1, v4;
	_ =	sdelay $0x3  }
0x4a: {  	s0 =	rddreg [dreg:$0x9];
	v3 =	vperm.xlane v3, v2  }
0x4b: {  	[hbm4b:s3+s2] =	stream.indirect_vreg.scatter [tilespmem:s0], [sflag:$0x1], $0x80, v4, vm0, $0xb8;
	[tilespmem:$0x18080] =	vst v63  }
0x4c: {  	s9 =	rddreg [dreg:$0xa];
	v3 =	vadd.s32 v1, v3  }
0x4d: {  	[hbm4b:s4+s2] =	stream.indirect_vreg.scatter [tilespmem:s9], [sflag:$0x1], $0x80, v4, vm0, $0xb8;
	[tilespmem:$0x18080] =	vst v63  }
0x4e: {  	s0 =	rddreg [dreg:$0xb]  }
0x4f: {  	[hbm4b:s5+s2] =	stream.indirect_vreg.scatter [tilespmem:s0], [sflag:$0x1], $0x80, v4, vm0, $0xb8;
	[tilespmem:$0x18080] =	vst v63  }
0x50: {  	s9 =	rddreg [dreg:$0xc]  }
0x51: {  	[hbm4b:s3+s2] =	stream.indirect_vreg.scatter [tilespmem:s9], [sflag:$0x1], $0x80, v3, vm0, $0xb8;
	[tilespmem:$0x18080] =	vst v63  }
0x52: {  	s0 =	rddreg [dreg:$0xd]  }
0x53: {  	[hbm4b:s4+s2] =	stream.indirect_vreg.scatter [tilespmem:s0], [sflag:$0x1], $0x80, v3, vm0, $0xb8;
	[tilespmem:$0x18080] =	vst v63  }
0x54: {  	s9 =	rddreg [dreg:$0xe]  }
0x55: {  	[hbm4b:s5+s2] =	stream.indirect_vreg.scatter [tilespmem:s9], [sflag:$0x1], $0x80, v3, vm0, $0xb8;
	[tilespmem:$0x18080] =	vst v63  }
0x56: {  	v3 =	vld [tilespmem:$0x20];
	_ =	sdelay $0x4  }
0x57: {  	v58 =	vshrl.u32 v3, $0x3  }
0x58: {  	v4 =	vmul.u32 $0x30, v58  }
0x59: {  	v3 =	vand.u32 $0x7, v3  }
0x5a: {  	v3 =	vor.u32 v3, v4  }
0x5b: {  	v4 =	vperm.xlane v3, v0;
	_ =	sdelay $0x1  }
0x5c: {  	v4 =	vadd.s32 v1, v4;
	_ =	sdelay $0x3  }
0x5d: {  	s0 =	rddreg [dreg:$0xf];
	v3 =	vperm.xlane v3, v2  }
0x5e: {  	[hbm4b:s3+s2] =	stream.indirect_vreg.scatter [tilespmem:s0], [sflag:$0x1], $0x80, v4, vm0, $0xb8;
	[tilespmem:$0x18080] =	vst v63  }
0x5f: {  	s9 =	rddreg [dreg:$0x10];
	v3 =	vadd.s32 v1, v3  }
0x60: {  	[hbm4b:s4+s2] =	stream.indirect_vreg.scatter [tilespmem:s9], [sflag:$0x1], $0x80, v4, vm0, $0xb8;
	[tilespmem:$0x18080] =	vst v63  }
0x61: {  	s0 =	rddreg [dreg:$0x11]  }
0x62: {  	[hbm4b:s5+s2] =	stream.indirect_vreg.scatter [tilespmem:s0], [sflag:$0x1], $0x80, v4, vm0, $0xb8;
	[tilespmem:$0x18080] =	vst v63  }
0x63: {  	s9 =	rddreg [dreg:$0x12]  }
0x64: {  	[hbm4b:s3+s2] =	stream.indirect_vreg.scatter [tilespmem:s9], [sflag:$0x1], $0x80, v3, vm0, $0xb8;
	[tilespmem:$0x18080] =	vst v63  }
0x65: {  	s0 =	rddreg [dreg:$0x13]  }
0x66: {  	[hbm4b:s4+s2] =	stream.indirect_vreg.scatter [tilespmem:s0], [sflag:$0x1], $0x80, v3, vm0, $0xb8;
	[tilespmem:$0x18080] =	vst v63  }
0x67: {  	s9 =	rddreg [dreg:$0x14]  }
0x68: {  	[hbm4b:s5+s2] =	stream.indirect_vreg.scatter [tilespmem:s9], [sflag:$0x1], $0x80, v3, vm0, $0xb8;
	[tilespmem:$0x18080] =	vst v63  }
0x69: {  	v3 =	vld [tilespmem:$0x30];
	_ =	sdelay $0x4  }
0x6a: {  	v59 =	vshrl.u32 v3, $0x3  }
0x6b: {  	v4 =	vmul.u32 $0x30, v59  }
0x6c: {  	v3 =	vand.u32 $0x7, v3  }
0x6d: {  	v3 =	vor.u32 v3, v4  }
0x6e: {  	v4 =	vperm.xlane v3, v0;
	_ =	sdelay $0x1  }
0x6f: {  	v4 =	vadd.s32 v1, v4;
	_ =	sdelay $0x3  }
0x70: {  	s0 =	rddreg [dreg:$0x15];
	v3 =	vperm.xlane v3, v2  }
0x71: {  	[hbm4b:s3+s2] =	stream.indirect_vreg.scatter [tilespmem:s0], [sflag:$0x1], $0x80, v4, vm0, $0xb8;
	[tilespmem:$0x18080] =	vst v63  }
0x72: {  	s9 =	rddreg [dreg:$0x16];
	v3 =	vadd.s32 v1, v3  }
0x73: {  	[hbm4b:s4+s2] =	stream.indirect_vreg.scatter [tilespmem:s9], [sflag:$0x1], $0x80, v4, vm0, $0xb8;
	[tilespmem:$0x18080] =	vst v63  }
0x74: {  	s0 =	rddreg [dreg:$0x17]  }
0x75: {  	[hbm4b:s5+s2] =	stream.indirect_vreg.scatter [tilespmem:s0], [sflag:$0x1], $0x80, v4, vm0, $0xb8;
	[tilespmem:$0x18080] =	vst v63  }
0x76: {  	s9 =	rddreg [dreg:$0x18]  }
0x77: {  	[hbm4b:s3+s2] =	stream.indirect_vreg.scatter [tilespmem:s9], [sflag:$0x1], $0x80, v3, vm0, $0xb8;
	[tilespmem:$0x18080] =	vst v63  }
0x78: {  	s0 =	rddreg [dreg:$0x19]  }
0x79: {  	[hbm4b:s4+s2] =	stream.indirect_vreg.scatter [tilespmem:s0], [sflag:$0x1], $0x80, v3, vm0, $0xb8;
	[tilespmem:$0x18080] =	vst v63  }
0x7a: {  	s9 =	rddreg [dreg:$0x1a]  }
0x7b: {  	[hbm4b:s5+s2] =	stream.indirect_vreg.scatter [tilespmem:s9], [sflag:$0x1], $0x80, v3, vm0, $0xb8;
	[tilespmem:$0x18080] =	vst v63  }
0x7c: {  	v3 =	vld [tilespmem:$0x40];
	_ =	sdelay $0x4  }
0x7d: {  	v60 =	vshrl.u32 v3, $0x3  }
0x7e: {  	v4 =	vmul.u32 $0x30, v60  }
0x7f: {  	v3 =	vand.u32 $0x7, v3  }
0x80: {  	v3 =	vor.u32 v3, v4  }
0x81: {  	v4 =	vperm.xlane v3, v0;
	_ =	sdelay $0x1  }
0x82: {  	v4 =	vadd.s32 v1, v4;
	_ =	sdelay $0x3  }
0x83: {  	s0 =	rddreg [dreg:$0x1b];
	v3 =	vperm.xlane v3, v2  }
0x84: {  	[hbm4b:s3+s2] =	stream.indirect_vreg.scatter [tilespmem:s0], [sflag:$0x1], $0x80, v4, vm0, $0xb8;
	[tilespmem:$0x18080] =	vst v63  }
0x85: {  	s9 =	rddreg [dreg:$0x1c];
	v3 =	vadd.s32 v1, v3  }
0x86: {  	[hbm4b:s4+s2] =	stream.indirect_vreg.scatter [tilespmem:s9], [sflag:$0x1], $0x80, v4, vm0, $0xb8;
	[tilespmem:$0x18080] =	vst v63  }
0x87: {  	s9 =	simm.s32 $0xD080  }
0x88: {  	[hbm4b:s5+s2] =	stream.indirect_vreg.scatter [tilespmem:s9], [sflag:$0x1], $0x80, v4, vm0, $0xb8;
	[tilespmem:$0x18080] =	vst v63  }
0x89: {  	_ = 	snop  }
0x8a: {  	[hbm4b:s3+s2] =	stream.indirect_vreg.scatter [tilespmem:s10], [sflag:$0x1], $0x80, v3, vm0, $0xb8;
	[tilespmem:$0x18080] =	vst v63  }
0x8b: {  	_ = 	snop  }
0x8c: {  	[hbm4b:s4+s2] =	stream.indirect_vreg.scatter [tilespmem:s11], [sflag:$0x1], $0x80, v3, vm0, $0xb8;
	[tilespmem:$0x18080] =	vst v63  }
0x8d: {  	_ = 	snop  }
0x8e: {  	[hbm4b:s5+s2] =	stream.indirect_vreg.scatter [tilespmem:s12], [sflag:$0x1], $0x80, v3, vm0, $0xb8;
	[tilespmem:$0x18080] =	vst v63  }
0x8f: {  	v3 =	vld [tilespmem:$0x50];
	_ =	sdelay $0x4  }
0x90: {  	v61 =	vshrl.u32 v3, $0x3  }
0x91: {  	v4 =	vmul.u32 $0x30, v61  }
0x92: {  	v3 =	vand.u32 $0x7, v3  }
0x93: {  	v3 =	vor.u32 v3, v4  }
0x94: {  	v4 =	vperm.xlane v3, v0;
	_ =	sdelay $0x1  }
0x95: {  	v4 =	vadd.s32 v1, v4;
	_ =	sdelay $0x3  }
0x96: {  	v3 =	vperm.xlane v3, v2  }
0x97: {  	[hbm4b:s3+s2] =	stream.indirect_vreg.scatter [tilespmem:s13], [sflag:$0x1], $0x80, v4, vm0, $0xb8;
	[tilespmem:$0x18080] =	vst v63  }
0x98: {  	v3 =	vadd.s32 v1, v3  }
0x99: {  	[hbm4b:s4+s2] =	stream.indirect_vreg.scatter [tilespmem:s14], [sflag:$0x1], $0x80, v4, vm0, $0xb8;
	[tilespmem:$0x18080] =	vst v63  }
0x9a: {  	_ = 	snop  }
0x9b: {  	[hbm4b:s5+s2] =	stream.indirect_vreg.scatter [tilespmem:s15], [sflag:$0x1], $0x80, v4, vm0, $0xb8;
	[tilespmem:$0x18080] =	vst v63  }
0x9c: {  	_ = 	snop  }
0x9d: {  	[hbm4b:s3+s2] =	stream.indirect_vreg.scatter [tilespmem:s16], [sflag:$0x1], $0x80, v3, vm0, $0xb8;
	[tilespmem:$0x18080] =	vst v63  }
0x9e: {  	_ = 	snop  }
0x9f: {  	[hbm4b:s4+s2] =	stream.indirect_vreg.scatter [tilespmem:s17], [sflag:$0x1], $0x80, v3, vm0, $0xb8;
	[tilespmem:$0x18080] =	vst v63  }
0xa0: {  	_ = 	snop  }
0xa1: {  	[hbm4b:s5+s2] =	stream.indirect_vreg.scatter [tilespmem:s18], [sflag:$0x1], $0x80, v3, vm0, $0xb8;
	[tilespmem:$0x18080] =	vst v63  }
0xa2: {  	v3 =	vld [tilespmem:$0x60];
	_ =	sdelay $0x4  }
0xa3: {  	v62 =	vshrl.u32 v3, $0x3  }
0xa4: {  	v4 =	vmul.u32 $0x30, v62  }
0xa5: {  	v3 =	vand.u32 $0x7, v3  }
0xa6: {  	v3 =	vor.u32 v3, v4  }
0xa7: {  	v4 =	vperm.xlane v3, v0;
	_ =	sdelay $0x1  }
0xa8: {  	v4 =	vadd.s32 v1, v4;
	_ =	sdelay $0x3  }
0xa9: {  	v3 =	vperm.xlane v3, v2  }
0xaa: {  	[hbm4b:s3+s2] =	stream.indirect_vreg.scatter [tilespmem:s19], [sflag:$0x1], $0x80, v4, vm0, $0xb8;
	[tilespmem:$0x18080] =	vst v63  }
0xab: {  	v3 =	vadd.s32 v1, v3  }
0xac: {  	[hbm4b:s4+s2] =	stream.indirect_vreg.scatter [tilespmem:s20], [sflag:$0x1], $0x80, v4, vm0, $0xb8;
	[tilespmem:$0x18080] =	vst v63  }
0xad: {  	_ = 	snop  }
0xae: {  	[hbm4b:s5+s2] =	stream.indirect_vreg.scatter [tilespmem:s21], [sflag:$0x1], $0x80, v4, vm0, $0xb8;
	[tilespmem:$0x18080] =	vst v63  }
0xaf: {  	_ = 	snop  }
0xb0: {  	[hbm4b:s3+s2] =	stream.indirect_vreg.scatter [tilespmem:s22], [sflag:$0x1], $0x80, v3, vm0, $0xb8;
	[tilespmem:$0x18080] =	vst v63  }
0xb1: {  	_ = 	snop  }
0xb2: {  	[hbm4b:s4+s2] =	stream.indirect_vreg.scatter [tilespmem:s23], [sflag:$0x1], $0x80, v3, vm0, $0xb8;
	[tilespmem:$0x18080] =	vst v63  }
0xb3: {  	_ = 	snop  }
0xb4: {  	[hbm4b:s5+s2] =	stream.indirect_vreg.scatter [tilespmem:s24], [sflag:$0x1], $0x80, v3, vm0, $0xb8;
	[tilespmem:$0x18080] =	vst v63  }
0xb5: {  	v3 =	vld [tilespmem:$0x70];
	_ =	sdelay $0x4  }
0xb6: {  	v63 =	vshrl.u32 v3, $0x3  }
0xb7: {  	v4 =	vmul.u32 $0x30, v63  }
0xb8: {  	v3 =	vand.u32 $0x7, v3  }
0xb9: {  	v3 =	vor.u32 v3, v4  }
0xba: {  	v4 =	vperm.xlane v3, v0;
	_ =	sdelay $0x1  }
0xbb: {  	v4 =	vadd.s32 v1, v4;
	_ =	sdelay $0x3  }
0xbc: {  	v3 =	vperm.xlane v3, v2  }
0xbd: {  	[hbm4b:s3+s2] =	stream.indirect_vreg.scatter [tilespmem:s25], [sflag:$0x1], $0x80, v4, vm0, $0xb8;
	[tilespmem:$0x18080] =	vst v63  }
0xbe: {  	v3 =	vadd.s32 v1, v3  }
0xbf: {  	[hbm4b:s4+s2] =	stream.indirect_vreg.scatter [tilespmem:s26], [sflag:$0x1], $0x80, v4, vm0, $0xb8;
	[tilespmem:$0x18080] =	vst v63  }
0xc0: {  	_ = 	snop  }
0xc1: {  	[hbm4b:s5+s2] =	stream.indirect_vreg.scatter [tilespmem:s28], [sflag:$0x1], $0x80, v4, vm0, $0xb8;
	[tilespmem:$0x18080] =	vst v63  }
0xc2: {  	_ = 	snop  }
0xc3: {  	[hbm4b:s3+s2] =	stream.indirect_vreg.scatter [tilespmem:s29], [sflag:$0x1], $0x80, v3, vm0, $0xb8;
	[tilespmem:$0x18080] =	vst v63  }
0xc4: {  	p0 =	sne.s32 s6, $0x1  }
0xc5: {  	[hbm4b:s4+s2] =	stream.indirect_vreg.scatter [tilespmem:s30], [sflag:$0x1], $0x80, v3, vm0, $0xb8;
	[tilespmem:$0x18080] =	vst v63  }
.Ltmp0:
0xc6: {  	_ = 	snop;
	(pc) =	sbr.rel @p0 .LBB2_1-.Ltmp0, $4  }
0xc7: {  	[hbm4b:s5+s2] =	stream.indirect_vreg.scatter [tilespmem:s31], [sflag:$0x1], $0x80, v3, vm0, $0xb8;
	[tilespmem:$0x18080] =	vst v63  }
0xc8: {  	_ =	swait.ge [sflag:s1], $0x18000  }
0xc9: {  	[sflag:s1] =	ssyncset.done $0x0  }
0xca: {  	s6 =	sadd.s32 $0xFFFFFFFF, s6;
	[sflag:s1] =	ssyncadd.s32 $0xFFFE8000  }
0xcb: {  	_ =	sfence.sel $0x180000  }
0xcc: {  	[bflag:$0x0] =	sbarrier.arrive $0xFFFF  }
0xcd: {  	_ =	strace $0x90000050  }
0xce: {  	s0 =	stileid.u32;
	[bflag:$0x2] =	sbarrier.arrive $0xFFFF  }
0xcf: {  	p0 =	sne.s32 s0, $0x0;
	s0 =	rddreg [dreg:$0x1]  }
0xd0: {  	s0 =	sadd.s32 @!p0 $0x100000, s0  }
0xd1: {  	[sflag:s0] =	ssyncadd.tile.s32 @!p0 $0x1;
	_ =	shalt  }
.Lfunc_end2:
_tile_overlayer_lowered:
.L_overlay_start_2:
0xd2: {  	(tag) =	ssettag $0x2  }
0xd3: {  	s0 =	rddreg [dreg:$0x0];
	s2 =	stileid.u32  }
0xd4: {  	s1 =	rddreg [dreg:$0x1];
	p0 =	sne.s32 s2, $0x0  }
0xd5: {  	s3 =	rddreg [dreg:$0x2];
	[bflag:$0x3] =	sbarrier.arrive $0xFFFF;
	s2 =	simm.s32 @!p0 $0x1C02  }
0xd6: {  	[timem:s3], [sflag:s2] =	dma.local @!p0 [hbm:s0], s1  }
0xd7: {  	s0 =	simm.s32 @!p0 $0x2  }
0xd8: {  	_ =	swait.ge @!p0 [sflag:s0], s1  }
0xd9: {  	s1 =	ssub.s32 @!p0 $0x0, s1;
	[sflag:s0] =	ssyncset.done @!p0 $0x0  }
0xda: {  	[sflag:s0] =	ssyncadd.s32 @!p0 s1  }
0xdb: {  	[bflag:$0x3] =	sbarrier.arrive $0xFFFF  }
0xdc: {  	_ =	shalt  }

// kernel: kernel.33.cloned.1.call-start
scs
__scs_entry_jumppad:
0x0: {  	(pc) =	sbr.rel $0x88, $3  }
0x1: {  	(tag) =	ssettag $0x0;
	lr =	simm.s32 $0x1  }
0x2: {  	[smem:$0x3F8F] =	sst lr;
	_ =	strace $0xD0000000  }
0x3: {  	_ = 	snop  }
0x4: {  	_ = 	snop  }
0x5: {  	_ = 	snop  }
0x6: {  	_ = 	snop  }
0x7: {  	_ = 	snop  }
__scs_overlays_trampoline_lowered:
0x8: {  	[smem:$0x3F9E] =	sst s0  }
0x9: {  	[smem:$0x3F9F] =	sst s1  }
0xa: {  	[smem:$0x3FA0] =	sst s2  }
0xb: {  	[smem:$0x3FA1] =	sst s3  }
0xc: {  	[smem:$0x3FA2] =	sst s4  }
0xd: {  	[smem:$0x3FA3] =	sst s5  }
0xe: {  	[smem:$0x3FA4] =	sst s6  }
0xf: {  	[smem:$0x3FA5] =	sst s7  }
0x10: {  	[smem:$0x3FA6] =	sst s8  }
0x11: {  	[smem:$0x3FA7] =	sst s9;
	s0 =	simm.s32 @!p0 $0x0  }
0x12: {  	s1 =	sld [smem:$0x3F8D];
	s0 =	simm.s32 @p0 $0x1  }
0x13: {  	[smem:$0x3FA8] =	sst s0;
	s0 =	simm.s32 @!p1 $0x0  }
0x14: {  	s2 =	sld [smem:$0x3F8C];
	s0 =	simm.s32 @p1 $0x1  }
0x15: {  	[smem:$0x3FA9] =	sst s0;
	s0 =	simm.s32 @!p2 $0x0  }
0x16: {  	s3 =	sld [smem:$0x3FDB];
	s0 =	simm.s32 @p2 $0x1  }
0x17: {  	s4 =	simm.s32 $0x1BF5;
	[smem:$0x3FAB] =	sst s0  }
0x18: {  	s0 =	sld [smem:$0x3F8E];
	_ =	swait.ge [sflag:s4], $0x0  }
0x19: {  	s7 =	sld [smem:$0x3F8F]  }
0x1a: {  	s8 =	sadd.s32 $0xFFFFE003, lr  }
0x1b: {  	s9 =	sadd.s32 $0xFFFFFEF7, lr;
	s5 =	simm.s32 $0xFFFFFFFF;
	p2 =	slt.u32 s8, $0xFFFFF086  }
0x1c: {  	p1 =	slt.u32 s9, $0xF7A;
	s5 =	simm.s32 @!p2 $0x0  }
0x1d: {  	s5 =	simm.s32 @p1 $0x1;
	p0 =	seq.s32 s7, s2  }
0x1e: {  	s7 =	smul.u32 @!p0 $0xF7A, s2;
	p2 =	seq.s32 @!p0 s5, $0x0  }
0x1f: {  	s9 =	smul.u32 $0xF7A, s1;
	s8 =	simm.s32 @!p0 $0x1BF5;
	p2 =	por !p2, p0  }
0x20: {  	[sflag:s8] =	ssyncset.s32 @!p0 $0xFFFFF086;
	s6 =	sadd.s32 @!p0 s3, s7;
	s7 =	simm.s32 @!p0 $0x108  }
0x21: {  	s3 =	sadd.s32 s3, s9;
	s6 =	sadd.s32 @!p0 $0x88, s6;
	s7 =	simm.s32 @p2 $0x1082  }
0x22: {  	[simem:s7], [sflag:s8] =	dma.local @!p0 [hbm:s6], $0xF7A  }
0x23: {  	s9 =	sor.u32 $0xD0000000, s2;
	s6 =	simm.s32 $0x108;
	_ =	swait.ge @!p0 [sflag:s8], $0x0  }
0x24: {  	s3 =	sadd.s32 $0x88, s3;
	s6 =	simm.s32 @!p1 $0x1082;
	[sflag:s4] =	ssyncset.s32 $0xFFFFF086  }
0x25: {  	[simem:s6], [sflag:s4] =	dma.local [hbm:s3], $0xF7A  }
0x26: {  	[smem:$0x3F8F] =	sst s1;
	(tag) =	ssettag s2;
	_ =	strace s9  }
0x27: {  	s1 =	sld [smem:$0x3F9F]  }
0x28: {  	s2 =	sld [smem:$0x3FA0]  }
0x29: {  	s4 =	sld [smem:$0x3FA2]  }
0x2a: {  	p0 =	seq.s32 s5, $0x0;
	s5 =	sld [smem:$0x3FA3]  }
0x2b: {  	s6 =	sld [smem:$0x3FA4]  }
0x2c: {  	s7 =	sld [smem:$0x3FA5]  }
0x2d: {  	s3 =	simm.s32 $0x108;
	s8 =	sld [smem:$0x3FA6]  }
0x2e: {  	s3 =	simm.s32 @!p0 $0x1082;
	s9 =	sld [smem:$0x3FA7]  }
0x2f: {  	lr =	sadd.s32 s0, s3;
	s0 =	sld [smem:$0x3F9E]  }
0x30: {  	s3 =	sld [smem:$0x3FA1]  }
0x31: {  	[smem:$0x3FAA] =	sst s10  }
0x32: {  	s10 =	sld [smem:$0x3FA8];
	_ =	sdelay $0x3  }
0x33: {  	p0 =	seq.s32 s10, $0x1;
	s10 =	sld [smem:$0x3FAA];
	_ =	sdelay $0x3  }
0x34: {  	[smem:$0x3FAA] =	sst s10  }
0x35: {  	s10 =	sld [smem:$0x3FA9];
	_ =	sdelay $0x3  }
0x36: {  	p1 =	seq.s32 s10, $0x1;
	s10 =	sld [smem:$0x3FAA];
	_ =	sdelay $0x3  }
0x37: {  	[smem:$0x3FAA] =	sst s10  }
0x38: {  	s10 =	sld [smem:$0x3FAB]  }
0x39: {  	_ = 	snop;
	(pc) =	sbr.ind lr, $3  }
0x3a: {  	_ = 	snop  }
0x3b: {  	_ = 	snop  }
0x3c: {  	p2 =	seq.s32 s10, $0x1;
	s10 =	sld [smem:$0x3FAA]  }
0x3d: {  	_ =	shalt  }
0x3e: {  	_ =	shalt  }
0x3f: {  	_ =	shalt  }
0x40: {  	_ =	shalt  }
0x41: {  	_ =	shalt  }
0x42: {  	_ =	shalt  }
0x43: {  	_ =	shalt  }
0x44: {  	_ =	shalt  }
0x45: {  	_ =	shalt  }
0x46: {  	_ =	shalt  }
0x47: {  	_ =	shalt  }
0x48: {  	_ =	shalt  }
0x49: {  	_ =	shalt  }
0x4a: {  	_ =	shalt  }
0x4b: {  	_ =	shalt  }
0x4c: {  	_ =	shalt  }
0x4d: {  	_ =	shalt  }
0x4e: {  	_ =	shalt  }
0x4f: {  	_ =	shalt  }
0x50: {  	_ =	shalt  }
0x51: {  	_ =	shalt  }
0x52: {  	_ =	shalt  }
0x53: {  	_ =	shalt  }
0x54: {  	_ =	shalt  }
0x55: {  	_ =	shalt  }
0x56: {  	_ =	shalt  }
0x57: {  	_ =	shalt  }
0x58: {  	_ =	shalt  }
0x59: {  	_ =	shalt  }
0x5a: {  	_ =	shalt  }
0x5b: {  	_ =	shalt  }
0x5c: {  	_ =	shalt  }
0x5d: {  	_ =	shalt  }
0x5e: {  	_ =	shalt  }
0x5f: {  	_ =	shalt  }
0x60: {  	_ =	shalt  }
0x61: {  	_ =	shalt  }
0x62: {  	_ =	shalt  }
0x63: {  	_ =	shalt  }
0x64: {  	_ =	shalt  }
0x65: {  	_ =	shalt  }
0x66: {  	_ =	shalt  }
0x67: {  	_ =	shalt  }
0x68: {  	_ =	shalt  }
0x69: {  	_ =	shalt  }
0x6a: {  	_ =	shalt  }
0x6b: {  	_ =	shalt  }
0x6c: {  	_ =	shalt  }
0x6d: {  	_ =	shalt  }
0x6e: {  	_ =	shalt  }
0x6f: {  	_ =	shalt  }
0x70: {  	_ =	shalt  }
0x71: {  	_ =	shalt  }
0x72: {  	_ =	shalt  }
0x73: {  	_ =	shalt  }
0x74: {  	_ =	shalt  }
0x75: {  	_ =	shalt  }
0x76: {  	_ =	shalt  }
0x77: {  	_ =	shalt  }
0x78: {  	_ =	shalt  }
0x79: {  	_ =	shalt  }
0x7a: {  	_ =	shalt  }
0x7b: {  	_ =	shalt  }
0x7c: {  	_ =	shalt  }
0x7d: {  	_ =	shalt  }
0x7e: {  	_ =	shalt  }
0x7f: {  	_ =	shalt  }
0x80: {  	_ =	shalt  }
0x81: {  	_ =	shalt  }
0x82: {  	_ =	shalt  }
0x83: {  	_ =	shalt  }
0x84: {  	_ =	shalt  }
0x85: {  	_ =	shalt  }
0x86: {  	_ =	shalt  }
0x87: {  	_ =	shalt  }
.Lfunc_end0:
.L_simem_size_0:
called_computation.4_lowered:
.L_overlay_start_0:
0x88: {  	s2 =	sld [smem:$0x3FD9]  }
0x89: {  	s3 =	sld [smem:$0x3FFE];
	_ =	sdelay $0x1  }
0x8a: {  	s1 =	srdreg.scid  }
0x8b: {  	s0 =	sand.u32 $0x1, s1  }
0x8c: {  	s14 =	sshll.u32 s0, $0xA;
	s2 =	sadd.s32 s3, s2  }
0x8d: {  	s2 =	sadd.s32 s2, s14  }
0x8e: {  	[smem:$0x3FB6] =	sst s2  }
0x8f: {  	_ = 	snop  }
0x90: {  	s2 =	sld [smem:$0x3FD0];
	_ =	sdelay $0x2  }
0x91: {  	s15 =	simm.s32 $0xA;
	s4 =	simm.s32 $0x10  }
0x92: {  	[smem:s4], [sflag:s15] =	dma.local [hbm:s2], $0x1  }
0x93: {  	_ =	swait.eq [sflag:s15], $0x1  }
0x94: {  	[sflag:s15] =	ssyncset.done $0x0  }
0x95: {  	[sflag:s15] =	ssyncadd.s32 $0xFFFFFFFF  }
0x96: {  	s16 =	sld [smem:$0x10];
	(tm) =	ssettm $0x1  }
0x97: {  	s17 =	sld [smem:$0x3FFB];
	_ =	sdelay $0x3  }
0x98: {  	_ =	strace s17  }
0x99: {  	s3 =	sld [smem:$0x3FFC];
	_ =	sdelay $0x3  }
0x9a: {  	_ =	strace s3  }
0x9b: {  	s3 =	sld [smem:$0x3FFD];
	_ =	sdelay $0x3  }
0x9c: {  	_ =	strace s3  }
0x9d: {  	_ =	strace $0x8FFFFFFF  }
0x9e: {  	s18 =	sld [smem:$0x3FDB];
	_ =	sdelay $0x1  }
0x9f: {  	s19 =	simm.s32 $_scs_section_size  }
0xa0: {  	s5 =	simm.s32 $_size__tile_overlayer_lowered;
	s6 =	simm.s32 $_tile_overlayer_lowered  }
0xa1: {  	s22 =	simm.s32 $0x1BFF;
	s21 =	sshll.u32 s6, $0x1;
	s3 =	sadd.s32 s19, s18  }
0xa2: {  	s7 =	simm.s32 $0x0;
	s20 =	sshll.u32 s5, $0x1;
	s5 =	sadd.s32 s21, s3  }
0xa3: {  	[timem:s7], [sflag:s22] =	dma.local [hbm:s5], s20  }
0xa4: {  	_ =	swait.ge [sflag:s22], s20  }
0xa5: {  	s4 =	ssub.s32 $0x0, s20;
	[sflag:s22] =	ssyncset.done $0x0  }
0xa6: {  	[sflag:s22] =	ssyncadd.s32 s4;
	_ =	sdelay $0x1  }
0xa7: {  	s23 =	simm.s32 $0x1B8B  }
0xa8: {  	_ =	swait.ge [sflag:s23], $0x1  }
0xa9: {  	[sflag:s23] =	ssyncset.done $0x0  }
0xaa: {  	s25 =	simm.s32 $0x1B8E;
	s24 =	sld [smem:$0x3FFE];
	[sflag:s23] =	ssyncadd.s32 $0xFFFFFFFF  }
0xab: {  	s26 =	simm.s32 $execute0_lowered;
	[smem:$0x3FD2] =	sst s25  }
0xac: {  	s5 =	sshll.u32 s26, $0x1;
	_ =	strace $0x80000052;
	[dreg:$0x1] =	wrdreg $0xFFFFFFFF  }
0xad: {  	s28 =	simm.s32 $_size_execute0_lowered;
	s3 =	sadd.s32 s3, s5;
	[dreg:$0x0] =	wrdreg $0x0  }
0xae: {  	s5 =	sshll.u32 s28, $0x1;
	[dreg:$0x2] =	wrdreg s3  }
0xaf: {  	[dreg:$0x3] =	wrdreg s5  }
0xb0: {  	[dreg:$0x4] =	wrdreg $0xC0  }
0xb1: {  	_ =	task [dreg:s7], $0x5FFFF  }
0xb2: {  	[dreg:$0x1] =	wrdreg $0xFFFFFFFF  }
0xb3: {  	[dreg:$0x0] =	wrdreg $0x60  }
0xb4: {  	[dreg:$0x2] =	wrdreg s24  }
0xb5: {  	[dreg:$0x3] =	wrdreg s16  }
0xb6: {  	[dreg:$0x4] =	wrdreg $0x9  }
0xb7: {  	_ =	task.clear_ibuf [dreg:s7], $0x5FFFF;
	_ =	strace $0x90000052  }
0xb8: {  	s29 =	simm.s32 $0x9;
	_ =	strace $0x80000054  }
0xb9: {  	_ =	swait.ge [sflag:s29], $0x1  }
0xba: {  	[sflag:s29] =	ssyncadd.s32 $0xFFFFFFFF  }
0xbb: {  	_ =	strace $0x90000054  }
0xbc: {  	_ =	sfence  }
0xbd: {  	s30 =	sld [smem:$0x0];
	_ =	sdelay $0x2  }
0xbe: {  	s31 =	sshll.u32 s1, $0xD;
	s1 =	sshrl.u32 s1, $0x2  }
0xbf: {  	s3 =	sand.u32 $0x4000, s31;
	s1 =	sadd.s32 s1, s30  }
0xc0: {  	s0 =	sor.u32 s3, s0;
	s1 =	sshll.u32 s1, $0x11  }
0xc1: {  	s0 =	sor.u32 s1, s0  }
0xc2: {  	s0 =	sadd.s32 $0x8F2B, s0  }
0xc3: {  	[sflag:s0] =	ssyncadd.remote.s32 $0x1  }
0xc4: {  	_ =	sfence.sel $0xFFFF  }
0xc5: {  	[dreg:$0x0] =	wrdreg $0xFFFFFFFF;
	(pc) =	sbr.abs _section_cstart, $3  }
0xc6: {  	[dreg:$0x1] =	wrdreg $0xFFFFFFFF  }
0xc7: {  	_ =	task.clear_ibuf [dreg:s7], $0x2FFFF;
	_ =	strace $0x9FFFFFFF  }
0xc8: {  	(tm) =	ssettm $0x7FFFFFFF  }
0xc9: {  	_ =	shalt  }
tec
execute0_lowered:
.L_overlay_start_1:
0x0: {  	(tag) =	ssettag $0x1  }
0x1: {  	s1 =	srdreg.scid  }
0x2: {  	s0 =	stileid.u32;
	s1 =	sand.u32 $0x1, s1  }
0x3: {  	s4 =	rddreg [dreg:$0x0];
	s3 =	sshll.u32 s0, $0x5;
	s5 =	sshll.u32 s1, $0x4  }
0x4: {  	s2 =	rddreg [dreg:$0x1];
	s5 =	sor.u32 s5, s3;
	s3 =	simm.s32 $0x0  }
0x5: {  	s25 =	simm.s32 $0x880;
	[smem:$0x7FF] =	sst s3  }
0x6: {  	s26 =	simm.s32 $0x1080;
	_ =	strace $0x80000053;
	[dreg:$0x5] =	wrdreg s25  }
0x7: {  	s0 =	simm.s32 $0x1880;
	[dreg:$0x6] =	wrdreg s26  }
0x8: {  	s7 =	simm.s32 $0x3080;
	[dreg:$0x7] =	wrdreg s0  }
0x9: {  	s8 =	simm.s32 $0x3880;
	[dreg:$0xa] =	wrdreg s7  }
0xa: {  	s9 =	simm.s32 $0x4080;
	[dreg:$0xb] =	wrdreg s8  }
0xb: {  	s10 =	simm.s32 $0x4880;
	[dreg:$0xc] =	wrdreg s9  }
0xc: {  	s11 =	simm.s32 $0x5080;
	[dreg:$0xd] =	wrdreg s10  }
0xd: {  	s12 =	simm.s32 $0x5880;
	s13 =	simm.s32 $0x6080;
	[dreg:$0xe] =	wrdreg s11  }
0xe: {  	s14 =	simm.s32 $0x6880;
	s15 =	simm.s32 $0x7080;
	[dreg:$0xf] =	wrdreg s12  }
0xf: {  	s16 =	simm.s32 $0x7880;
	s17 =	simm.s32 $0x8080;
	[dreg:$0x10] =	wrdreg s13  }
0x10: {  	s18 =	simm.s32 $0x8880;
	s19 =	simm.s32 $0x9080;
	[dreg:$0x11] =	wrdreg s14  }
0x11: {  	s21 =	simm.s32 $0x9880;
	s22 =	simm.s32 $0xA080;
	[dreg:$0x12] =	wrdreg s15  }
0x12: {  	s23 =	simm.s32 $0xA880;
	s24 =	simm.s32 $0xB880;
	[dreg:$0x13] =	wrdreg s16  }
0x13: {  	s28 =	simm.s32 $0x16080;
	s29 =	simm.s32 $0x16880;
	[dreg:$0x14] =	wrdreg s17  }
0x14: {  	s30 =	simm.s32 $0x17080;
	s1 =	ssub.s32 $0x2, s1;
	[dreg:$0x15] =	wrdreg s18  }
0x15: {  	s31 =	simm.s32 $0x17880;
	s20 =	sshrl.u32 s1, $0x1;
	[dreg:$0x16] =	wrdreg s19  }
0x16: {  	s6 =	smul.u32 $0x300, s5;
	s5 =	sadd.s32 s5, s4;
	[dreg:$0x17] =	wrdreg s21  }
0x17: {  	s1 =	ssub.s32 s1, s20;
	s20 =	simm.s32 $0x12880;
	[dreg:$0x18] =	wrdreg s22  }
0x18: {  	s5 =	sadd.s32 $0x128800, s5;
	[dreg:$0x19] =	wrdreg s23;
	s7 =	simm.s32 $0xB080  }
0x19: {  	[dreg:$0x1b] =	wrdreg s24;
	s25 =	simm.s32 $0xC080;
	s8 =	simm.s32 $0x80  }
0x1a: {  	s26 =	simm.s32 $0xC880;
	s10 =	simm.s32 $0xD880;
	s11 =	simm.s32 $0xE080  }
0x1b: {  	s12 =	simm.s32 $0xE880;
	s13 =	simm.s32 $0xF080;
	s14 =	simm.s32 $0xF880  }
0x1c: {  	s15 =	simm.s32 $0x10080;
	s16 =	simm.s32 $0x10880;
	s17 =	simm.s32 $0x11080  }
0x1d: {  	s18 =	simm.s32 $0x11880;
	s19 =	simm.s32 $0x12080;
	s21 =	simm.s32 $0x13080  }
0x1e: {  	s22 =	simm.s32 $0x13880;
	s23 =	simm.s32 $0x14080;
	[dreg:$0x3] =	wrdreg s5  }
0x1f: {  	s24 =	simm.s32 $0x14880;
	s4 =	sadd.s32 s6, s4;
	[dreg:$0x1a] =	wrdreg s7  }
0x20: {  	s5 =	simm.s32 $0x2080;
	s6 =	simm.s32 $0x2880;
	[dreg:$0x1c] =	wrdreg s25  }
0x21: {  	s7 =	simm.s32 $0x2;
	[dreg:$0x1d] =	wrdreg s26;
	s25 =	simm.s32 $0x15080  }
0x22: {  	v2 =	vlaneseq.u32;
	s26 =	simm.s32 $0x15880;
	s4 =	sadd.s32 $0x36600, s4;
	[dreg:$0x8] =	wrdreg s5  }
0x23: {  	vm0 =	vmmov $0xffff;
	v1 =	vshrl.u32 v2, $0x3;
	[dreg:$0x9] =	wrdreg s6;
	s5 =	sadd.s32 $0x200, s2;
	s6 =	smax.u32 s1, $0x1  }
0x24: {  	v0 =	vand.u32 $0x7, v2;
	v2 =	vor.u32 $0x8, v2;
	v1 =	vmul.u32 $0x8, v1;
	s1 =	simm.s32 $0x1;
	[dreg:$0x4] =	wrdreg s4;
	s4 =	sadd.s32 $0x100, s2  }
.LBB2_1:
0x25: {  	s0 =	rddreg [dreg:$0x3]  }
0x26: {  	[tilespmem:s3], [sflag:$0x2] =	stream.linear.gather [hbm4b:s0+s3], $0x80, $0x38;
	[tilespmem:$0x18080] =	vst v63  }
0x27: {  	_ =	swait.ge [sflag:s7], $0x80  }
0x28: {  	[sflag:s7] =	ssyncset.done $0x0  }
0x29: {  	[sflag:s7] =	ssyncadd.s32 $0xFFFFFF80  }
0x2a: {  	v3 =	vld [tilespmem:$0x0];
	_ =	sdelay $0x4  }
0x2b: {  	v4 =	vshrl.u32 v3, $0x3  }
0x2c: {  	v4 =	vmul.u32 $0x30, v4  }
0x2d: {  	v3 =	vand.u32 $0x7, v3  }
0x2e: {  	v3 =	vor.u32 v3, v4  }
0x2f: {  	v4 =	vperm.xlane v3, v0;
	_ =	sdelay $0x1  }
0x30: {  	v4 =	vadd.s32 v1, v4;
	_ =	sdelay $0x3  }
0x31: {  	v3 =	vperm.xlane v3, v2  }
0x32: {  	[tilespmem:s8], [sflag:$0x1] =	stream.indirect_vreg.gather [hbm4b:s2+s3], $0x80, v4, vm0, $0xb8;
	[tilespmem:$0x18080] =	vst v63  }
0x33: {  	s0 =	rddreg [dreg:$0x5];
	v3 =	vadd.s32 v1, v3  }
0x34: {  	[tilespmem:s0], [sflag:$0x1] =	stream.indirect_vreg.gather [hbm4b:s4+s3], $0x80, v4, vm0, $0xb8;
	[tilespmem:$0x18080] =	vst v63  }
0x35: {  	s9 =	rddreg [dreg:$0x6]  }
0x36: {  	[tilespmem:s9], [sflag:$0x1] =	stream.indirect_vreg.gather [hbm4b:s5+s3], $0x80, v4, vm0, $0xb8;
	[tilespmem:$0x18080] =	vst v63  }
0x37: {  	s0 =	rddreg [dreg:$0x7]  }
0x38: {  	[tilespmem:s0], [sflag:$0x1] =	stream.indirect_vreg.gather [hbm4b:s2+s3], $0x80, v3, vm0, $0xb8;
	[tilespmem:$0x18080] =	vst v63  }
0x39: {  	s9 =	rddreg [dreg:$0x8]  }
0x3a: {  	[tilespmem:s9], [sflag:$0x1] =	stream.indirect_vreg.gather [hbm4b:s4+s3], $0x80, v3, vm0, $0xb8;
	[tilespmem:$0x18080] =	vst v63  }
0x3b: {  	s0 =	rddreg [dreg:$0x9]  }
0x3c: {  	[tilespmem:s0], [sflag:$0x1] =	stream.indirect_vreg.gather [hbm4b:s5+s3], $0x80, v3, vm0, $0xb8;
	[tilespmem:$0x18080] =	vst v63  }
0x3d: {  	v3 =	vld [tilespmem:$0x10];
	_ =	sdelay $0x4  }
0x3e: {  	v57 =	vshrl.u32 v3, $0x3  }
0x3f: {  	v4 =	vmul.u32 $0x30, v57  }
0x40: {  	v3 =	vand.u32 $0x7, v3  }
0x41: {  	v3 =	vor.u32 v3, v4  }
0x42: {  	v4 =	vperm.xlane v3, v0;
	_ =	sdelay $0x1  }
0x43: {  	v4 =	vadd.s32 v1, v4;
	_ =	sdelay $0x3  }
0x44: {  	s0 =	rddreg [dreg:$0xa];
	v3 =	vperm.xlane v3, v2  }
0x45: {  	[tilespmem:s0], [sflag:$0x1] =	stream.indirect_vreg.gather [hbm4b:s2+s3], $0x80, v4, vm0, $0xb8;
	[tilespmem:$0x18080] =	vst v63  }
0x46: {  	s9 =	rddreg [dreg:$0xb];
	v3 =	vadd.s32 v1, v3  }
0x47: {  	[tilespmem:s9], [sflag:$0x1] =	stream.indirect_vreg.gather [hbm4b:s4+s3], $0x80, v4, vm0, $0xb8;
	[tilespmem:$0x18080] =	vst v63  }
0x48: {  	s0 =	rddreg [dreg:$0xc]  }
0x49: {  	[tilespmem:s0], [sflag:$0x1] =	stream.indirect_vreg.gather [hbm4b:s5+s3], $0x80, v4, vm0, $0xb8;
	[tilespmem:$0x18080] =	vst v63  }
0x4a: {  	s9 =	rddreg [dreg:$0xd]  }
0x4b: {  	[tilespmem:s9], [sflag:$0x1] =	stream.indirect_vreg.gather [hbm4b:s2+s3], $0x80, v3, vm0, $0xb8;
	[tilespmem:$0x18080] =	vst v63  }
0x4c: {  	s0 =	rddreg [dreg:$0xe]  }
0x4d: {  	[tilespmem:s0], [sflag:$0x1] =	stream.indirect_vreg.gather [hbm4b:s4+s3], $0x80, v3, vm0, $0xb8;
	[tilespmem:$0x18080] =	vst v63  }
0x4e: {  	s9 =	rddreg [dreg:$0xf]  }
0x4f: {  	[tilespmem:s9], [sflag:$0x1] =	stream.indirect_vreg.gather [hbm4b:s5+s3], $0x80, v3, vm0, $0xb8;
	[tilespmem:$0x18080] =	vst v63  }
0x50: {  	v3 =	vld [tilespmem:$0x20];
	_ =	sdelay $0x4  }
0x51: {  	v58 =	vshrl.u32 v3, $0x3  }
0x52: {  	v4 =	vmul.u32 $0x30, v58  }
0x53: {  	v3 =	vand.u32 $0x7, v3  }
0x54: {  	v3 =	vor.u32 v3, v4  }
0x55: {  	v4 =	vperm.xlane v3, v0;
	_ =	sdelay $0x1  }
0x56: {  	v4 =	vadd.s32 v1, v4;
	_ =	sdelay $0x3  }
0x57: {  	s0 =	rddreg [dreg:$0x10];
	v3 =	vperm.xlane v3, v2  }
0x58: {  	[tilespmem:s0], [sflag:$0x1] =	stream.indirect_vreg.gather [hbm4b:s2+s3], $0x80, v4, vm0, $0xb8;
	[tilespmem:$0x18080] =	vst v63  }
0x59: {  	s9 =	rddreg [dreg:$0x11];
	v3 =	vadd.s32 v1, v3  }
0x5a: {  	[tilespmem:s9], [sflag:$0x1] =	stream.indirect_vreg.gather [hbm4b:s4+s3], $0x80, v4, vm0, $0xb8;
	[tilespmem:$0x18080] =	vst v63  }
0x5b: {  	s0 =	rddreg [dreg:$0x12]  }
0x5c: {  	[tilespmem:s0], [sflag:$0x1] =	stream.indirect_vreg.gather [hbm4b:s5+s3], $0x80, v4, vm0, $0xb8;
	[tilespmem:$0x18080] =	vst v63  }
0x5d: {  	s9 =	rddreg [dreg:$0x13]  }
0x5e: {  	[tilespmem:s9], [sflag:$0x1] =	stream.indirect_vreg.gather [hbm4b:s2+s3], $0x80, v3, vm0, $0xb8;
	[tilespmem:$0x18080] =	vst v63  }
0x5f: {  	s0 =	rddreg [dreg:$0x14]  }
0x60: {  	[tilespmem:s0], [sflag:$0x1] =	stream.indirect_vreg.gather [hbm4b:s4+s3], $0x80, v3, vm0, $0xb8;
	[tilespmem:$0x18080] =	vst v63  }
0x61: {  	s9 =	rddreg [dreg:$0x15]  }
0x62: {  	[tilespmem:s9], [sflag:$0x1] =	stream.indirect_vreg.gather [hbm4b:s5+s3], $0x80, v3, vm0, $0xb8;
	[tilespmem:$0x18080] =	vst v63  }
0x63: {  	v3 =	vld [tilespmem:$0x30];
	_ =	sdelay $0x4  }
0x64: {  	v59 =	vshrl.u32 v3, $0x3  }
0x65: {  	v4 =	vmul.u32 $0x30, v59  }
0x66: {  	v3 =	vand.u32 $0x7, v3  }
0x67: {  	v3 =	vor.u32 v3, v4  }
0x68: {  	v4 =	vperm.xlane v3, v0;
	_ =	sdelay $0x1  }
0x69: {  	v4 =	vadd.s32 v1, v4;
	_ =	sdelay $0x3  }
0x6a: {  	s0 =	rddreg [dreg:$0x16];
	v3 =	vperm.xlane v3, v2  }
0x6b: {  	[tilespmem:s0], [sflag:$0x1] =	stream.indirect_vreg.gather [hbm4b:s2+s3], $0x80, v4, vm0, $0xb8;
	[tilespmem:$0x18080] =	vst v63  }
0x6c: {  	s9 =	rddreg [dreg:$0x17];
	v3 =	vadd.s32 v1, v3  }
0x6d: {  	[tilespmem:s9], [sflag:$0x1] =	stream.indirect_vreg.gather [hbm4b:s4+s3], $0x80, v4, vm0, $0xb8;
	[tilespmem:$0x18080] =	vst v63  }
0x6e: {  	s0 =	rddreg [dreg:$0x18]  }
0x6f: {  	[tilespmem:s0], [sflag:$0x1] =	stream.indirect_vreg.gather [hbm4b:s5+s3], $0x80, v4, vm0, $0xb8;
	[tilespmem:$0x18080] =	vst v63  }
0x70: {  	s9 =	rddreg [dreg:$0x19]  }
0x71: {  	[tilespmem:s9], [sflag:$0x1] =	stream.indirect_vreg.gather [hbm4b:s2+s3], $0x80, v3, vm0, $0xb8;
	[tilespmem:$0x18080] =	vst v63  }
0x72: {  	s0 =	rddreg [dreg:$0x1a]  }
0x73: {  	[tilespmem:s0], [sflag:$0x1] =	stream.indirect_vreg.gather [hbm4b:s4+s3], $0x80, v3, vm0, $0xb8;
	[tilespmem:$0x18080] =	vst v63  }
0x74: {  	s9 =	rddreg [dreg:$0x1b]  }
0x75: {  	[tilespmem:s9], [sflag:$0x1] =	stream.indirect_vreg.gather [hbm4b:s5+s3], $0x80, v3, vm0, $0xb8;
	[tilespmem:$0x18080] =	vst v63  }
0x76: {  	v3 =	vld [tilespmem:$0x40];
	_ =	sdelay $0x4  }
0x77: {  	v60 =	vshrl.u32 v3, $0x3  }
0x78: {  	v4 =	vmul.u32 $0x30, v60  }
0x79: {  	v3 =	vand.u32 $0x7, v3  }
0x7a: {  	v3 =	vor.u32 v3, v4  }
0x7b: {  	v4 =	vperm.xlane v3, v0;
	_ =	sdelay $0x1  }
0x7c: {  	v4 =	vadd.s32 v1, v4;
	_ =	sdelay $0x3  }
0x7d: {  	s0 =	rddreg [dreg:$0x1c];
	v3 =	vperm.xlane v3, v2  }
0x7e: {  	[tilespmem:s0], [sflag:$0x1] =	stream.indirect_vreg.gather [hbm4b:s2+s3], $0x80, v4, vm0, $0xb8;
	[tilespmem:$0x18080] =	vst v63  }
0x7f: {  	s9 =	rddreg [dreg:$0x1d];
	v3 =	vadd.s32 v1, v3  }
0x80: {  	[tilespmem:s9], [sflag:$0x1] =	stream.indirect_vreg.gather [hbm4b:s4+s3], $0x80, v4, vm0, $0xb8;
	[tilespmem:$0x18080] =	vst v63  }
0x81: {  	s9 =	simm.s32 $0xD080  }
0x82: {  	[tilespmem:s9], [sflag:$0x1] =	stream.indirect_vreg.gather [hbm4b:s5+s3], $0x80, v4, vm0, $0xb8;
	[tilespmem:$0x18080] =	vst v63  }
0x83: {  	_ = 	snop  }
0x84: {  	[tilespmem:s10], [sflag:$0x1] =	stream.indirect_vreg.gather [hbm4b:s2+s3], $0x80, v3, vm0, $0xb8;
	[tilespmem:$0x18080] =	vst v63  }
0x85: {  	_ = 	snop  }
0x86: {  	[tilespmem:s11], [sflag:$0x1] =	stream.indirect_vreg.gather [hbm4b:s4+s3], $0x80, v3, vm0, $0xb8;
	[tilespmem:$0x18080] =	vst v63  }
0x87: {  	_ = 	snop  }
0x88: {  	[tilespmem:s12], [sflag:$0x1] =	stream.indirect_vreg.gather [hbm4b:s5+s3], $0x80, v3, vm0, $0xb8;
	[tilespmem:$0x18080] =	vst v63  }
0x89: {  	v3 =	vld [tilespmem:$0x50];
	_ =	sdelay $0x4  }
0x8a: {  	v61 =	vshrl.u32 v3, $0x3  }
0x8b: {  	v4 =	vmul.u32 $0x30, v61  }
0x8c: {  	v3 =	vand.u32 $0x7, v3  }
0x8d: {  	v3 =	vor.u32 v3, v4  }
0x8e: {  	v4 =	vperm.xlane v3, v0;
	_ =	sdelay $0x1  }
0x8f: {  	v4 =	vadd.s32 v1, v4;
	_ =	sdelay $0x3  }
0x90: {  	v3 =	vperm.xlane v3, v2  }
0x91: {  	[tilespmem:s13], [sflag:$0x1] =	stream.indirect_vreg.gather [hbm4b:s2+s3], $0x80, v4, vm0, $0xb8;
	[tilespmem:$0x18080] =	vst v63  }
0x92: {  	v3 =	vadd.s32 v1, v3  }
0x93: {  	[tilespmem:s14], [sflag:$0x1] =	stream.indirect_vreg.gather [hbm4b:s4+s3], $0x80, v4, vm0, $0xb8;
	[tilespmem:$0x18080] =	vst v63  }
0x94: {  	_ = 	snop  }
0x95: {  	[tilespmem:s15], [sflag:$0x1] =	stream.indirect_vreg.gather [hbm4b:s5+s3], $0x80, v4, vm0, $0xb8;
	[tilespmem:$0x18080] =	vst v63  }
0x96: {  	_ = 	snop  }
0x97: {  	[tilespmem:s16], [sflag:$0x1] =	stream.indirect_vreg.gather [hbm4b:s2+s3], $0x80, v3, vm0, $0xb8;
	[tilespmem:$0x18080] =	vst v63  }
0x98: {  	_ = 	snop  }
0x99: {  	[tilespmem:s17], [sflag:$0x1] =	stream.indirect_vreg.gather [hbm4b:s4+s3], $0x80, v3, vm0, $0xb8;
	[tilespmem:$0x18080] =	vst v63  }
0x9a: {  	_ = 	snop  }
0x9b: {  	[tilespmem:s18], [sflag:$0x1] =	stream.indirect_vreg.gather [hbm4b:s5+s3], $0x80, v3, vm0, $0xb8;
	[tilespmem:$0x18080] =	vst v63  }
0x9c: {  	v3 =	vld [tilespmem:$0x60];
	_ =	sdelay $0x4  }
0x9d: {  	v62 =	vshrl.u32 v3, $0x3  }
0x9e: {  	v4 =	vmul.u32 $0x30, v62  }
0x9f: {  	v3 =	vand.u32 $0x7, v3  }
0xa0: {  	v3 =	vor.u32 v3, v4  }
0xa1: {  	v4 =	vperm.xlane v3, v0;
	_ =	sdelay $0x1  }
0xa2: {  	v4 =	vadd.s32 v1, v4;
	_ =	sdelay $0x3  }
0xa3: {  	v3 =	vperm.xlane v3, v2  }
0xa4: {  	[tilespmem:s19], [sflag:$0x1] =	stream.indirect_vreg.gather [hbm4b:s2+s3], $0x80, v4, vm0, $0xb8;
	[tilespmem:$0x18080] =	vst v63  }
0xa5: {  	v3 =	vadd.s32 v1, v3  }
0xa6: {  	[tilespmem:s20], [sflag:$0x1] =	stream.indirect_vreg.gather [hbm4b:s4+s3], $0x80, v4, vm0, $0xb8;
	[tilespmem:$0x18080] =	vst v63  }
0xa7: {  	_ = 	snop  }
0xa8: {  	[tilespmem:s21], [sflag:$0x1] =	stream.indirect_vreg.gather [hbm4b:s5+s3], $0x80, v4, vm0, $0xb8;
	[tilespmem:$0x18080] =	vst v63  }
0xa9: {  	_ = 	snop  }
0xaa: {  	[tilespmem:s22], [sflag:$0x1] =	stream.indirect_vreg.gather [hbm4b:s2+s3], $0x80, v3, vm0, $0xb8;
	[tilespmem:$0x18080] =	vst v63  }
0xab: {  	_ = 	snop  }
0xac: {  	[tilespmem:s23], [sflag:$0x1] =	stream.indirect_vreg.gather [hbm4b:s4+s3], $0x80, v3, vm0, $0xb8;
	[tilespmem:$0x18080] =	vst v63  }
0xad: {  	_ = 	snop  }
0xae: {  	[tilespmem:s24], [sflag:$0x1] =	stream.indirect_vreg.gather [hbm4b:s5+s3], $0x80, v3, vm0, $0xb8;
	[tilespmem:$0x18080] =	vst v63  }
0xaf: {  	v3 =	vld [tilespmem:$0x70];
	_ =	sdelay $0x4  }
0xb0: {  	v63 =	vshrl.u32 v3, $0x3  }
0xb1: {  	v4 =	vmul.u32 $0x30, v63  }
0xb2: {  	v3 =	vand.u32 $0x7, v3  }
0xb3: {  	v3 =	vor.u32 v3, v4  }
0xb4: {  	v4 =	vperm.xlane v3, v0;
	_ =	sdelay $0x1  }
0xb5: {  	v4 =	vadd.s32 v1, v4;
	_ =	sdelay $0x3  }
0xb6: {  	v3 =	vperm.xlane v3, v2  }
0xb7: {  	[tilespmem:s25], [sflag:$0x1] =	stream.indirect_vreg.gather [hbm4b:s2+s3], $0x80, v4, vm0, $0xb8;
	[tilespmem:$0x18080] =	vst v63  }
0xb8: {  	v3 =	vadd.s32 v1, v3  }
0xb9: {  	[tilespmem:s26], [sflag:$0x1] =	stream.indirect_vreg.gather [hbm4b:s4+s3], $0x80, v4, vm0, $0xb8;
	[tilespmem:$0x18080] =	vst v63  }
0xba: {  	_ = 	snop  }
0xbb: {  	[tilespmem:s28], [sflag:$0x1] =	stream.indirect_vreg.gather [hbm4b:s5+s3], $0x80, v4, vm0, $0xb8;
	[tilespmem:$0x18080] =	vst v63  }
0xbc: {  	_ = 	snop  }
0xbd: {  	[tilespmem:s29], [sflag:$0x1] =	stream.indirect_vreg.gather [hbm4b:s2+s3], $0x80, v3, vm0, $0xb8;
	[tilespmem:$0x18080] =	vst v63  }
0xbe: {  	_ = 	snop  }
0xbf: {  	[tilespmem:s30], [sflag:$0x1] =	stream.indirect_vreg.gather [hbm4b:s4+s3], $0x80, v3, vm0, $0xb8;
	[tilespmem:$0x18080] =	vst v63  }
0xc0: {  	_ = 	snop  }
0xc1: {  	[tilespmem:s31], [sflag:$0x1] =	stream.indirect_vreg.gather [hbm4b:s5+s3], $0x80, v3, vm0, $0xb8;
	[tilespmem:$0x18080] =	vst v63  }
0xc2: {  	_ =	swait.ge [sflag:s1], $0x18000  }
0xc3: {  	p0 =	sne.s32 s6, $0x1;
	[sflag:s1] =	ssyncset.done $0x0  }
.Ltmp0:
0xc4: {  	s9 =	rddreg [dreg:$0x4];
	[sflag:s1] =	ssyncadd.s32 $0xFFFE8000;
	(pc) =	sbr.rel @p0 .LBB2_1-.Ltmp0, $4  }
0xc5: {  	[hbm4b:s9+s3] =	stream.linear.scatter [tilespmem:s8], [sflag:$0x2], $0x18000, $0x38;
	[tilespmem:$0x18080] =	vst v63  }
0xc6: {  	_ =	swait.ge [sflag:s7], $0x18000  }
0xc7: {  	[sflag:s7] =	ssyncset.done $0x0  }
0xc8: {  	s6 =	sadd.s32 $0xFFFFFFFF, s6;
	[sflag:s7] =	ssyncadd.s32 $0xFFFE8000  }
0xc9: {  	_ =	sfence.sel $0x180000  }
0xca: {  	[bflag:$0x0] =	sbarrier.arrive $0xFFFF  }
0xcb: {  	_ =	strace $0x90000053  }
0xcc: {  	s0 =	stileid.u32;
	[bflag:$0x2] =	sbarrier.arrive $0xFFFF  }
0xcd: {  	p0 =	sne.s32 s0, $0x0;
	s0 =	rddreg [dreg:$0x2]  }
0xce: {  	s0 =	sadd.s32 @!p0 $0x100000, s0  }
0xcf: {  	[sflag:s0] =	ssyncadd.tile.s32 @!p0 $0x1;
	_ =	shalt  }
.Lfunc_end2:
_tile_overlayer_lowered:
.L_overlay_start_2:
0xd0: {  	(tag) =	ssettag $0x2  }
0xd1: {  	s0 =	rddreg [dreg:$0x0];
	s2 =	stileid.u32  }
0xd2: {  	s1 =	rddreg [dreg:$0x1];
	p0 =	sne.s32 s2, $0x0  }
0xd3: {  	s3 =	rddreg [dreg:$0x2];
	[bflag:$0x3] =	sbarrier.arrive $0xFFFF;
	s2 =	simm.s32 @!p0 $0x1C02  }
0xd4: {  	[timem:s3], [sflag:s2] =	dma.local @!p0 [hbm:s0], s1  }
0xd5: {  	s0 =	simm.s32 @!p0 $0x2  }
0xd6: {  	_ =	swait.ge @!p0 [sflag:s0], s1  }
0xd7: {  	s1 =	ssub.s32 @!p0 $0x0, s1;
	[sflag:s0] =	ssyncset.done @!p0 $0x0  }
0xd8: {  	[sflag:s0] =	ssyncadd.s32 @!p0 s1  }
0xd9: {  	[bflag:$0x3] =	sbarrier.arrive $0xFFFF  }
0xda: {  	_ =	shalt  }

</sc_bundles>
